<compile_context>
chip_gen: v7x
topology: tpu7x:2x2x1
jax: 0.10.2.dev20260603
libtpu: 0.0.44.dev20260713+nightly
codegen_flags: <defaults>
</compile_context>

<pallas_src>
import functools
import math

import jax
import jax.numpy as jnp
from jax import lax
from jax.experimental import pallas as pl
from jax.experimental.pallas import tpu as pltpu
from jax.experimental.pallas import tpu_sc as plsc

N = 20000
NUM_CLASSES = 81
IMG_W = 1024.0
IMG_H = 1024.0
SCORE_THRESH = 0.05
NMS_THRESH = 0.5
DETECTIONS_PER_IMG = 100
PRE_NMS_TOPK = 300
BBOX_XFORM_CLIP = math.log(1000.0 / 16.0)
WX, WY, WW, WH = 10.0, 10.0, 5.0, 5.0
TO_REMOVE = 1.0
C = NUM_CLASSES - 1

N_PAD = 20480
ROWS_PER_BLK = 2048
SORT_W = 1024
REG_B = 304
PAD_IDX = 1 << 29
NEG = -3.0e38



def _softmax_t_body(logits_ref, out_ref):
    i = pl.program_id(0)
    x = logits_ref[...]
    m = jnp.max(x, axis=-1, keepdims=True)
    e = jnp.exp(x - m)
    p = e / jnp.sum(e, axis=-1, keepdims=True)
    row = i * ROWS_PER_BLK + lax.broadcasted_iota(jnp.int32, x.shape, 0)
    p = jnp.where(row < N, p, -1.0)
    out_ref[...] = p.T


def _softmax_t(class_logits):
    return pl.pallas_call(
        _softmax_t_body,
        grid=(N_PAD // ROWS_PER_BLK,),
        in_specs=[pl.BlockSpec((ROWS_PER_BLK, NUM_CLASSES), lambda i: (i, 0))],
        out_specs=pl.BlockSpec((NUM_CLASSES, ROWS_PER_BLK), lambda i: (0, i)),
        out_shape=jax.ShapeDtypeStruct((NUM_CLASSES, N_PAD), jnp.float32),
    )(class_logits)



def _thresh_body(pt_ref, t_ref):
    p = pt_ref[...]

    def body(k, tu):
        bit = (jnp.uint32(1) << (30 - k).astype(jnp.uint32))
        cand = tu | bit
        cand_f = lax.bitcast_convert_type(cand, jnp.float32)
        cnt = jnp.sum((p >= cand_f).astype(jnp.float32), axis=1, keepdims=True)
        return jnp.where(cnt >= PRE_NMS_TOPK, cand, tu)

    tu = lax.fori_loop(0, 31, body,
                       jnp.zeros((NUM_CLASSES, 1), dtype=jnp.uint32))
    t_ref[...] = lax.bitcast_convert_type(tu, jnp.float32)


def _thresh(probs_t):
    return pl.pallas_call(
        _thresh_body,
        out_shape=jax.ShapeDtypeStruct((NUM_CLASSES, 1), jnp.float32),
    )(probs_t)



def _compact_sc(probs_t, t_pad):
    info = plsc.get_sparse_core_info()
    nc, ns = info.num_cores, info.num_subcores
    nw = nc * ns
    n_chunks = N_PAD // 16

    mesh = plsc.VectorSubcoreMesh(core_axis_name="c", subcore_axis_name="s")

    @functools.partial(
        pl.kernel,
        mesh=mesh,
        out_type=[
            jax.ShapeDtypeStruct((C, SORT_W), jnp.int32),
            jax.ShapeDtypeStruct((C, SORT_W), jnp.float32),
        ],
        scratch_types=[
            pltpu.VMEM((N_PAD,), jnp.float32),
            pltpu.VMEM((SORT_W,), jnp.int32),
            pltpu.VMEM((SORT_W,), jnp.float32),
            pltpu.VMEM((16,), jnp.float32),
        ],
        compiler_params=pltpu.CompilerParams(needs_layout_passes=False),
    )
    def k(pt_hbm, t_hbm, oidx_hbm, oval_hbm, col_v, idx_v, val_v, t16_v):
        wid = lax.axis_index("s") * nc + lax.axis_index("c")

        def do_class(cls):
            pltpu.sync_copy(t_hbm.at[cls - 1], t16_v)
            tvec = t16_v[...]

            pad_i = jnp.full((16,), PAD_IDX, dtype=jnp.int32)
            pad_v = jnp.full((16,), NEG, dtype=jnp.float32)

            def initb(i, carry):
                idx_v[pl.ds(pl.multiple_of(i * 16, 16), 16)] = pad_i
                val_v[pl.ds(pl.multiple_of(i * 16, 16), 16)] = pad_v
                return carry

            lax.fori_loop(0, SORT_W // 16, initb, 0)

            pltpu.sync_copy(pt_hbm.at[cls], col_v)

            iota16 = lax.iota(jnp.int32, 16)
            zero = jnp.zeros((16,), dtype=jnp.int32)

            def chunk(i, carry):
                na, nb, idxv = carry
                v = col_v[pl.ds(pl.multiple_of(i * 16, 16), 16)]
                m_a = v > tvec
                m_b = v == tvec
                ca = plsc.cumsum(jnp.where(m_a, 1, 0))
                cb = plsc.cumsum(jnp.where(m_b, 1, 0))
                pos_a = na + ca - 1
                pos_b = nb + cb - 1 + REG_B
                m_b2 = jnp.logical_and(m_b, pos_b < 2 * REG_B)
                plsc.store_scatter(idx_v, [pos_a], idxv, mask=m_a)
                plsc.store_scatter(val_v, [pos_a], v, mask=m_a)
                plsc.store_scatter(idx_v, [pos_b], idxv, mask=m_b2)
                plsc.store_scatter(val_v, [pos_b], v, mask=m_b2)
                na2 = na + plsc.all_reduce_population_count(m_a)
                nb2 = nb + plsc.all_reduce_population_count(m_b)
                return na2, nb2, idxv + 16

            lax.fori_loop(0, n_chunks, chunk, (zero, zero, iota16))

            pltpu.sync_copy(idx_v, oidx_hbm.at[cls - 1])
            pltpu.sync_copy(val_v, oval_hbm.at[cls - 1])

        for t in range(3):
            cls = 1 + wid + nw * t

            @pl.when(cls <= C)
            def _():
                do_class(cls)

    return k(probs_t, t_pad)



def _decode_nms_body(px1, py1, px2, py2, rdx, rdy, rdw, rdh, s_ref,
                     bx1, by1, bx2, by2, out_s,
                     tx1, ty1, tx2, ty2, ts, ot, supp_ref):
    widths = px2[...] - px1[...] + TO_REMOVE
    heights = py2[...] - py1[...] + TO_REMOVE
    ctr_x = px1[...] + 0.5 * widths
    ctr_y = py1[...] + 0.5 * heights
    dx = rdx[...] * (1.0 / WX)
    dy = rdy[...] * (1.0 / WY)
    dw = jnp.minimum(rdw[...] * (1.0 / WW), BBOX_XFORM_CLIP)
    dh = jnp.minimum(rdh[...] * (1.0 / WH), BBOX_XFORM_CLIP)
    pred_ctr_x = dx * widths + ctr_x
    pred_ctr_y = dy * heights + ctr_y
    pred_w = jnp.exp(dw) * widths
    pred_h = jnp.exp(dh) * heights
    x1 = jnp.clip(pred_ctr_x - 0.5 * pred_w, 0.0, IMG_W - TO_REMOVE)
    y1 = jnp.clip(pred_ctr_y - 0.5 * pred_h, 0.0, IMG_H - TO_REMOVE)
    x2 = jnp.clip(pred_ctr_x + 0.5 * pred_w - 1.0, 0.0, IMG_W - TO_REMOVE)
    y2 = jnp.clip(pred_ctr_y + 0.5 * pred_h - 1.0, 0.0, IMG_H - TO_REMOVE)
    bx1[...] = x1
    by1[...] = y1
    bx2[...] = x2
    by2[...] = y2

    x1t = x1.T
    y1t = y1.T
    x2t = x2.T
    y2t = y2.T
    st = s_ref[...].T
    tx1[...] = x1t
    ty1[...] = y1t
    tx2[...] = x2t
    ty2[...] = y2t
    ts[...] = st

    areas = (x2t - x1t + TO_REMOVE) * (y2t - y1t + TO_REMOVE)
    supp_ref[...] = (st <= SCORE_THRESH).astype(jnp.int32)

    def body(i, _):
        x1i = tx1[pl.ds(i, 1), :]
        y1i = ty1[pl.ds(i, 1), :]
        x2i = tx2[pl.ds(i, 1), :]
        y2i = ty2[pl.ds(i, 1), :]
        si = ts[pl.ds(i, 1), :]
        ai = (x2i - x1i + TO_REMOVE) * (y2i - y1i + TO_REMOVE)
        active = supp_ref[pl.ds(i, 1), :] == 0
        w = jnp.maximum(jnp.minimum(x2i, x2t) - jnp.maximum(x1i, x1t) + TO_REMOVE, 0.0)
        h = jnp.maximum(jnp.minimum(y2i, y2t) - jnp.maximum(y1i, y1t) + TO_REMOVE, 0.0)
        inter = w * h
        union = ai + areas - inter
        over = inter > NMS_THRESH * union
        ot[pl.ds(i, 1), :] = jnp.where(active, si, -1e9)
        newsupp = jnp.logical_and(active, over).astype(jnp.int32)
        supp_ref[...] = jnp.maximum(supp_ref[...], newsupp)
        return 0

    lax.fori_loop(0, PRE_NMS_TOPK, body, 0)
    out_s[...] = ot[...].T


def _decode_nms_pallas(planes):
    plane = jax.ShapeDtypeStruct((C, PRE_NMS_TOPK), jnp.float32)
    tplane = pltpu.VMEM((PRE_NMS_TOPK, C), jnp.float32)
    return pl.pallas_call(
        _decode_nms_body,
        out_shape=(plane, plane, plane, plane, plane),
        scratch_shapes=[tplane, tplane, tplane, tplane, tplane, tplane,
                        pltpu.VMEM((PRE_NMS_TOPK, C), jnp.int32)],
    )(*planes)



def kernel(class_logits, box_regression, proposals):
    probs_t = _softmax_t(class_logits)
    t_col = _thresh(probs_t)
    t_rep = jnp.tile(t_col[1:, :], (1, 16))
    cidx, cval = _compact_sc(probs_t, t_rep)
    top_s, pos = lax.top_k(cval, PRE_NMS_TOPK)
    top_i = jnp.take_along_axis(cidx, pos, axis=1)

    cls = jnp.arange(1, NUM_CLASSES, dtype=jnp.int32)[:, None]
    prop_planes = tuple(proposals[:, k][top_i] for k in range(4))
    reg_flat = box_regression.reshape(-1)
    reg_base = top_i * (NUM_CLASSES * 4) + cls * 4
    reg_planes = tuple(reg_flat[reg_base + k] for k in range(4))

    planes = prop_planes + reg_planes + (top_s,)
    bx1, by1, bx2, by2, out_s = _decode_nms_pallas(planes)

    flat_s = out_s.reshape(-1)
    fin_s, fin_i = lax.top_k(flat_s, DETECTIONS_PER_IMG)
    final_boxes = jnp.stack(
        [p.reshape(-1)[fin_i] for p in (bx1, by1, bx2, by2)], axis=1)
    final_labels = jnp.broadcast_to(cls, (C, PRE_NMS_TOPK)).reshape(-1)[fin_i]
    return final_boxes, fin_s, final_labels

# --- scband reference (transcript-rebuilt; emitter-appended) ---
"""Pipeline reference for scband-post-processor-26121991094523 (READ-ONLY COPY).

The authoritative reference and input builder live on the scoring server;
editing this copy changes nothing except your own understanding.
"""

import jax, jax.numpy as jnp
import numpy as np
import math

N = 20000
NUM_CLASSES = 81
IMG_W = 1024.0
IMG_H = 1024.0
SCORE_THRESH = 0.05
NMS_THRESH = 0.5
DETECTIONS_PER_IMG = 100
PRE_NMS_TOPK = 300
BBOX_XFORM_CLIP = math.log(1000.0 / 16.0)
WX, WY, WW, WH = 10.0, 10.0, 5.0, 5.0
TO_REMOVE = 1.0


def setup_inputs(seed: int = 0) -> dict:
    key = jax.random.key(seed)
    k1, k2, k3, k4, k5, k6 = jax.random.split(key, 6)
    class_logits = jax.random.normal(k1, (N, NUM_CLASSES), dtype=jnp.float32)
    box_regression = jax.random.normal(k2, (N, NUM_CLASSES * 4), dtype=jnp.float32)
    cx = jax.random.uniform(k3, (N,), minval=0.0, maxval=IMG_W, dtype=jnp.float32)
    cy = jax.random.uniform(k4, (N,), minval=0.0, maxval=IMG_H, dtype=jnp.float32)
    w = jax.random.uniform(k5, (N,), minval=8.0, maxval=128.0, dtype=jnp.float32)
    h = jax.random.uniform(k6, (N,), minval=8.0, maxval=128.0, dtype=jnp.float32)
    proposals = jnp.stack([cx - 0.5 * w, cy - 0.5 * h, cx + 0.5 * w, cy + 0.5 * h], axis=1)
    return {"class_logits": class_logits, "box_regression": box_regression, "proposals": proposals}


def _decode(rel_codes, boxes):
    # BoxCoder.decode with weights (10, 10, 5, 5), maskrcnn-benchmark style
    widths = boxes[:, 2] - boxes[:, 0] + TO_REMOVE
    heights = boxes[:, 3] - boxes[:, 1] + TO_REMOVE
    ctr_x = boxes[:, 0] + 0.5 * widths
    ctr_y = boxes[:, 1] + 0.5 * heights
    dx = rel_codes[:, 0::4] / WX
    dy = rel_codes[:, 1::4] / WY
    dw = jnp.minimum(rel_codes[:, 2::4] / WW, BBOX_XFORM_CLIP)
    dh = jnp.minimum(rel_codes[:, 3::4] / WH, BBOX_XFORM_CLIP)
    pred_ctr_x = dx * widths[:, None] + ctr_x[:, None]
    pred_ctr_y = dy * heights[:, None] + ctr_y[:, None]
    pred_w = jnp.exp(dw) * widths[:, None]
    pred_h = jnp.exp(dh) * heights[:, None]
    x1 = pred_ctr_x - 0.5 * pred_w
    y1 = pred_ctr_y - 0.5 * pred_h
    x2 = pred_ctr_x + 0.5 * pred_w - 1.0
    y2 = pred_ctr_y + 0.5 * pred_h - 1.0
    return jnp.stack([x1, y1, x2, y2], axis=2)  # [N, C, 4]


def _clip_to_image(boxes):
    x1 = jnp.clip(boxes[..., 0], 0.0, IMG_W - TO_REMOVE)
    y1 = jnp.clip(boxes[..., 1], 0.0, IMG_H - TO_REMOVE)
    x2 = jnp.clip(boxes[..., 2], 0.0, IMG_W - TO_REMOVE)
    y2 = jnp.clip(boxes[..., 3], 0.0, IMG_H - TO_REMOVE)
    return jnp.stack([x1, y1, x2, y2], axis=-1)


def _pairwise_iou(b):
    area = (b[:, 2] - b[:, 0] + TO_REMOVE) * (b[:, 3] - b[:, 1] + TO_REMOVE)
    lt = jnp.maximum(b[:, None, :2], b[None, :, :2])
    rb = jnp.minimum(b[:, None, 2:], b[None, :, 2:])
    wh = jnp.clip(rb - lt + TO_REMOVE, 0.0, None)
    inter = wh[..., 0] * wh[..., 1]
    return inter / (area[:, None] + area[None, :] - inter)


def _nms_single_class(boxes_c, scores_c):
    # score-threshold + greedy NMS over the top PRE_NMS_TOPK candidates
    top_s, idx = jax.lax.top_k(scores_c, PRE_NMS_TOPK)
    b = boxes_c[idx]
    valid = top_s > SCORE_THRESH
    iou = jax.lax.stop_gradient(_pairwise_iou(b))
    ar = jnp.arange(PRE_NMS_TOPK)

    def body(st, i):
        keep, supp = st
        active = jnp.logical_and(jnp.logical_not(supp[i]), valid[i])
        keep = keep.at[i].set(active)
        supp = jnp.logical_or(supp, jnp.logical_and(active, jnp.logical_and(iou[i] > NMS_THRESH, ar > i)))
        return (keep, supp), None

    init = (jnp.zeros((PRE_NMS_TOPK,), dtype=bool), jnp.logical_not(valid))
    (keep, _), _ = jax.lax.scan(body, init, ar)
    out_scores = jnp.where(keep, top_s, -1e9)
    return b, out_scores


def reference(class_logits, box_regression, proposals):
    class_prob = jax.nn.softmax(class_logits, axis=-1)
    decoded = _clip_to_image(_decode(box_regression, proposals))  # [N, C, 4]
    boxes_pc = jnp.transpose(decoded[:, 1:, :], (1, 0, 2))        # [C-1, N, 4]
    scores_pc = jnp.transpose(class_prob[:, 1:], (1, 0))          # [C-1, N]
    b_all, s_all = jax.vmap(_nms_single_class)(boxes_pc, scores_pc)
    labels = jnp.broadcast_to(jnp.arange(1, NUM_CLASSES)[:, None], s_all.shape)
    flat_b = b_all.reshape(-1, 4)
    flat_s = s_all.reshape(-1)
    flat_l = labels.reshape(-1)
    top_s, top_i = jax.lax.top_k(flat_s, DETECTIONS_PER_IMG)
    final_boxes = flat_b[top_i]
    final_labels = flat_l[top_i]
    return final_boxes, top_s, final_labels

if __name__ == "__main__":
    import jax
    _d = setup_inputs()
    print(jax.jit(kernel)(*tuple(_d.values())))

</pallas_src>

<mosaic_0001>
#map = affine_map<(d0, d1) -> (0, 0)>
module attributes {stable_mosaic.version = 14 : i64} {
  func.func @k(%arg0: i32, %arg1: i32, %arg2: memref<81x20480xf32, #tpu.memory_space<hbm>>, %arg3: memref<80x16xf32, #tpu.memory_space<hbm>>, %arg4: memref<80x1024xi32, #tpu.memory_space<hbm>>, %arg5: memref<80x1024xf32, #tpu.memory_space<hbm>>, %arg6: memref<20480xf32, #tpu.memory_space<vmem>>, %arg7: memref<1024xi32, #tpu.memory_space<vmem>>, %arg8: memref<1024xf32, #tpu.memory_space<vmem>>, %arg9: memref<16xf32, #tpu.memory_space<vmem>>) attributes {dimension_semantics = [#tpu.dimension_semantics<core_parallel>, #tpu.dimension_semantics<subcore_parallel>], iteration_bounds = array<i64: 2, 16>, scalar_prefetch = 0 : i64, scratch_operands = 4 : i64, tpu.core_type = #tpu.core_type<sc_vector_subcore>, window_params = [{transform_indices = #map}, {transform_indices = #map}, {transform_indices = #map}, {transform_indices = #map}]} {
    %mul3A = arith.constant 2 : i32
    %mul3A_0 = arith.muli %arg1, %mul3A : i32
    %add3A = arith.addi %mul3A_0, %arg0 : i32
    %add3A_1 = arith.constant 1 : i32
    %add3A_2 = arith.addi %add3A_1, %add3A : i32
    %add3A_3 = arith.constant 0 : i32
    %add3A_4 = arith.addi %add3A_2, %add3A_3 : i32
    %le3A = arith.constant 80 : i32
    %le3A_5 = arith.cmpi sle, %add3A_4, %le3A : i32
    %convert_element_type3A = arith.extui %le3A_5 : i1 to i32
    %cond3A = arith.constant 0 : i32
    %cond3A_6 = arith.cmpi ne, %convert_element_type3A, %cond3A : i32
    scf.if %cond3A_6 {
      %sub3A = arith.constant 1 : i32
      %sub3A_25 = arith.subi %add3A_4, %sub3A : i32
      "tpu.region"() ({
        %run_scoped3A = tpu.sem_alloc : memref<!tpu.dma_semaphore, #tpu.memory_space<semaphore_mem>>
        %dma_start3A = arith.constant 0 : i32
        %dma_start3A_47 = tpu.memref_slice %arg3[%sub3A_25, %dma_start3A] : memref<80x16xf32, #tpu.memory_space<hbm>> -> memref<1x16xf32, #tpu.memory_space<hbm>>
        %dma_start3A_48 = tpu.memref_squeeze %dma_start3A_47 : memref<1x16xf32, #tpu.memory_space<hbm>> -> memref<16xf32, #tpu.memory_space<hbm>>
        %dma_start3A_49 = arith.constant 0 : i32
        %dma_start3A_50 = tpu.memref_slice %arg3[%sub3A_25, %dma_start3A_49] : memref<80x16xf32, #tpu.memory_space<hbm>> -> memref<1x16xf32, #tpu.memory_space<hbm>>
        %dma_start3A_51 = tpu.memref_squeeze %dma_start3A_50 : memref<1x16xf32, #tpu.memory_space<hbm>> -> memref<16xf32, #tpu.memory_space<hbm>>
        tpu.enqueue_dma source(%dma_start3A_51 : memref<16xf32, #tpu.memory_space<hbm>>) target(%arg9 : memref<16xf32, #tpu.memory_space<vmem>>) target_semaphore(%run_scoped3A : memref<!tpu.dma_semaphore, #tpu.memory_space<semaphore_mem>>)
        %dma_wait3A = arith.constant 0 : i32
        %dma_wait3A_52 = tpu.memref_slice %arg3[%sub3A_25, %dma_wait3A] : memref<80x16xf32, #tpu.memory_space<hbm>> -> memref<1x16xf32, #tpu.memory_space<hbm>>
        %dma_wait3A_53 = tpu.memref_squeeze %dma_wait3A_52 : memref<1x16xf32, #tpu.memory_space<hbm>> -> memref<16xf32, #tpu.memory_space<hbm>>
        %dma_wait3A_54 = arith.constant 0 : i32
        %dma_wait3A_55 = tpu.memref_slice %arg3[%sub3A_25, %dma_wait3A_54] : memref<80x16xf32, #tpu.memory_space<hbm>> -> memref<1x16xf32, #tpu.memory_space<hbm>>
        %dma_wait3A_56 = tpu.memref_squeeze %dma_wait3A_55 : memref<1x16xf32, #tpu.memory_space<hbm>> -> memref<16xf32, #tpu.memory_space<hbm>>
        tpu.wait_dma2 semaphore(%run_scoped3A : memref<!tpu.dma_semaphore, #tpu.memory_space<semaphore_mem>>) src(%dma_wait3A_56 : memref<16xf32, #tpu.memory_space<hbm>>) dst(%arg9 : memref<16xf32, #tpu.memory_space<vmem>>)
        tpu.yield
      }) : () -> ()
      %get3A = arith.constant 0 : index
      %get3A_26 = tpu.vector_load %arg9[%get3A] {strides = array<i32>} : memref<16xf32, #tpu.memory_space<vmem>>, vector<16xf32>,
      %broadcast_in_dim3A = arith.constant 536870912 : i32
      %broadcast_in_dim3A_27 = vector.broadcast %broadcast_in_dim3A : i32 to vector<16xi32>
      %broadcast_in_dim3A_28 = arith.constant -3.000000e+38 : f32
      %broadcast_in_dim3A_29 = vector.broadcast %broadcast_in_dim3A_28 : f32 to vector<16xf32>
      %scan3A = arith.constant 0 : i32
      %scan3A_30 = arith.constant 0 : i32
      %scan3A_31 = arith.constant 64 : i32
      %scan3A_32 = arith.addi %scan3A_30, %scan3A_31 : i32
      %scan3A_33 = arith.constant 1 : i32
      scf.for %scan3A_47 = %scan3A_30 to %scan3A_32 step %scan3A_33  : i32 {
        %mul3A_48 = arith.constant 16 : i32
        %mul3A_49 = arith.muli %scan3A_47, %mul3A_48 : i32
        %multiple_of3A = tpu.assume_multiple %mul3A_49, 16 : i32
        %swap3A = arith.index_cast %multiple_of3A : i32 to index
        %swap3A_50 = tpu.vector_load %arg7[%swap3A] {strides = array<i32>} : memref<1024xi32, #tpu.memory_space<vmem>>, vector<16xi32>,
        tpu.vector_store %arg7[%swap3A], %broadcast_in_dim3A_27 {strides = array<i32>} : memref<1024xi32, #tpu.memory_space<vmem>>, vector<16xi32>,
        %mul3A_51 = arith.constant 16 : i32
        %mul3A_52 = arith.muli %scan3A_47, %mul3A_51 : i32
        %multiple_of3A_53 = tpu.assume_multiple %mul3A_52, 16 : i32
        %swap3A_54 = arith.index_cast %multiple_of3A_53 : i32 to index
        %swap3A_55 = tpu.vector_load %arg8[%swap3A_54] {strides = array<i32>} : memref<1024xf32, #tpu.memory_space<vmem>>, vector<16xf32>,
        tpu.vector_store %arg8[%swap3A_54], %broadcast_in_dim3A_29 {strides = array<i32>} : memref<1024xf32, #tpu.memory_space<vmem>>, vector<16xf32>,
      }
      %scan3A_34 = arith.constant 64 : i32
      "tpu.region"() ({
        %run_scoped3A = tpu.sem_alloc : memref<!tpu.dma_semaphore, #tpu.memory_space<semaphore_mem>>
        %dma_start3A = arith.constant 0 : i32
        %dma_start3A_47 = tpu.memref_slice %arg2[%add3A_4, %dma_start3A] : memref<81x20480xf32, #tpu.memory_space<hbm>> -> memref<1x20480xf32, #tpu.memory_space<hbm>>
        %dma_start3A_48 = tpu.memref_squeeze %dma_start3A_47 : memref<1x20480xf32, #tpu.memory_space<hbm>> -> memref<20480xf32, #tpu.memory_space<hbm>>
        %dma_start3A_49 = arith.constant 0 : i32
        %dma_start3A_50 = tpu.memref_slice %arg2[%add3A_4, %dma_start3A_49] : memref<81x20480xf32, #tpu.memory_space<hbm>> -> memref<1x20480xf32, #tpu.memory_space<hbm>>
        %dma_start3A_51 = tpu.memref_squeeze %dma_start3A_50 : memref<1x20480xf32, #tpu.memory_space<hbm>> -> memref<20480xf32, #tpu.memory_space<hbm>>
        tpu.enqueue_dma source(%dma_start3A_51 : memref<20480xf32, #tpu.memory_space<hbm>>) target(%arg6 : memref<20480xf32, #tpu.memory_space<vmem>>) target_semaphore(%run_scoped3A : memref<!tpu.dma_semaphore, #tpu.memory_space<semaphore_mem>>)
        %dma_wait3A = arith.constant 0 : i32
        %dma_wait3A_52 = tpu.memref_slice %arg2[%add3A_4, %dma_wait3A] : memref<81x20480xf32, #tpu.memory_space<hbm>> -> memref<1x20480xf32, #tpu.memory_space<hbm>>
        %dma_wait3A_53 = tpu.memref_squeeze %dma_wait3A_52 : memref<1x20480xf32, #tpu.memory_space<hbm>> -> memref<20480xf32, #tpu.memory_space<hbm>>
        %dma_wait3A_54 = arith.constant 0 : i32
        %dma_wait3A_55 = tpu.memref_slice %arg2[%add3A_4, %dma_wait3A_54] : memref<81x20480xf32, #tpu.memory_space<hbm>> -> memref<1x20480xf32, #tpu.memory_space<hbm>>
        %dma_wait3A_56 = tpu.memref_squeeze %dma_wait3A_55 : memref<1x20480xf32, #tpu.memory_space<hbm>> -> memref<20480xf32, #tpu.memory_space<hbm>>
        tpu.wait_dma2 semaphore(%run_scoped3A : memref<!tpu.dma_semaphore, #tpu.memory_space<semaphore_mem>>) src(%dma_wait3A_56 : memref<20480xf32, #tpu.memory_space<hbm>>) dst(%arg6 : memref<20480xf32, #tpu.memory_space<vmem>>)
        tpu.yield
      }) : () -> ()
      %iota3A = tpu.iota {dimensions = array<i32: 0>} : vector<16xi32>
      %broadcast_in_dim3A_35 = arith.constant 0 : i32
      %broadcast_in_dim3A_36 = vector.broadcast %broadcast_in_dim3A_35 : i32 to vector<16xi32>
      %scan3A_37 = arith.constant 0 : i32
      %scan3A_38 = arith.constant 1280 : i32
      %scan3A_39 = arith.addi %scan3A_37, %scan3A_38 : i32
      %scan3A_40 = arith.constant 1 : i32
      %scan3A_41:3 = scf.for %scan3A_47 = %scan3A_37 to %scan3A_39 step %scan3A_40 iter_args(%scan3A_48 = %broadcast_in_dim3A_36, %scan3A_49 = %broadcast_in_dim3A_36, %scan3A_50 = %iota3A) -> (vector<16xi32>, vector<16xi32>, vector<16xi32>)  : i32 {
        %mul3A_51 = arith.constant 16 : i32
        %mul3A_52 = arith.muli %scan3A_47, %mul3A_51 : i32
        %multiple_of3A = tpu.assume_multiple %mul3A_52, 16 : i32
        %get3A_53 = arith.index_cast %multiple_of3A : i32 to index
        %get3A_54 = tpu.vector_load %arg6[%get3A_53] {strides = array<i32>} : memref<20480xf32, #tpu.memory_space<vmem>>, vector<16xf32>,
        %gt3A = arith.cmpf ogt, %get3A_54, %get3A_26 : vector<16xf32>
        %eq3A = arith.cmpf oeq, %get3A_54, %get3A_26 : vector<16xf32>
        %jit3A = arith.constant 1 : i32
        %jit3A_55 = arith.constant 0 : i32
        %broadcast_in_dim3A_56 = vector.broadcast %jit3A : i32 to vector<16xi32>
        %broadcast_in_dim3A_57 = vector.broadcast %jit3A_55 : i32 to vector<16xi32>
        %select_n3A = arith.select %gt3A, %broadcast_in_dim3A_56, %broadcast_in_dim3A_57 : vector<16xi1>, vector<16xi32>
        %broadcast_in_dim3A_58 = arith.constant true
        %broadcast_in_dim3A_59 = vector.broadcast %broadcast_in_dim3A_58 : i1 to vector<16xi1>
        %masked_cumsum3A = tpu.scan <sum>, %select_n3A masked %broadcast_in_dim3A_59 : vector<16xi32>, vector<16xi1> -> vector<16xi32>
        %jit3A_60 = arith.constant 1 : i32
        %jit3A_61 = arith.constant 0 : i32
        %broadcast_in_dim3A_62 = vector.broadcast %jit3A_60 : i32 to vector<16xi32>
        %broadcast_in_dim3A_63 = vector.broadcast %jit3A_61 : i32 to vector<16xi32>
        %select_n3A_64 = arith.select %eq3A, %broadcast_in_dim3A_62, %broadcast_in_dim3A_63 : vector<16xi1>, vector<16xi32>
        %broadcast_in_dim3A_65 = arith.constant true
        %broadcast_in_dim3A_66 = vector.broadcast %broadcast_in_dim3A_65 : i1 to vector<16xi1>
        %masked_cumsum3A_67 = tpu.scan <sum>, %select_n3A_64 masked %broadcast_in_dim3A_66 : vector<16xi32>, vector<16xi1> -> vector<16xi32>
        %add3A_68 = arith.addi %scan3A_48, %masked_cumsum3A : vector<16xi32>
        %sub3A_69 = arith.constant 1 : i32
        %sub3A_70 = vector.broadcast %sub3A_69 : i32 to vector<16xi32>
        %sub3A_71 = arith.subi %add3A_68, %sub3A_70 : vector<16xi32>
        %add3A_72 = arith.addi %scan3A_49, %masked_cumsum3A_67 : vector<16xi32>
        %sub3A_73 = arith.constant 1 : i32
        %sub3A_74 = vector.broadcast %sub3A_73 : i32 to vector<16xi32>
        %sub3A_75 = arith.subi %add3A_72, %sub3A_74 : vector<16xi32>
        %add3A_76 = arith.constant 304 : i32
        %add3A_77 = vector.broadcast %add3A_76 : i32 to vector<16xi32>
        %add3A_78 = arith.addi %sub3A_75, %add3A_77 : vector<16xi32>
        %lt3A = arith.constant 608 : i32
        %lt3A_79 = vector.broadcast %lt3A : i32 to vector<16xi32>
        %lt3A_80 = arith.cmpi slt, %add3A_78, %lt3A_79 : vector<16xi32>
        %and3A = arith.andi %eq3A, %lt3A_80 : vector<16xi1>
        tpu.vector_store_idx %arg7[%sub3A_71], %scan3A_50 masked %gt3A : memref<1024xi32, #tpu.memory_space<vmem>>[vector<16xi32>], vector<16xi32>, vector<16xi1>
        tpu.vector_store_idx %arg8[%sub3A_71], %get3A_54 masked %gt3A : memref<1024xf32, #tpu.memory_space<vmem>>[vector<16xi32>], vector<16xf32>, vector<16xi1>
        tpu.vector_store_idx %arg7[%add3A_78], %scan3A_50 masked %and3A : memref<1024xi32, #tpu.memory_space<vmem>>[vector<16xi32>], vector<16xi32>, vector<16xi1>
        tpu.vector_store_idx %arg8[%add3A_78], %get3A_54 masked %and3A : memref<1024xf32, #tpu.memory_space<vmem>>[vector<16xi32>], vector<16xf32>, vector<16xi1>
        %all_reduce_population_count3A = tpu.all_reduce %gt3A {dim = 0 : i64, kind = #tpu.reduction_kind<sum>} : vector<16xi1> -> vector<16xi32>
        %add3A_81 = arith.addi %scan3A_48, %all_reduce_population_count3A : vector<16xi32>
        %all_reduce_population_count3A_82 = tpu.all_reduce %eq3A {dim = 0 : i64, kind = #tpu.reduction_kind<sum>} : vector<16xi1> -> vector<16xi32>
        %add3A_83 = arith.addi %scan3A_49, %all_reduce_population_count3A_82 : vector<16xi32>
        %add3A_84 = arith.constant 16 : i32
        %add3A_85 = vector.broadcast %add3A_84 : i32 to vector<16xi32>
        %add3A_86 = arith.addi %scan3A_50, %add3A_85 : vector<16xi32>
        scf.yield %add3A_81, %add3A_83, %add3A_86 : vector<16xi32>, vector<16xi32>, vector<16xi32>
      }
      %scan3A_42 = arith.constant 1280 : i32
      %sub3A_43 = arith.constant 1 : i32
      %sub3A_44 = arith.subi %add3A_4, %sub3A_43 : i32
      "tpu.region"() ({
        %run_scoped3A = tpu.sem_alloc : memref<!tpu.dma_semaphore, #tpu.memory_space<semaphore_mem>>
        %dma_start3A = arith.constant 0 : i32
        %dma_start3A_47 = tpu.memref_slice %arg4[%sub3A_44, %dma_start3A] : memref<80x1024xi32, #tpu.memory_space<hbm>> -> memref<1x1024xi32, #tpu.memory_space<hbm>>
        %dma_start3A_48 = tpu.memref_squeeze %dma_start3A_47 : memref<1x1024xi32, #tpu.memory_space<hbm>> -> memref<1024xi32, #tpu.memory_space<hbm>>
        %dma_start3A_49 = arith.constant 0 : i32
        %dma_start3A_50 = tpu.memref_slice %arg4[%sub3A_44, %dma_start3A_49] : memref<80x1024xi32, #tpu.memory_space<hbm>> -> memref<1x1024xi32, #tpu.memory_space<hbm>>
        %dma_start3A_51 = tpu.memref_squeeze %dma_start3A_50 : memref<1x1024xi32, #tpu.memory_space<hbm>> -> memref<1024xi32, #tpu.memory_space<hbm>>
        tpu.enqueue_dma source(%arg7 : memref<1024xi32, #tpu.memory_space<vmem>>) target(%dma_start3A_51 : memref<1024xi32, #tpu.memory_space<hbm>>) target_semaphore(%run_scoped3A : memref<!tpu.dma_semaphore, #tpu.memory_space<semaphore_mem>>)
        %dma_wait3A = arith.constant 0 : i32
        %dma_wait3A_52 = tpu.memref_slice %arg4[%sub3A_44, %dma_wait3A] : memref<80x1024xi32, #tpu.memory_space<hbm>> -> memref<1x1024xi32, #tpu.memory_space<hbm>>
        %dma_wait3A_53 = tpu.memref_squeeze %dma_wait3A_52 : memref<1x1024xi32, #tpu.memory_space<hbm>> -> memref<1024xi32, #tpu.memory_space<hbm>>
        %dma_wait3A_54 = arith.constant 0 : i32
        %dma_wait3A_55 = tpu.memref_slice %arg4[%sub3A_44, %dma_wait3A_54] : memref<80x1024xi32, #tpu.memory_space<hbm>> -> memref<1x1024xi32, #tpu.memory_space<hbm>>
        %dma_wait3A_56 = tpu.memref_squeeze %dma_wait3A_55 : memref<1x1024xi32, #tpu.memory_space<hbm>> -> memref<1024xi32, #tpu.memory_space<hbm>>
        tpu.wait_dma2 semaphore(%run_scoped3A : memref<!tpu.dma_semaphore, #tpu.memory_space<semaphore_mem>>) src(%arg7 : memref<1024xi32, #tpu.memory_space<vmem>>) dst(%dma_wait3A_56 : memref<1024xi32, #tpu.memory_space<hbm>>)
        tpu.yield
      }) : () -> ()
      %sub3A_45 = arith.constant 1 : i32
      %sub3A_46 = arith.subi %add3A_4, %sub3A_45 : i32
      "tpu.region"() ({
        %run_scoped3A = tpu.sem_alloc : memref<!tpu.dma_semaphore, #tpu.memory_space<semaphore_mem>>
        %dma_start3A = arith.constant 0 : i32
        %dma_start3A_47 = tpu.memref_slice %arg5[%sub3A_46, %dma_start3A] : memref<80x1024xf32, #tpu.memory_space<hbm>> -> memref<1x1024xf32, #tpu.memory_space<hbm>>
        %dma_start3A_48 = tpu.memref_squeeze %dma_start3A_47 : memref<1x1024xf32, #tpu.memory_space<hbm>> -> memref<1024xf32, #tpu.memory_space<hbm>>
        %dma_start3A_49 = arith.constant 0 : i32
        %dma_start3A_50 = tpu.memref_slice %arg5[%sub3A_46, %dma_start3A_49] : memref<80x1024xf32, #tpu.memory_space<hbm>> -> memref<1x1024xf32, #tpu.memory_space<hbm>>
        %dma_start3A_51 = tpu.memref_squeeze %dma_start3A_50 : memref<1x1024xf32, #tpu.memory_space<hbm>> -> memref<1024xf32, #tpu.memory_space<hbm>>
        tpu.enqueue_dma source(%arg8 : memref<1024xf32, #tpu.memory_space<vmem>>) target(%dma_start3A_51 : memref<1024xf32, #tpu.memory_space<hbm>>) target_semaphore(%run_scoped3A : memref<!tpu.dma_semaphore, #tpu.memory_space<semaphore_mem>>)
        %dma_wait3A = arith.constant 0 : i32
        %dma_wait3A_52 = tpu.memref_slice %arg5[%sub3A_46, %dma_wait3A] : memref<80x1024xf32, #tpu.memory_space<hbm>> -> memref<1x1024xf32, #tpu.memory_space<hbm>>
        %dma_wait3A_53 = tpu.memref_squeeze %dma_wait3A_52 : memref<1x1024xf32, #tpu.memory_space<hbm>> -> memref<1024xf32, #tpu.memory_space<hbm>>
        %dma_wait3A_54 = arith.constant 0 : i32
        %dma_wait3A_55 = tpu.memref_slice %arg5[%sub3A_46, %dma_wait3A_54] : memref<80x1024xf32, #tpu.memory_space<hbm>> -> memref<1x1024xf32, #tpu.memory_space<hbm>>
        %dma_wait3A_56 = tpu.memref_squeeze %dma_wait3A_55 : memref<1x1024xf32, #tpu.memory_space<hbm>> -> memref<1024xf32, #tpu.memory_space<hbm>>
        tpu.wait_dma2 semaphore(%run_scoped3A : memref<!tpu.dma_semaphore, #tpu.memory_space<semaphore_mem>>) src(%arg8 : memref<1024xf32, #tpu.memory_space<vmem>>) dst(%dma_wait3A_56 : memref<1024xf32, #tpu.memory_space<hbm>>)
        tpu.yield
      }) : () -> ()
    } else {
    }
    %add3A_7 = arith.constant 1 : i32
    %add3A_8 = arith.addi %add3A_7, %add3A : i32
    %add3A_9 = arith.constant 32 : i32
    %add3A_10 = arith.addi %add3A_8, %add3A_9 : i32
    %le3A_11 = arith.constant 80 : i32
    %le3A_12 = arith.cmpi sle, %add3A_10, %le3A_11 : i32
    %convert_element_type3A_13 = arith.extui %le3A_12 : i1 to i32
    %cond3A_14 = arith.constant 0 : i32
    %cond3A_15 = arith.cmpi ne, %convert_element_type3A_13, %cond3A_14 : i32
    scf.if %cond3A_15 {
      %sub3A = arith.constant 1 : i32
      %sub3A_25 = arith.subi %add3A_10, %sub3A : i32
      "tpu.region"() ({
        %run_scoped3A = tpu.sem_alloc : memref<!tpu.dma_semaphore, #tpu.memory_space<semaphore_mem>>
        %dma_start3A = arith.constant 0 : i32
        %dma_start3A_47 = tpu.memref_slice %arg3[%sub3A_25, %dma_start3A] : memref<80x16xf32, #tpu.memory_space<hbm>> -> memref<1x16xf32, #tpu.memory_space<hbm>>
        %dma_start3A_48 = tpu.memref_squeeze %dma_start3A_47 : memref<1x16xf32, #tpu.memory_space<hbm>> -> memref<16xf32, #tpu.memory_space<hbm>>
        %dma_start3A_49 = arith.constant 0 : i32
        %dma_start3A_50 = tpu.memref_slice %arg3[%sub3A_25, %dma_start3A_49] : memref<80x16xf32, #tpu.memory_space<hbm>> -> memref<1x16xf32, #tpu.memory_space<hbm>>
        %dma_start3A_51 = tpu.memref_squeeze %dma_start3A_50 : memref<1x16xf32, #tpu.memory_space<hbm>> -> memref<16xf32, #tpu.memory_space<hbm>>
        tpu.enqueue_dma source(%dma_start3A_51 : memref<16xf32, #tpu.memory_space<hbm>>) target(%arg9 : memref<16xf32, #tpu.memory_space<vmem>>) target_semaphore(%run_scoped3A : memref<!tpu.dma_semaphore, #tpu.memory_space<semaphore_mem>>)
        %dma_wait3A = arith.constant 0 : i32
        %dma_wait3A_52 = tpu.memref_slice %arg3[%sub3A_25, %dma_wait3A] : memref<80x16xf32, #tpu.memory_space<hbm>> -> memref<1x16xf32, #tpu.memory_space<hbm>>
        %dma_wait3A_53 = tpu.memref_squeeze %dma_wait3A_52 : memref<1x16xf32, #tpu.memory_space<hbm>> -> memref<16xf32, #tpu.memory_space<hbm>>
        %dma_wait3A_54 = arith.constant 0 : i32
        %dma_wait3A_55 = tpu.memref_slice %arg3[%sub3A_25, %dma_wait3A_54] : memref<80x16xf32, #tpu.memory_space<hbm>> -> memref<1x16xf32, #tpu.memory_space<hbm>>
        %dma_wait3A_56 = tpu.memref_squeeze %dma_wait3A_55 : memref<1x16xf32, #tpu.memory_space<hbm>> -> memref<16xf32, #tpu.memory_space<hbm>>
        tpu.wait_dma2 semaphore(%run_scoped3A : memref<!tpu.dma_semaphore, #tpu.memory_space<semaphore_mem>>) src(%dma_wait3A_56 : memref<16xf32, #tpu.memory_space<hbm>>) dst(%arg9 : memref<16xf32, #tpu.memory_space<vmem>>)
        tpu.yield
      }) : () -> ()
      %get3A = arith.constant 0 : index
      %get3A_26 = tpu.vector_load %arg9[%get3A] {strides = array<i32>} : memref<16xf32, #tpu.memory_space<vmem>>, vector<16xf32>,
      %broadcast_in_dim3A = arith.constant 536870912 : i32
      %broadcast_in_dim3A_27 = vector.broadcast %broadcast_in_dim3A : i32 to vector<16xi32>
      %broadcast_in_dim3A_28 = arith.constant -3.000000e+38 : f32
      %broadcast_in_dim3A_29 = vector.broadcast %broadcast_in_dim3A_28 : f32 to vector<16xf32>
      %scan3A = arith.constant 0 : i32
      %scan3A_30 = arith.constant 0 : i32
      %scan3A_31 = arith.constant 64 : i32
      %scan3A_32 = arith.addi %scan3A_30, %scan3A_31 : i32
      %scan3A_33 = arith.constant 1 : i32
      scf.for %scan3A_47 = %scan3A_30 to %scan3A_32 step %scan3A_33  : i32 {
        %mul3A_48 = arith.constant 16 : i32
        %mul3A_49 = arith.muli %scan3A_47, %mul3A_48 : i32
        %multiple_of3A = tpu.assume_multiple %mul3A_49, 16 : i32
        %swap3A = arith.index_cast %multiple_of3A : i32 to index
        %swap3A_50 = tpu.vector_load %arg7[%swap3A] {strides = array<i32>} : memref<1024xi32, #tpu.memory_space<vmem>>, vector<16xi32>,
        tpu.vector_store %arg7[%swap3A], %broadcast_in_dim3A_27 {strides = array<i32>} : memref<1024xi32, #tpu.memory_space<vmem>>, vector<16xi32>,
        %mul3A_51 = arith.constant 16 : i32
        %mul3A_52 = arith.muli %scan3A_47, %mul3A_51 : i32
        %multiple_of3A_53 = tpu.assume_multiple %mul3A_52, 16 : i32
        %swap3A_54 = arith.index_cast %multiple_of3A_53 : i32 to index
        %swap3A_55 = tpu.vector_load %arg8[%swap3A_54] {strides = array<i32>} : memref<1024xf32, #tpu.memory_space<vmem>>, vector<16xf32>,
        tpu.vector_store %arg8[%swap3A_54], %broadcast_in_dim3A_29 {strides = array<i32>} : memref<1024xf32, #tpu.memory_space<vmem>>, vector<16xf32>,
      }
      %scan3A_34 = arith.constant 64 : i32
      "tpu.region"() ({
        %run_scoped3A = tpu.sem_alloc : memref<!tpu.dma_semaphore, #tpu.memory_space<semaphore_mem>>
        %dma_start3A = arith.constant 0 : i32
        %dma_start3A_47 = tpu.memref_slice %arg2[%add3A_10, %dma_start3A] : memref<81x20480xf32, #tpu.memory_space<hbm>> -> memref<1x20480xf32, #tpu.memory_space<hbm>>
        %dma_start3A_48 = tpu.memref_squeeze %dma_start3A_47 : memref<1x20480xf32, #tpu.memory_space<hbm>> -> memref<20480xf32, #tpu.memory_space<hbm>>
        %dma_start3A_49 = arith.constant 0 : i32
        %dma_start3A_50 = tpu.memref_slice %arg2[%add3A_10, %dma_start3A_49] : memref<81x20480xf32, #tpu.memory_space<hbm>> -> memref<1x20480xf32, #tpu.memory_space<hbm>>
        %dma_start3A_51 = tpu.memref_squeeze %dma_start3A_50 : memref<1x20480xf32, #tpu.memory_space<hbm>> -> memref<20480xf32, #tpu.memory_space<hbm>>
        tpu.enqueue_dma source(%dma_start3A_51 : memref<20480xf32, #tpu.memory_space<hbm>>) target(%arg6 : memref<20480xf32, #tpu.memory_space<vmem>>) target_semaphore(%run_scoped3A : memref<!tpu.dma_semaphore, #tpu.memory_space<semaphore_mem>>)
        %dma_wait3A = arith.constant 0 : i32
        %dma_wait3A_52 = tpu.memref_slice %arg2[%add3A_10, %dma_wait3A] : memref<81x20480xf32, #tpu.memory_space<hbm>> -> memref<1x20480xf32, #tpu.memory_space<hbm>>
        %dma_wait3A_53 = tpu.memref_squeeze %dma_wait3A_52 : memref<1x20480xf32, #tpu.memory_space<hbm>> -> memref<20480xf32, #tpu.memory_space<hbm>>
        %dma_wait3A_54 = arith.constant 0 : i32
        %dma_wait3A_55 = tpu.memref_slice %arg2[%add3A_10, %dma_wait3A_54] : memref<81x20480xf32, #tpu.memory_space<hbm>> -> memref<1x20480xf32, #tpu.memory_space<hbm>>
        %dma_wait3A_56 = tpu.memref_squeeze %dma_wait3A_55 : memref<1x20480xf32, #tpu.memory_space<hbm>> -> memref<20480xf32, #tpu.memory_space<hbm>>
        tpu.wait_dma2 semaphore(%run_scoped3A : memref<!tpu.dma_semaphore, #tpu.memory_space<semaphore_mem>>) src(%dma_wait3A_56 : memref<20480xf32, #tpu.memory_space<hbm>>) dst(%arg6 : memref<20480xf32, #tpu.memory_space<vmem>>)
        tpu.yield
      }) : () -> ()
      %iota3A = tpu.iota {dimensions = array<i32: 0>} : vector<16xi32>
      %broadcast_in_dim3A_35 = arith.constant 0 : i32
      %broadcast_in_dim3A_36 = vector.broadcast %broadcast_in_dim3A_35 : i32 to vector<16xi32>
      %scan3A_37 = arith.constant 0 : i32
      %scan3A_38 = arith.constant 1280 : i32
      %scan3A_39 = arith.addi %scan3A_37, %scan3A_38 : i32
      %scan3A_40 = arith.constant 1 : i32
      %scan3A_41:3 = scf.for %scan3A_47 = %scan3A_37 to %scan3A_39 step %scan3A_40 iter_args(%scan3A_48 = %broadcast_in_dim3A_36, %scan3A_49 = %broadcast_in_dim3A_36, %scan3A_50 = %iota3A) -> (vector<16xi32>, vector<16xi32>, vector<16xi32>)  : i32 {
        %mul3A_51 = arith.constant 16 : i32
        %mul3A_52 = arith.muli %scan3A_47, %mul3A_51 : i32
        %multiple_of3A = tpu.assume_multiple %mul3A_52, 16 : i32
        %get3A_53 = arith.index_cast %multiple_of3A : i32 to index
        %get3A_54 = tpu.vector_load %arg6[%get3A_53] {strides = array<i32>} : memref<20480xf32, #tpu.memory_space<vmem>>, vector<16xf32>,
        %gt3A = arith.cmpf ogt, %get3A_54, %get3A_26 : vector<16xf32>
        %eq3A = arith.cmpf oeq, %get3A_54, %get3A_26 : vector<16xf32>
        %jit3A = arith.constant 1 : i32
        %jit3A_55 = arith.constant 0 : i32
        %broadcast_in_dim3A_56 = vector.broadcast %jit3A : i32 to vector<16xi32>
        %broadcast_in_dim3A_57 = vector.broadcast %jit3A_55 : i32 to vector<16xi32>
        %select_n3A = arith.select %gt3A, %broadcast_in_dim3A_56, %broadcast_in_dim3A_57 : vector<16xi1>, vector<16xi32>
        %broadcast_in_dim3A_58 = arith.constant true
        %broadcast_in_dim3A_59 = vector.broadcast %broadcast_in_dim3A_58 : i1 to vector<16xi1>
        %masked_cumsum3A = tpu.scan <sum>, %select_n3A masked %broadcast_in_dim3A_59 : vector<16xi32>, vector<16xi1> -> vector<16xi32>
        %jit3A_60 = arith.constant 1 : i32
        %jit3A_61 = arith.constant 0 : i32
        %broadcast_in_dim3A_62 = vector.broadcast %jit3A_60 : i32 to vector<16xi32>
        %broadcast_in_dim3A_63 = vector.broadcast %jit3A_61 : i32 to vector<16xi32>
        %select_n3A_64 = arith.select %eq3A, %broadcast_in_dim3A_62, %broadcast_in_dim3A_63 : vector<16xi1>, vector<16xi32>
        %broadcast_in_dim3A_65 = arith.constant true
        %broadcast_in_dim3A_66 = vector.broadcast %broadcast_in_dim3A_65 : i1 to vector<16xi1>
        %masked_cumsum3A_67 = tpu.scan <sum>, %select_n3A_64 masked %broadcast_in_dim3A_66 : vector<16xi32>, vector<16xi1> -> vector<16xi32>
        %add3A_68 = arith.addi %scan3A_48, %masked_cumsum3A : vector<16xi32>
        %sub3A_69 = arith.constant 1 : i32
        %sub3A_70 = vector.broadcast %sub3A_69 : i32 to vector<16xi32>
        %sub3A_71 = arith.subi %add3A_68, %sub3A_70 : vector<16xi32>
        %add3A_72 = arith.addi %scan3A_49, %masked_cumsum3A_67 : vector<16xi32>
        %sub3A_73 = arith.constant 1 : i32
        %sub3A_74 = vector.broadcast %sub3A_73 : i32 to vector<16xi32>
        %sub3A_75 = arith.subi %add3A_72, %sub3A_74 : vector<16xi32>
        %add3A_76 = arith.constant 304 : i32
        %add3A_77 = vector.broadcast %add3A_76 : i32 to vector<16xi32>
        %add3A_78 = arith.addi %sub3A_75, %add3A_77 : vector<16xi32>
        %lt3A = arith.constant 608 : i32
        %lt3A_79 = vector.broadcast %lt3A : i32 to vector<16xi32>
        %lt3A_80 = arith.cmpi slt, %add3A_78, %lt3A_79 : vector<16xi32>
        %and3A = arith.andi %eq3A, %lt3A_80 : vector<16xi1>
        tpu.vector_store_idx %arg7[%sub3A_71], %scan3A_50 masked %gt3A : memref<1024xi32, #tpu.memory_space<vmem>>[vector<16xi32>], vector<16xi32>, vector<16xi1>
        tpu.vector_store_idx %arg8[%sub3A_71], %get3A_54 masked %gt3A : memref<1024xf32, #tpu.memory_space<vmem>>[vector<16xi32>], vector<16xf32>, vector<16xi1>
        tpu.vector_store_idx %arg7[%add3A_78], %scan3A_50 masked %and3A : memref<1024xi32, #tpu.memory_space<vmem>>[vector<16xi32>], vector<16xi32>, vector<16xi1>
        tpu.vector_store_idx %arg8[%add3A_78], %get3A_54 masked %and3A : memref<1024xf32, #tpu.memory_space<vmem>>[vector<16xi32>], vector<16xf32>, vector<16xi1>
        %all_reduce_population_count3A = tpu.all_reduce %gt3A {dim = 0 : i64, kind = #tpu.reduction_kind<sum>} : vector<16xi1> -> vector<16xi32>
        %add3A_81 = arith.addi %scan3A_48, %all_reduce_population_count3A : vector<16xi32>
        %all_reduce_population_count3A_82 = tpu.all_reduce %eq3A {dim = 0 : i64, kind = #tpu.reduction_kind<sum>} : vector<16xi1> -> vector<16xi32>
        %add3A_83 = arith.addi %scan3A_49, %all_reduce_population_count3A_82 : vector<16xi32>
        %add3A_84 = arith.constant 16 : i32
        %add3A_85 = vector.broadcast %add3A_84 : i32 to vector<16xi32>
        %add3A_86 = arith.addi %scan3A_50, %add3A_85 : vector<16xi32>
        scf.yield %add3A_81, %add3A_83, %add3A_86 : vector<16xi32>, vector<16xi32>, vector<16xi32>
      }
      %scan3A_42 = arith.constant 1280 : i32
      %sub3A_43 = arith.constant 1 : i32
      %sub3A_44 = arith.subi %add3A_10, %sub3A_43 : i32
      "tpu.region"() ({
        %run_scoped3A = tpu.sem_alloc : memref<!tpu.dma_semaphore, #tpu.memory_space<semaphore_mem>>
        %dma_start3A = arith.constant 0 : i32
        %dma_start3A_47 = tpu.memref_slice %arg4[%sub3A_44, %dma_start3A] : memref<80x1024xi32, #tpu.memory_space<hbm>> -> memref<1x1024xi32, #tpu.memory_space<hbm>>
        %dma_start3A_48 = tpu.memref_squeeze %dma_start3A_47 : memref<1x1024xi32, #tpu.memory_space<hbm>> -> memref<1024xi32, #tpu.memory_space<hbm>>
        %dma_start3A_49 = arith.constant 0 : i32
        %dma_start3A_50 = tpu.memref_slice %arg4[%sub3A_44, %dma_start3A_49] : memref<80x1024xi32, #tpu.memory_space<hbm>> -> memref<1x1024xi32, #tpu.memory_space<hbm>>
        %dma_start3A_51 = tpu.memref_squeeze %dma_start3A_50 : memref<1x1024xi32, #tpu.memory_space<hbm>> -> memref<1024xi32, #tpu.memory_space<hbm>>
        tpu.enqueue_dma source(%arg7 : memref<1024xi32, #tpu.memory_space<vmem>>) target(%dma_start3A_51 : memref<1024xi32, #tpu.memory_space<hbm>>) target_semaphore(%run_scoped3A : memref<!tpu.dma_semaphore, #tpu.memory_space<semaphore_mem>>)
        %dma_wait3A = arith.constant 0 : i32
        %dma_wait3A_52 = tpu.memref_slice %arg4[%sub3A_44, %dma_wait3A] : memref<80x1024xi32, #tpu.memory_space<hbm>> -> memref<1x1024xi32, #tpu.memory_space<hbm>>
        %dma_wait3A_53 = tpu.memref_squeeze %dma_wait3A_52 : memref<1x1024xi32, #tpu.memory_space<hbm>> -> memref<1024xi32, #tpu.memory_space<hbm>>
        %dma_wait3A_54 = arith.constant 0 : i32
        %dma_wait3A_55 = tpu.memref_slice %arg4[%sub3A_44, %dma_wait3A_54] : memref<80x1024xi32, #tpu.memory_space<hbm>> -> memref<1x1024xi32, #tpu.memory_space<hbm>>
        %dma_wait3A_56 = tpu.memref_squeeze %dma_wait3A_55 : memref<1x1024xi32, #tpu.memory_space<hbm>> -> memref<1024xi32, #tpu.memory_space<hbm>>
        tpu.wait_dma2 semaphore(%run_scoped3A : memref<!tpu.dma_semaphore, #tpu.memory_space<semaphore_mem>>) src(%arg7 : memref<1024xi32, #tpu.memory_space<vmem>>) dst(%dma_wait3A_56 : memref<1024xi32, #tpu.memory_space<hbm>>)
        tpu.yield
      }) : () -> ()
      %sub3A_45 = arith.constant 1 : i32
      %sub3A_46 = arith.subi %add3A_10, %sub3A_45 : i32
      "tpu.region"() ({
        %run_scoped3A = tpu.sem_alloc : memref<!tpu.dma_semaphore, #tpu.memory_space<semaphore_mem>>
        %dma_start3A = arith.constant 0 : i32
        %dma_start3A_47 = tpu.memref_slice %arg5[%sub3A_46, %dma_start3A] : memref<80x1024xf32, #tpu.memory_space<hbm>> -> memref<1x1024xf32, #tpu.memory_space<hbm>>
        %dma_start3A_48 = tpu.memref_squeeze %dma_start3A_47 : memref<1x1024xf32, #tpu.memory_space<hbm>> -> memref<1024xf32, #tpu.memory_space<hbm>>
        %dma_start3A_49 = arith.constant 0 : i32
        %dma_start3A_50 = tpu.memref_slice %arg5[%sub3A_46, %dma_start3A_49] : memref<80x1024xf32, #tpu.memory_space<hbm>> -> memref<1x1024xf32, #tpu.memory_space<hbm>>
        %dma_start3A_51 = tpu.memref_squeeze %dma_start3A_50 : memref<1x1024xf32, #tpu.memory_space<hbm>> -> memref<1024xf32, #tpu.memory_space<hbm>>
        tpu.enqueue_dma source(%arg8 : memref<1024xf32, #tpu.memory_space<vmem>>) target(%dma_start3A_51 : memref<1024xf32, #tpu.memory_space<hbm>>) target_semaphore(%run_scoped3A : memref<!tpu.dma_semaphore, #tpu.memory_space<semaphore_mem>>)
        %dma_wait3A = arith.constant 0 : i32
        %dma_wait3A_52 = tpu.memref_slice %arg5[%sub3A_46, %dma_wait3A] : memref<80x1024xf32, #tpu.memory_space<hbm>> -> memref<1x1024xf32, #tpu.memory_space<hbm>>
        %dma_wait3A_53 = tpu.memref_squeeze %dma_wait3A_52 : memref<1x1024xf32, #tpu.memory_space<hbm>> -> memref<1024xf32, #tpu.memory_space<hbm>>
        %dma_wait3A_54 = arith.constant 0 : i32
        %dma_wait3A_55 = tpu.memref_slice %arg5[%sub3A_46, %dma_wait3A_54] : memref<80x1024xf32, #tpu.memory_space<hbm>> -> memref<1x1024xf32, #tpu.memory_space<hbm>>
        %dma_wait3A_56 = tpu.memref_squeeze %dma_wait3A_55 : memref<1x1024xf32, #tpu.memory_space<hbm>> -> memref<1024xf32, #tpu.memory_space<hbm>>
        tpu.wait_dma2 semaphore(%run_scoped3A : memref<!tpu.dma_semaphore, #tpu.memory_space<semaphore_mem>>) src(%arg8 : memref<1024xf32, #tpu.memory_space<vmem>>) dst(%dma_wait3A_56 : memref<1024xf32, #tpu.memory_space<hbm>>)
        tpu.yield
      }) : () -> ()
    } else {
    }
    %add3A_16 = arith.constant 1 : i32
    %add3A_17 = arith.addi %add3A_16, %add3A : i32
    %add3A_18 = arith.constant 64 : i32
    %add3A_19 = arith.addi %add3A_17, %add3A_18 : i32
    %le3A_20 = arith.constant 80 : i32
    %le3A_21 = arith.cmpi sle, %add3A_19, %le3A_20 : i32
    %convert_element_type3A_22 = arith.extui %le3A_21 : i1 to i32
    %cond3A_23 = arith.constant 0 : i32
    %cond3A_24 = arith.cmpi ne, %convert_element_type3A_22, %cond3A_23 : i32
    scf.if %cond3A_24 {
      %sub3A = arith.constant 1 : i32
      %sub3A_25 = arith.subi %add3A_19, %sub3A : i32
      "tpu.region"() ({
        %run_scoped3A = tpu.sem_alloc : memref<!tpu.dma_semaphore, #tpu.memory_space<semaphore_mem>>
        %dma_start3A = arith.constant 0 : i32
        %dma_start3A_47 = tpu.memref_slice %arg3[%sub3A_25, %dma_start3A] : memref<80x16xf32, #tpu.memory_space<hbm>> -> memref<1x16xf32, #tpu.memory_space<hbm>>
        %dma_start3A_48 = tpu.memref_squeeze %dma_start3A_47 : memref<1x16xf32, #tpu.memory_space<hbm>> -> memref<16xf32, #tpu.memory_space<hbm>>
        %dma_start3A_49 = arith.constant 0 : i32
        %dma_start3A_50 = tpu.memref_slice %arg3[%sub3A_25, %dma_start3A_49] : memref<80x16xf32, #tpu.memory_space<hbm>> -> memref<1x16xf32, #tpu.memory_space<hbm>>
        %dma_start3A_51 = tpu.memref_squeeze %dma_start3A_50 : memref<1x16xf32, #tpu.memory_space<hbm>> -> memref<16xf32, #tpu.memory_space<hbm>>
        tpu.enqueue_dma source(%dma_start3A_51 : memref<16xf32, #tpu.memory_space<hbm>>) target(%arg9 : memref<16xf32, #tpu.memory_space<vmem>>) target_semaphore(%run_scoped3A : memref<!tpu.dma_semaphore, #tpu.memory_space<semaphore_mem>>)
        %dma_wait3A = arith.constant 0 : i32
        %dma_wait3A_52 = tpu.memref_slice %arg3[%sub3A_25, %dma_wait3A] : memref<80x16xf32, #tpu.memory_space<hbm>> -> memref<1x16xf32, #tpu.memory_space<hbm>>
        %dma_wait3A_53 = tpu.memref_squeeze %dma_wait3A_52 : memref<1x16xf32, #tpu.memory_space<hbm>> -> memref<16xf32, #tpu.memory_space<hbm>>
        %dma_wait3A_54 = arith.constant 0 : i32
        %dma_wait3A_55 = tpu.memref_slice %arg3[%sub3A_25, %dma_wait3A_54] : memref<80x16xf32, #tpu.memory_space<hbm>> -> memref<1x16xf32, #tpu.memory_space<hbm>>
        %dma_wait3A_56 = tpu.memref_squeeze %dma_wait3A_55 : memref<1x16xf32, #tpu.memory_space<hbm>> -> memref<16xf32, #tpu.memory_space<hbm>>
        tpu.wait_dma2 semaphore(%run_scoped3A : memref<!tpu.dma_semaphore, #tpu.memory_space<semaphore_mem>>) src(%dma_wait3A_56 : memref<16xf32, #tpu.memory_space<hbm>>) dst(%arg9 : memref<16xf32, #tpu.memory_space<vmem>>)
        tpu.yield
      }) : () -> ()
      %get3A = arith.constant 0 : index
      %get3A_26 = tpu.vector_load %arg9[%get3A] {strides = array<i32>} : memref<16xf32, #tpu.memory_space<vmem>>, vector<16xf32>,
      %broadcast_in_dim3A = arith.constant 536870912 : i32
      %broadcast_in_dim3A_27 = vector.broadcast %broadcast_in_dim3A : i32 to vector<16xi32>
      %broadcast_in_dim3A_28 = arith.constant -3.000000e+38 : f32
      %broadcast_in_dim3A_29 = vector.broadcast %broadcast_in_dim3A_28 : f32 to vector<16xf32>
      %scan3A = arith.constant 0 : i32
      %scan3A_30 = arith.constant 0 : i32
      %scan3A_31 = arith.constant 64 : i32
      %scan3A_32 = arith.addi %scan3A_30, %scan3A_31 : i32
      %scan3A_33 = arith.constant 1 : i32
      scf.for %scan3A_47 = %scan3A_30 to %scan3A_32 step %scan3A_33  : i32 {
        %mul3A_48 = arith.constant 16 : i32
        %mul3A_49 = arith.muli %scan3A_47, %mul3A_48 : i32
        %multiple_of3A = tpu.assume_multiple %mul3A_49, 16 : i32
        %swap3A = arith.index_cast %multiple_of3A : i32 to index
        %swap3A_50 = tpu.vector_load %arg7[%swap3A] {strides = array<i32>} : memref<1024xi32, #tpu.memory_space<vmem>>, vector<16xi32>,
        tpu.vector_store %arg7[%swap3A], %broadcast_in_dim3A_27 {strides = array<i32>} : memref<1024xi32, #tpu.memory_space<vmem>>, vector<16xi32>,
        %mul3A_51 = arith.constant 16 : i32
        %mul3A_52 = arith.muli %scan3A_47, %mul3A_51 : i32
        %multiple_of3A_53 = tpu.assume_multiple %mul3A_52, 16 : i32
        %swap3A_54 = arith.index_cast %multiple_of3A_53 : i32 to index
        %swap3A_55 = tpu.vector_load %arg8[%swap3A_54] {strides = array<i32>} : memref<1024xf32, #tpu.memory_space<vmem>>, vector<16xf32>,
        tpu.vector_store %arg8[%swap3A_54], %broadcast_in_dim3A_29 {strides = array<i32>} : memref<1024xf32, #tpu.memory_space<vmem>>, vector<16xf32>,
      }
      %scan3A_34 = arith.constant 64 : i32
      "tpu.region"() ({
        %run_scoped3A = tpu.sem_alloc : memref<!tpu.dma_semaphore, #tpu.memory_space<semaphore_mem>>
        %dma_start3A = arith.constant 0 : i32
        %dma_start3A_47 = tpu.memref_slice %arg2[%add3A_19, %dma_start3A] : memref<81x20480xf32, #tpu.memory_space<hbm>> -> memref<1x20480xf32, #tpu.memory_space<hbm>>
        %dma_start3A_48 = tpu.memref_squeeze %dma_start3A_47 : memref<1x20480xf32, #tpu.memory_space<hbm>> -> memref<20480xf32, #tpu.memory_space<hbm>>
        %dma_start3A_49 = arith.constant 0 : i32
        %dma_start3A_50 = tpu.memref_slice %arg2[%add3A_19, %dma_start3A_49] : memref<81x20480xf32, #tpu.memory_space<hbm>> -> memref<1x20480xf32, #tpu.memory_space<hbm>>
        %dma_start3A_51 = tpu.memref_squeeze %dma_start3A_50 : memref<1x20480xf32, #tpu.memory_space<hbm>> -> memref<20480xf32, #tpu.memory_space<hbm>>
        tpu.enqueue_dma source(%dma_start3A_51 : memref<20480xf32, #tpu.memory_space<hbm>>) target(%arg6 : memref<20480xf32, #tpu.memory_space<vmem>>) target_semaphore(%run_scoped3A : memref<!tpu.dma_semaphore, #tpu.memory_space<semaphore_mem>>)
        %dma_wait3A = arith.constant 0 : i32
        %dma_wait3A_52 = tpu.memref_slice %arg2[%add3A_19, %dma_wait3A] : memref<81x20480xf32, #tpu.memory_space<hbm>> -> memref<1x20480xf32, #tpu.memory_space<hbm>>
        %dma_wait3A_53 = tpu.memref_squeeze %dma_wait3A_52 : memref<1x20480xf32, #tpu.memory_space<hbm>> -> memref<20480xf32, #tpu.memory_space<hbm>>
        %dma_wait3A_54 = arith.constant 0 : i32
        %dma_wait3A_55 = tpu.memref_slice %arg2[%add3A_19, %dma_wait3A_54] : memref<81x20480xf32, #tpu.memory_space<hbm>> -> memref<1x20480xf32, #tpu.memory_space<hbm>>
        %dma_wait3A_56 = tpu.memref_squeeze %dma_wait3A_55 : memref<1x20480xf32, #tpu.memory_space<hbm>> -> memref<20480xf32, #tpu.memory_space<hbm>>
        tpu.wait_dma2 semaphore(%run_scoped3A : memref<!tpu.dma_semaphore, #tpu.memory_space<semaphore_mem>>) src(%dma_wait3A_56 : memref<20480xf32, #tpu.memory_space<hbm>>) dst(%arg6 : memref<20480xf32, #tpu.memory_space<vmem>>)
        tpu.yield
      }) : () -> ()
      %iota3A = tpu.iota {dimensions = array<i32: 0>} : vector<16xi32>
      %broadcast_in_dim3A_35 = arith.constant 0 : i32
      %broadcast_in_dim3A_36 = vector.broadcast %broadcast_in_dim3A_35 : i32 to vector<16xi32>
      %scan3A_37 = arith.constant 0 : i32
      %scan3A_38 = arith.constant 1280 : i32
      %scan3A_39 = arith.addi %scan3A_37, %scan3A_38 : i32
      %scan3A_40 = arith.constant 1 : i32
      %scan3A_41:3 = scf.for %scan3A_47 = %scan3A_37 to %scan3A_39 step %scan3A_40 iter_args(%scan3A_48 = %broadcast_in_dim3A_36, %scan3A_49 = %broadcast_in_dim3A_36, %scan3A_50 = %iota3A) -> (vector<16xi32>, vector<16xi32>, vector<16xi32>)  : i32 {
        %mul3A_51 = arith.constant 16 : i32
        %mul3A_52 = arith.muli %scan3A_47, %mul3A_51 : i32
        %multiple_of3A = tpu.assume_multiple %mul3A_52, 16 : i32
        %get3A_53 = arith.index_cast %multiple_of3A : i32 to index
        %get3A_54 = tpu.vector_load %arg6[%get3A_53] {strides = array<i32>} : memref<20480xf32, #tpu.memory_space<vmem>>, vector<16xf32>,
        %gt3A = arith.cmpf ogt, %get3A_54, %get3A_26 : vector<16xf32>
        %eq3A = arith.cmpf oeq, %get3A_54, %get3A_26 : vector<16xf32>
        %jit3A = arith.constant 1 : i32
        %jit3A_55 = arith.constant 0 : i32
        %broadcast_in_dim3A_56 = vector.broadcast %jit3A : i32 to vector<16xi32>
        %broadcast_in_dim3A_57 = vector.broadcast %jit3A_55 : i32 to vector<16xi32>
        %select_n3A = arith.select %gt3A, %broadcast_in_dim3A_56, %broadcast_in_dim3A_57 : vector<16xi1>, vector<16xi32>
        %broadcast_in_dim3A_58 = arith.constant true
        %broadcast_in_dim3A_59 = vector.broadcast %broadcast_in_dim3A_58 : i1 to vector<16xi1>
        %masked_cumsum3A = tpu.scan <sum>, %select_n3A masked %broadcast_in_dim3A_59 : vector<16xi32>, vector<16xi1> -> vector<16xi32>
        %jit3A_60 = arith.constant 1 : i32
        %jit3A_61 = arith.constant 0 : i32
        %broadcast_in_dim3A_62 = vector.broadcast %jit3A_60 : i32 to vector<16xi32>
        %broadcast_in_dim3A_63 = vector.broadcast %jit3A_61 : i32 to vector<16xi32>
        %select_n3A_64 = arith.select %eq3A, %broadcast_in_dim3A_62, %broadcast_in_dim3A_63 : vector<16xi1>, vector<16xi32>
        %broadcast_in_dim3A_65 = arith.constant true
        %broadcast_in_dim3A_66 = vector.broadcast %broadcast_in_dim3A_65 : i1 to vector<16xi1>
        %masked_cumsum3A_67 = tpu.scan <sum>, %select_n3A_64 masked %broadcast_in_dim3A_66 : vector<16xi32>, vector<16xi1> -> vector<16xi32>
        %add3A_68 = arith.addi %scan3A_48, %masked_cumsum3A : vector<16xi32>
        %sub3A_69 = arith.constant 1 : i32
        %sub3A_70 = vector.broadcast %sub3A_69 : i32 to vector<16xi32>
        %sub3A_71 = arith.subi %add3A_68, %sub3A_70 : vector<16xi32>
        %add3A_72 = arith.addi %scan3A_49, %masked_cumsum3A_67 : vector<16xi32>
        %sub3A_73 = arith.constant 1 : i32
        %sub3A_74 = vector.broadcast %sub3A_73 : i32 to vector<16xi32>
        %sub3A_75 = arith.subi %add3A_72, %sub3A_74 : vector<16xi32>
        %add3A_76 = arith.constant 304 : i32
        %add3A_77 = vector.broadcast %add3A_76 : i32 to vector<16xi32>
        %add3A_78 = arith.addi %sub3A_75, %add3A_77 : vector<16xi32>
        %lt3A = arith.constant 608 : i32
        %lt3A_79 = vector.broadcast %lt3A : i32 to vector<16xi32>
        %lt3A_80 = arith.cmpi slt, %add3A_78, %lt3A_79 : vector<16xi32>
        %and3A = arith.andi %eq3A, %lt3A_80 : vector<16xi1>
        tpu.vector_store_idx %arg7[%sub3A_71], %scan3A_50 masked %gt3A : memref<1024xi32, #tpu.memory_space<vmem>>[vector<16xi32>], vector<16xi32>, vector<16xi1>
        tpu.vector_store_idx %arg8[%sub3A_71], %get3A_54 masked %gt3A : memref<1024xf32, #tpu.memory_space<vmem>>[vector<16xi32>], vector<16xf32>, vector<16xi1>
        tpu.vector_store_idx %arg7[%add3A_78], %scan3A_50 masked %and3A : memref<1024xi32, #tpu.memory_space<vmem>>[vector<16xi32>], vector<16xi32>, vector<16xi1>
        tpu.vector_store_idx %arg8[%add3A_78], %get3A_54 masked %and3A : memref<1024xf32, #tpu.memory_space<vmem>>[vector<16xi32>], vector<16xf32>, vector<16xi1>
        %all_reduce_population_count3A = tpu.all_reduce %gt3A {dim = 0 : i64, kind = #tpu.reduction_kind<sum>} : vector<16xi1> -> vector<16xi32>
        %add3A_81 = arith.addi %scan3A_48, %all_reduce_population_count3A : vector<16xi32>
        %all_reduce_population_count3A_82 = tpu.all_reduce %eq3A {dim = 0 : i64, kind = #tpu.reduction_kind<sum>} : vector<16xi1> -> vector<16xi32>
        %add3A_83 = arith.addi %scan3A_49, %all_reduce_population_count3A_82 : vector<16xi32>
        %add3A_84 = arith.constant 16 : i32
        %add3A_85 = vector.broadcast %add3A_84 : i32 to vector<16xi32>
        %add3A_86 = arith.addi %scan3A_50, %add3A_85 : vector<16xi32>
        scf.yield %add3A_81, %add3A_83, %add3A_86 : vector<16xi32>, vector<16xi32>, vector<16xi32>
      }
      %scan3A_42 = arith.constant 1280 : i32
      %sub3A_43 = arith.constant 1 : i32
      %sub3A_44 = arith.subi %add3A_19, %sub3A_43 : i32
      "tpu.region"() ({
        %run_scoped3A = tpu.sem_alloc : memref<!tpu.dma_semaphore, #tpu.memory_space<semaphore_mem>>
        %dma_start3A = arith.constant 0 : i32
        %dma_start3A_47 = tpu.memref_slice %arg4[%sub3A_44, %dma_start3A] : memref<80x1024xi32, #tpu.memory_space<hbm>> -> memref<1x1024xi32, #tpu.memory_space<hbm>>
        %dma_start3A_48 = tpu.memref_squeeze %dma_start3A_47 : memref<1x1024xi32, #tpu.memory_space<hbm>> -> memref<1024xi32, #tpu.memory_space<hbm>>
        %dma_start3A_49 = arith.constant 0 : i32
        %dma_start3A_50 = tpu.memref_slice %arg4[%sub3A_44, %dma_start3A_49] : memref<80x1024xi32, #tpu.memory_space<hbm>> -> memref<1x1024xi32, #tpu.memory_space<hbm>>
        %dma_start3A_51 = tpu.memref_squeeze %dma_start3A_50 : memref<1x1024xi32, #tpu.memory_space<hbm>> -> memref<1024xi32, #tpu.memory_space<hbm>>
        tpu.enqueue_dma source(%arg7 : memref<1024xi32, #tpu.memory_space<vmem>>) target(%dma_start3A_51 : memref<1024xi32, #tpu.memory_space<hbm>>) target_semaphore(%run_scoped3A : memref<!tpu.dma_semaphore, #tpu.memory_space<semaphore_mem>>)
        %dma_wait3A = arith.constant 0 : i32
        %dma_wait3A_52 = tpu.memref_slice %arg4[%sub3A_44, %dma_wait3A] : memref<80x1024xi32, #tpu.memory_space<hbm>> -> memref<1x1024xi32, #tpu.memory_space<hbm>>
        %dma_wait3A_53 = tpu.memref_squeeze %dma_wait3A_52 : memref<1x1024xi32, #tpu.memory_space<hbm>> -> memref<1024xi32, #tpu.memory_space<hbm>>
        %dma_wait3A_54 = arith.constant 0 : i32
        %dma_wait3A_55 = tpu.memref_slice %arg4[%sub3A_44, %dma_wait3A_54] : memref<80x1024xi32, #tpu.memory_space<hbm>> -> memref<1x1024xi32, #tpu.memory_space<hbm>>
        %dma_wait3A_56 = tpu.memref_squeeze %dma_wait3A_55 : memref<1x1024xi32, #tpu.memory_space<hbm>> -> memref<1024xi32, #tpu.memory_space<hbm>>
        tpu.wait_dma2 semaphore(%run_scoped3A : memref<!tpu.dma_semaphore, #tpu.memory_space<semaphore_mem>>) src(%arg7 : memref<1024xi32, #tpu.memory_space<vmem>>) dst(%dma_wait3A_56 : memref<1024xi32, #tpu.memory_space<hbm>>)
        tpu.yield
      }) : () -> ()
      %sub3A_45 = arith.constant 1 : i32
      %sub3A_46 = arith.subi %add3A_19, %sub3A_45 : i32
      "tpu.region"() ({
        %run_scoped3A = tpu.sem_alloc : memref<!tpu.dma_semaphore, #tpu.memory_space<semaphore_mem>>
        %dma_start3A = arith.constant 0 : i32
        %dma_start3A_47 = tpu.memref_slice %arg5[%sub3A_46, %dma_start3A] : memref<80x1024xf32, #tpu.memory_space<hbm>> -> memref<1x1024xf32, #tpu.memory_space<hbm>>
        %dma_start3A_48 = tpu.memref_squeeze %dma_start3A_47 : memref<1x1024xf32, #tpu.memory_space<hbm>> -> memref<1024xf32, #tpu.memory_space<hbm>>
        %dma_start3A_49 = arith.constant 0 : i32
        %dma_start3A_50 = tpu.memref_slice %arg5[%sub3A_46, %dma_start3A_49] : memref<80x1024xf32, #tpu.memory_space<hbm>> -> memref<1x1024xf32, #tpu.memory_space<hbm>>
        %dma_start3A_51 = tpu.memref_squeeze %dma_start3A_50 : memref<1x1024xf32, #tpu.memory_space<hbm>> -> memref<1024xf32, #tpu.memory_space<hbm>>
        tpu.enqueue_dma source(%arg8 : memref<1024xf32, #tpu.memory_space<vmem>>) target(%dma_start3A_51 : memref<1024xf32, #tpu.memory_space<hbm>>) target_semaphore(%run_scoped3A : memref<!tpu.dma_semaphore, #tpu.memory_space<semaphore_mem>>)
        %dma_wait3A = arith.constant 0 : i32
        %dma_wait3A_52 = tpu.memref_slice %arg5[%sub3A_46, %dma_wait3A] : memref<80x1024xf32, #tpu.memory_space<hbm>> -> memref<1x1024xf32, #tpu.memory_space<hbm>>
        %dma_wait3A_53 = tpu.memref_squeeze %dma_wait3A_52 : memref<1x1024xf32, #tpu.memory_space<hbm>> -> memref<1024xf32, #tpu.memory_space<hbm>>
        %dma_wait3A_54 = arith.constant 0 : i32
        %dma_wait3A_55 = tpu.memref_slice %arg5[%sub3A_46, %dma_wait3A_54] : memref<80x1024xf32, #tpu.memory_space<hbm>> -> memref<1x1024xf32, #tpu.memory_space<hbm>>
        %dma_wait3A_56 = tpu.memref_squeeze %dma_wait3A_55 : memref<1x1024xf32, #tpu.memory_space<hbm>> -> memref<1024xf32, #tpu.memory_space<hbm>>
        tpu.wait_dma2 semaphore(%run_scoped3A : memref<!tpu.dma_semaphore, #tpu.memory_space<semaphore_mem>>) src(%arg8 : memref<1024xf32, #tpu.memory_space<vmem>>) dst(%dma_wait3A_56 : memref<1024xf32, #tpu.memory_space<hbm>>)
        tpu.yield
      }) : () -> ()
    } else {
    }
    return
  }
}

module attributes {stable_mosaic.version = 14 : i64} {
  func.func @_softmax_t_body(%arg0: i32, %arg1: memref<2048x81xf32, #tpu.memory_space<vmem>>, %arg2: memref<81x2048xf32, #tpu.memory_space<vmem>>) attributes {dimension_semantics = [#tpu.dimension_semantics<arbitrary>], iteration_bounds = array<i64: 10>, scalar_prefetch = 0 : i64, scratch_operands = 0 : i64, tpu.core_type = #tpu.core_type<tc>, window_params = [{transform_indices = @transform_0, window_bounds = array<i64: 2048, 81>}, {transform_indices = @transform_1, window_bounds = array<i64: 81, 2048>}]} {
    %get3A = arith.constant 0 : index
    %get3A_0 = arith.constant 0 : index
    %get3A_1 = vector.load %arg1[%get3A, %get3A_0] : memref<2048x81xf32, #tpu.memory_space<vmem>>, vector<2048x81xf32>
    %reduce_max3A = arith.constant dense<0xFF800000> : vector<2048xf32>
    %reduce_max3A_2 = vector.multi_reduction <maximumf>, %get3A_1, %reduce_max3A [1] : vector<2048x81xf32> to vector<2048xf32>
    %broadcast_in_dim3A = vector.shape_cast %reduce_max3A_2 : vector<2048xf32> to vector<2048x1xf32>
    %sub3A = vector.broadcast %broadcast_in_dim3A : vector<2048x1xf32> to vector<2048x81xf32>
    %sub3A_3 = arith.subf %get3A_1, %sub3A : vector<2048x81xf32>
    %exp3A = math.exp %sub3A_3 : vector<2048x81xf32>
    %reduce_sum3A = arith.constant dense<0.000000e+00> : vector<2048xf32>
    %reduce_sum3A_4 = vector.multi_reduction <add>, %exp3A, %reduce_sum3A [1] : vector<2048x81xf32> to vector<2048xf32>
    %broadcast_in_dim3A_5 = vector.shape_cast %reduce_sum3A_4 : vector<2048xf32> to vector<2048x1xf32>
    %div3A = vector.broadcast %broadcast_in_dim3A_5 : vector<2048x1xf32> to vector<2048x81xf32>
    %div3A_6 = arith.divf %exp3A, %div3A : vector<2048x81xf32>
    %mul3A = arith.constant 2048 : i32
    %mul3A_7 = arith.muli %arg0, %mul3A : i32
    %iota3A = tpu.iota {dimensions = array<i32: 0>} : vector<2048x81xi32>
    %add3A = vector.broadcast %mul3A_7 : i32 to vector<2048x81xi32>
    %add3A_8 = arith.addi %add3A, %iota3A : vector<2048x81xi32>
    %lt3A = arith.constant 20000 : i32
    %lt3A_9 = vector.broadcast %lt3A : i32 to vector<2048x81xi32>
    %lt3A_10 = arith.cmpi slt, %add3A_8, %lt3A_9 : vector<2048x81xi32>
    %jit3A = arith.constant -1.000000e+00 : f32
    %broadcast_in_dim3A_11 = vector.broadcast %jit3A : f32 to vector<2048x81xf32>
    %select_n3A = arith.select %lt3A_10, %div3A_6, %broadcast_in_dim3A_11 : vector<2048x81xi1>, vector<2048x81xf32>
    %transpose3A = tpu.transpose %select_n3A, [1, 0] : vector<2048x81xf32> -> vector<81x2048xf32>
    %swap3A = arith.constant 0 : index
    %swap3A_12 = arith.constant 0 : index
    %swap3A_13 = vector.load %arg2[%swap3A, %swap3A_12] : memref<81x2048xf32, #tpu.memory_space<vmem>>, vector<81x2048xf32>
    tpu.vector_store %arg2[%swap3A, %swap3A_12], %transpose3A {strides = array<i32>} : memref<81x2048xf32, #tpu.memory_space<vmem>>, vector<81x2048xf32>,
    return
  }
  func.func @transform_0(%arg0: i32) -> (i32, i32) {
    %c0_i32 = arith.constant 0 : i32
    %c0_i32_0 = arith.constant 0 : i32
    return %arg0, %c0_i32 : i32, i32
  }
  func.func @transform_1(%arg0: i32) -> (i32, i32) {
    %c0_i32 = arith.constant 0 : i32
    %c0_i32_0 = arith.constant 0 : i32
    return %c0_i32, %arg0 : i32, i32
  }
}

module attributes {stable_mosaic.version = 14 : i64} {
  func.func @_thresh_body(%arg0: memref<81x20480xf32, #tpu.memory_space<vmem>>, %arg1: memref<81x1xf32, #tpu.memory_space<vmem>>) attributes {dimension_semantics = [], scalar_prefetch = 0 : i64, scratch_operands = 0 : i64, tpu.core_type = #tpu.core_type<tc>} {
    %get3A = arith.constant 0 : index
    %get3A_0 = arith.constant 0 : index
    %get3A_1 = vector.load %arg0[%get3A, %get3A_0] : memref<81x20480xf32, #tpu.memory_space<vmem>>, vector<81x20480xf32>
    %broadcast_in_dim3A = arith.constant 0 : i32
    %broadcast_in_dim3A_2 = vector.broadcast %broadcast_in_dim3A : i32 to vector<81x1xi32>
    %scan3A = arith.constant 0 : i32
    %scan3A_3 = arith.constant 31 : i32
    %scan3A_4 = arith.addi %scan3A, %scan3A_3 : i32
    %scan3A_5 = arith.constant 1 : i32
    %scan3A_6 = scf.for %scan3A_10 = %scan3A to %scan3A_4 step %scan3A_5 iter_args(%scan3A_11 = %broadcast_in_dim3A_2) -> (vector<81x1xi32>)  : i32 {
      %sub3A = arith.constant 30 : i32
      %sub3A_12 = arith.subi %sub3A, %scan3A_10 : i32
      %shift_left3A = arith.constant 1 : i32
      %shift_left3A_13 = arith.shli %shift_left3A, %sub3A_12 : i32
      %or3A = vector.broadcast %shift_left3A_13 : i32 to vector<81x1xi32>
      %or3A_14 = arith.ori %scan3A_11, %or3A : vector<81x1xi32>
      %bitcast_convert_type3A_15 = tpu.bitcast %or3A_14 : vector<81x1xi32> -> vector<81x1xf32>
      %ge3A = vector.broadcast %bitcast_convert_type3A_15 : vector<81x1xf32> to vector<81x20480xf32>
      %ge3A_16 = arith.cmpf oge, %get3A_1, %ge3A : vector<81x20480xf32>
      %convert_element_type3A = arith.extui %ge3A_16 : vector<81x20480xi1> to vector<81x20480xi32>
      %convert_element_type3A_17 = arith.sitofp %convert_element_type3A : vector<81x20480xi32> to vector<81x20480xf32>
      %reduce_sum3A = arith.constant dense<0.000000e+00> : vector<81xf32>
      %reduce_sum3A_18 = vector.multi_reduction <add>, %convert_element_type3A_17, %reduce_sum3A [1] : vector<81x20480xf32> to vector<81xf32>
      %broadcast_in_dim3A_19 = vector.shape_cast %reduce_sum3A_18 : vector<81xf32> to vector<81x1xf32>
      %ge3A_20 = arith.constant 3.000000e+02 : f32
      %ge3A_21 = vector.broadcast %ge3A_20 : f32 to vector<81x1xf32>
      %ge3A_22 = arith.cmpf oge, %broadcast_in_dim3A_19, %ge3A_21 : vector<81x1xf32>
      %select_n3A = arith.select %ge3A_22, %or3A_14, %scan3A_11 : vector<81x1xi1>, vector<81x1xi32>
      scf.yield %select_n3A : vector<81x1xi32>
    }
    %scan3A_7 = arith.constant 31 : i32
    %bitcast_convert_type3A = tpu.bitcast %scan3A_6 : vector<81x1xi32> -> vector<81x1xf32>
    %swap3A = arith.constant 0 : index
    %swap3A_8 = arith.constant 0 : index
    %swap3A_9 = vector.load %arg1[%swap3A, %swap3A_8] : memref<81x1xf32, #tpu.memory_space<vmem>>, vector<81x1xf32>
    tpu.vector_store %arg1[%swap3A, %swap3A_8], %bitcast_convert_type3A {strides = array<i32>} : memref<81x1xf32, #tpu.memory_space<vmem>>, vector<81x1xf32>,
    return
  }
}

module attributes {stable_mosaic.version = 14 : i64} {
  func.func @_decode_nms_body(%arg0: memref<80x300xf32, #tpu.memory_space<vmem>>, %arg1: memref<80x300xf32, #tpu.memory_space<vmem>>, %arg2: memref<80x300xf32, #tpu.memory_space<vmem>>, %arg3: memref<80x300xf32, #tpu.memory_space<vmem>>, %arg4: memref<80x300xf32, #tpu.memory_space<vmem>>, %arg5: memref<80x300xf32, #tpu.memory_space<vmem>>, %arg6: memref<80x300xf32, #tpu.memory_space<vmem>>, %arg7: memref<80x300xf32, #tpu.memory_space<vmem>>, %arg8: memref<80x300xf32, #tpu.memory_space<vmem>>, %arg9: memref<80x300xf32, #tpu.memory_space<vmem>>, %arg10: memref<80x300xf32, #tpu.memory_space<vmem>>, %arg11: memref<80x300xf32, #tpu.memory_space<vmem>>, %arg12: memref<80x300xf32, #tpu.memory_space<vmem>>, %arg13: memref<80x300xf32, #tpu.memory_space<vmem>>, %arg14: memref<300x80xf32, #tpu.memory_space<vmem>>, %arg15: memref<300x80xf32, #tpu.memory_space<vmem>>, %arg16: memref<300x80xf32, #tpu.memory_space<vmem>>, %arg17: memref<300x80xf32, #tpu.memory_space<vmem>>, %arg18: memref<300x80xf32, #tpu.memory_space<vmem>>, %arg19: memref<300x80xf32, #tpu.memory_space<vmem>>, %arg20: memref<300x80xi32, #tpu.memory_space<vmem>>) attributes {dimension_semantics = [], scalar_prefetch = 0 : i64, scratch_operands = 7 : i64, tpu.core_type = #tpu.core_type<tc>} {
    %get3A = arith.constant 0 : index
    %get3A_0 = arith.constant 0 : index
    %get3A_1 = vector.load %arg2[%get3A, %get3A_0] : memref<80x300xf32, #tpu.memory_space<vmem>>, vector<80x300xf32>
    %get3A_2 = arith.constant 0 : index
    %get3A_3 = arith.constant 0 : index
    %get3A_4 = vector.load %arg0[%get3A_2, %get3A_3] : memref<80x300xf32, #tpu.memory_space<vmem>>, vector<80x300xf32>
    %sub3A = arith.subf %get3A_1, %get3A_4 : vector<80x300xf32>
    %add3A = arith.constant 1.000000e+00 : f32
    %add3A_5 = vector.broadcast %add3A : f32 to vector<80x300xf32>
    %add3A_6 = arith.addf %sub3A, %add3A_5 : vector<80x300xf32>
    %get3A_7 = arith.constant 0 : index
    %get3A_8 = arith.constant 0 : index
    %get3A_9 = vector.load %arg3[%get3A_7, %get3A_8] : memref<80x300xf32, #tpu.memory_space<vmem>>, vector<80x300xf32>
    %get3A_10 = arith.constant 0 : index
    %get3A_11 = arith.constant 0 : index
    %get3A_12 = vector.load %arg1[%get3A_10, %get3A_11] : memref<80x300xf32, #tpu.memory_space<vmem>>, vector<80x300xf32>
    %sub3A_13 = arith.subf %get3A_9, %get3A_12 : vector<80x300xf32>
    %add3A_14 = arith.constant 1.000000e+00 : f32
    %add3A_15 = vector.broadcast %add3A_14 : f32 to vector<80x300xf32>
    %add3A_16 = arith.addf %sub3A_13, %add3A_15 : vector<80x300xf32>
    %get3A_17 = arith.constant 0 : index
    %get3A_18 = arith.constant 0 : index
    %get3A_19 = vector.load %arg0[%get3A_17, %get3A_18] : memref<80x300xf32, #tpu.memory_space<vmem>>, vector<80x300xf32>
    %mul3A = arith.constant 5.000000e-01 : f32
    %mul3A_20 = vector.broadcast %mul3A : f32 to vector<80x300xf32>
    %mul3A_21 = arith.mulf %mul3A_20, %add3A_6 : vector<80x300xf32>
    %add3A_22 = arith.addf %get3A_19, %mul3A_21 : vector<80x300xf32>
    %get3A_23 = arith.constant 0 : index
    %get3A_24 = arith.constant 0 : index
    %get3A_25 = vector.load %arg1[%get3A_23, %get3A_24] : memref<80x300xf32, #tpu.memory_space<vmem>>, vector<80x300xf32>
    %mul3A_26 = arith.constant 5.000000e-01 : f32
    %mul3A_27 = vector.broadcast %mul3A_26 : f32 to vector<80x300xf32>
    %mul3A_28 = arith.mulf %mul3A_27, %add3A_16 : vector<80x300xf32>
    %add3A_29 = arith.addf %get3A_25, %mul3A_28 : vector<80x300xf32>
    %get3A_30 = arith.constant 0 : index
    %get3A_31 = arith.constant 0 : index
    %get3A_32 = vector.load %arg4[%get3A_30, %get3A_31] : memref<80x300xf32, #tpu.memory_space<vmem>>, vector<80x300xf32>
    %mul3A_33 = arith.constant 1.000000e-01 : f32
    %mul3A_34 = vector.broadcast %mul3A_33 : f32 to vector<80x300xf32>
    %mul3A_35 = arith.mulf %get3A_32, %mul3A_34 : vector<80x300xf32>
    %get3A_36 = arith.constant 0 : index
    %get3A_37 = arith.constant 0 : index
    %get3A_38 = vector.load %arg5[%get3A_36, %get3A_37] : memref<80x300xf32, #tpu.memory_space<vmem>>, vector<80x300xf32>
    %mul3A_39 = arith.constant 1.000000e-01 : f32
    %mul3A_40 = vector.broadcast %mul3A_39 : f32 to vector<80x300xf32>
    %mul3A_41 = arith.mulf %get3A_38, %mul3A_40 : vector<80x300xf32>
    %get3A_42 = arith.constant 0 : index
    %get3A_43 = arith.constant 0 : index
    %get3A_44 = vector.load %arg6[%get3A_42, %get3A_43] : memref<80x300xf32, #tpu.memory_space<vmem>>, vector<80x300xf32>
    %mul3A_45 = arith.constant 2.000000e-01 : f32
    %mul3A_46 = vector.broadcast %mul3A_45 : f32 to vector<80x300xf32>
    %mul3A_47 = arith.mulf %get3A_44, %mul3A_46 : vector<80x300xf32>
    %min3A = arith.constant 4.13516665 : f32
    %min3A_48 = vector.broadcast %min3A : f32 to vector<80x300xf32>
    %min3A_49 = arith.minimumf %mul3A_47, %min3A_48 : vector<80x300xf32>
    %get3A_50 = arith.constant 0 : index
    %get3A_51 = arith.constant 0 : index
    %get3A_52 = vector.load %arg7[%get3A_50, %get3A_51] : memref<80x300xf32, #tpu.memory_space<vmem>>, vector<80x300xf32>
    %mul3A_53 = arith.constant 2.000000e-01 : f32
    %mul3A_54 = vector.broadcast %mul3A_53 : f32 to vector<80x300xf32>
    %mul3A_55 = arith.mulf %get3A_52, %mul3A_54 : vector<80x300xf32>
    %min3A_56 = arith.constant 4.13516665 : f32
    %min3A_57 = vector.broadcast %min3A_56 : f32 to vector<80x300xf32>
    %min3A_58 = arith.minimumf %mul3A_55, %min3A_57 : vector<80x300xf32>
    %mul3A_59 = arith.mulf %mul3A_35, %add3A_6 : vector<80x300xf32>
    %add3A_60 = arith.addf %mul3A_59, %add3A_22 : vector<80x300xf32>
    %mul3A_61 = arith.mulf %mul3A_41, %add3A_16 : vector<80x300xf32>
    %add3A_62 = arith.addf %mul3A_61, %add3A_29 : vector<80x300xf32>
    %exp3A = math.exp %min3A_49 : vector<80x300xf32>
    %mul3A_63 = arith.mulf %exp3A, %add3A_6 : vector<80x300xf32>
    %exp3A_64 = math.exp %min3A_58 : vector<80x300xf32>
    %mul3A_65 = arith.mulf %exp3A_64, %add3A_16 : vector<80x300xf32>
    %mul3A_66 = arith.constant 5.000000e-01 : f32
    %mul3A_67 = vector.broadcast %mul3A_66 : f32 to vector<80x300xf32>
    %mul3A_68 = arith.mulf %mul3A_67, %mul3A_63 : vector<80x300xf32>
    %sub3A_69 = arith.subf %add3A_60, %mul3A_68 : vector<80x300xf32>
    %jit3A = arith.constant 0.000000e+00 : f32
    %jit3A_70 = arith.constant 1.023000e+03 : f32
    %max3A = vector.broadcast %jit3A : f32 to vector<80x300xf32>
    %max3A_71 = arith.maximumf %max3A, %sub3A_69 : vector<80x300xf32>
    %min3A_72 = vector.broadcast %jit3A_70 : f32 to vector<80x300xf32>
    %min3A_73 = arith.minimumf %min3A_72, %max3A_71 : vector<80x300xf32>
    %mul3A_74 = arith.constant 5.000000e-01 : f32
    %mul3A_75 = vector.broadcast %mul3A_74 : f32 to vector<80x300xf32>
    %mul3A_76 = arith.mulf %mul3A_75, %mul3A_65 : vector<80x300xf32>
    %sub3A_77 = arith.subf %add3A_62, %mul3A_76 : vector<80x300xf32>
    %jit3A_78 = arith.constant 0.000000e+00 : f32
    %jit3A_79 = arith.constant 1.023000e+03 : f32
    %max3A_80 = vector.broadcast %jit3A_78 : f32 to vector<80x300xf32>
    %max3A_81 = arith.maximumf %max3A_80, %sub3A_77 : vector<80x300xf32>
    %min3A_82 = vector.broadcast %jit3A_79 : f32 to vector<80x300xf32>
    %min3A_83 = arith.minimumf %min3A_82, %max3A_81 : vector<80x300xf32>
    %mul3A_84 = arith.constant 5.000000e-01 : f32
    %mul3A_85 = vector.broadcast %mul3A_84 : f32 to vector<80x300xf32>
    %mul3A_86 = arith.mulf %mul3A_85, %mul3A_63 : vector<80x300xf32>
    %add3A_87 = arith.addf %add3A_60, %mul3A_86 : vector<80x300xf32>
    %sub3A_88 = arith.constant 1.000000e+00 : f32
    %sub3A_89 = vector.broadcast %sub3A_88 : f32 to vector<80x300xf32>
    %sub3A_90 = arith.subf %add3A_87, %sub3A_89 : vector<80x300xf32>
    %jit3A_91 = arith.constant 0.000000e+00 : f32
    %jit3A_92 = arith.constant 1.023000e+03 : f32
    %max3A_93 = vector.broadcast %jit3A_91 : f32 to vector<80x300xf32>
    %max3A_94 = arith.maximumf %max3A_93, %sub3A_90 : vector<80x300xf32>
    %min3A_95 = vector.broadcast %jit3A_92 : f32 to vector<80x300xf32>
    %min3A_96 = arith.minimumf %min3A_95, %max3A_94 : vector<80x300xf32>
    %mul3A_97 = arith.constant 5.000000e-01 : f32
    %mul3A_98 = vector.broadcast %mul3A_97 : f32 to vector<80x300xf32>
    %mul3A_99 = arith.mulf %mul3A_98, %mul3A_65 : vector<80x300xf32>
    %add3A_100 = arith.addf %add3A_62, %mul3A_99 : vector<80x300xf32>
    %sub3A_101 = arith.constant 1.000000e+00 : f32
    %sub3A_102 = vector.broadcast %sub3A_101 : f32 to vector<80x300xf32>
    %sub3A_103 = arith.subf %add3A_100, %sub3A_102 : vector<80x300xf32>
    %jit3A_104 = arith.constant 0.000000e+00 : f32
    %jit3A_105 = arith.constant 1.023000e+03 : f32
    %max3A_106 = vector.broadcast %jit3A_104 : f32 to vector<80x300xf32>
    %max3A_107 = arith.maximumf %max3A_106, %sub3A_103 : vector<80x300xf32>
    %min3A_108 = vector.broadcast %jit3A_105 : f32 to vector<80x300xf32>
    %min3A_109 = arith.minimumf %min3A_108, %max3A_107 : vector<80x300xf32>
    %swap3A = arith.constant 0 : index
    %swap3A_110 = arith.constant 0 : index
    %swap3A_111 = vector.load %arg9[%swap3A, %swap3A_110] : memref<80x300xf32, #tpu.memory_space<vmem>>, vector<80x300xf32>
    tpu.vector_store %arg9[%swap3A, %swap3A_110], %min3A_73 {strides = array<i32>} : memref<80x300xf32, #tpu.memory_space<vmem>>, vector<80x300xf32>,
    %swap3A_112 = arith.constant 0 : index
    %swap3A_113 = arith.constant 0 : index
    %swap3A_114 = vector.load %arg10[%swap3A_112, %swap3A_113] : memref<80x300xf32, #tpu.memory_space<vmem>>, vector<80x300xf32>
    tpu.vector_store %arg10[%swap3A_112, %swap3A_113], %min3A_83 {strides = array<i32>} : memref<80x300xf32, #tpu.memory_space<vmem>>, vector<80x300xf32>,
    %swap3A_115 = arith.constant 0 : index
    %swap3A_116 = arith.constant 0 : index
    %swap3A_117 = vector.load %arg11[%swap3A_115, %swap3A_116] : memref<80x300xf32, #tpu.memory_space<vmem>>, vector<80x300xf32>
    tpu.vector_store %arg11[%swap3A_115, %swap3A_116], %min3A_96 {strides = array<i32>} : memref<80x300xf32, #tpu.memory_space<vmem>>, vector<80x300xf32>,
    %swap3A_118 = arith.constant 0 : index
    %swap3A_119 = arith.constant 0 : index
    %swap3A_120 = vector.load %arg12[%swap3A_118, %swap3A_119] : memref<80x300xf32, #tpu.memory_space<vmem>>, vector<80x300xf32>
    tpu.vector_store %arg12[%swap3A_118, %swap3A_119], %min3A_109 {strides = array<i32>} : memref<80x300xf32, #tpu.memory_space<vmem>>, vector<80x300xf32>,
    %transpose3A = tpu.transpose %min3A_73, [1, 0] : vector<80x300xf32> -> vector<300x80xf32>
    %transpose3A_121 = tpu.transpose %min3A_83, [1, 0] : vector<80x300xf32> -> vector<300x80xf32>
    %transpose3A_122 = tpu.transpose %min3A_96, [1, 0] : vector<80x300xf32> -> vector<300x80xf32>
    %transpose3A_123 = tpu.transpose %min3A_109, [1, 0] : vector<80x300xf32> -> vector<300x80xf32>
    %get3A_124 = arith.constant 0 : index
    %get3A_125 = arith.constant 0 : index
    %get3A_126 = vector.load %arg8[%get3A_124, %get3A_125] : memref<80x300xf32, #tpu.memory_space<vmem>>, vector<80x300xf32>
    %transpose3A_127 = tpu.transpose %get3A_126, [1, 0] : vector<80x300xf32> -> vector<300x80xf32>
    %swap3A_128 = arith.constant 0 : index
    %swap3A_129 = arith.constant 0 : index
    %swap3A_130 = vector.load %arg14[%swap3A_128, %swap3A_129] : memref<300x80xf32, #tpu.memory_space<vmem>>, vector<300x80xf32>
    tpu.vector_store %arg14[%swap3A_128, %swap3A_129], %transpose3A {strides = array<i32>} : memref<300x80xf32, #tpu.memory_space<vmem>>, vector<300x80xf32>,
    %swap3A_131 = arith.constant 0 : index
    %swap3A_132 = arith.constant 0 : index
    %swap3A_133 = vector.load %arg15[%swap3A_131, %swap3A_132] : memref<300x80xf32, #tpu.memory_space<vmem>>, vector<300x80xf32>
    tpu.vector_store %arg15[%swap3A_131, %swap3A_132], %transpose3A_121 {strides = array<i32>} : memref<300x80xf32, #tpu.memory_space<vmem>>, vector<300x80xf32>,
    %swap3A_134 = arith.constant 0 : index
    %swap3A_135 = arith.constant 0 : index
    %swap3A_136 = vector.load %arg16[%swap3A_134, %swap3A_135] : memref<300x80xf32, #tpu.memory_space<vmem>>, vector<300x80xf32>
    tpu.vector_store %arg16[%swap3A_134, %swap3A_135], %transpose3A_122 {strides = array<i32>} : memref<300x80xf32, #tpu.memory_space<vmem>>, vector<300x80xf32>,
    %swap3A_137 = arith.constant 0 : index
    %swap3A_138 = arith.constant 0 : index
    %swap3A_139 = vector.load %arg17[%swap3A_137, %swap3A_138] : memref<300x80xf32, #tpu.memory_space<vmem>>, vector<300x80xf32>
    tpu.vector_store %arg17[%swap3A_137, %swap3A_138], %transpose3A_123 {strides = array<i32>} : memref<300x80xf32, #tpu.memory_space<vmem>>, vector<300x80xf32>,
    %swap3A_140 = arith.constant 0 : index
    %swap3A_141 = arith.constant 0 : index
    %swap3A_142 = vector.load %arg18[%swap3A_140, %swap3A_141] : memref<300x80xf32, #tpu.memory_space<vmem>>, vector<300x80xf32>
    tpu.vector_store %arg18[%swap3A_140, %swap3A_141], %transpose3A_127 {strides = array<i32>} : memref<300x80xf32, #tpu.memory_space<vmem>>, vector<300x80xf32>,
    %sub3A_143 = arith.subf %transpose3A_122, %transpose3A : vector<300x80xf32>
    %add3A_144 = arith.constant 1.000000e+00 : f32
    %add3A_145 = vector.broadcast %add3A_144 : f32 to vector<300x80xf32>
    %add3A_146 = arith.addf %sub3A_143, %add3A_145 : vector<300x80xf32>
    %sub3A_147 = arith.subf %transpose3A_123, %transpose3A_121 : vector<300x80xf32>
    %add3A_148 = arith.constant 1.000000e+00 : f32
    %add3A_149 = vector.broadcast %add3A_148 : f32 to vector<300x80xf32>
    %add3A_150 = arith.addf %sub3A_147, %add3A_149 : vector<300x80xf32>
    %mul3A_151 = arith.mulf %add3A_146, %add3A_150 : vector<300x80xf32>
    %le3A = arith.constant 5.000000e-02 : f32
    %le3A_152 = vector.broadcast %le3A : f32 to vector<300x80xf32>
    %le3A_153 = arith.cmpf ole, %transpose3A_127, %le3A_152 : vector<300x80xf32>
    %convert_element_type3A = arith.extui %le3A_153 : vector<300x80xi1> to vector<300x80xi32>
    %swap3A_154 = arith.constant 0 : index
    %swap3A_155 = arith.constant 0 : index
    %swap3A_156 = vector.load %arg20[%swap3A_154, %swap3A_155] : memref<300x80xi32, #tpu.memory_space<vmem>>, vector<300x80xi32>
    tpu.vector_store %arg20[%swap3A_154, %swap3A_155], %convert_element_type3A {strides = array<i32>} : memref<300x80xi32, #tpu.memory_space<vmem>>, vector<300x80xi32>,
    %scan3A = arith.constant 0 : i32
    %scan3A_157 = arith.constant 300 : i32
    %scan3A_158 = arith.addi %scan3A, %scan3A_157 : i32
    %scan3A_159 = arith.constant 1 : i32
    scf.for %scan3A_168 = %scan3A to %scan3A_158 step %scan3A_159  : i32 {
      %get3A_169 = arith.index_cast %scan3A_168 : i32 to index
      %get3A_170 = arith.constant 0 : index
      %get3A_171 = vector.load %arg14[%get3A_169, %get3A_170] : memref<300x80xf32, #tpu.memory_space<vmem>>, vector<1x80xf32>
      %get3A_172 = arith.index_cast %scan3A_168 : i32 to index
      %get3A_173 = arith.constant 0 : index
      %get3A_174 = vector.load %arg15[%get3A_172, %get3A_173] : memref<300x80xf32, #tpu.memory_space<vmem>>, vector<1x80xf32>
      %get3A_175 = arith.index_cast %scan3A_168 : i32 to index
      %get3A_176 = arith.constant 0 : index
      %get3A_177 = vector.load %arg16[%get3A_175, %get3A_176] : memref<300x80xf32, #tpu.memory_space<vmem>>, vector<1x80xf32>
      %get3A_178 = arith.index_cast %scan3A_168 : i32 to index
      %get3A_179 = arith.constant 0 : index
      %get3A_180 = vector.load %arg17[%get3A_178, %get3A_179] : memref<300x80xf32, #tpu.memory_space<vmem>>, vector<1x80xf32>
      %get3A_181 = arith.index_cast %scan3A_168 : i32 to index
      %get3A_182 = arith.constant 0 : index
      %get3A_183 = vector.load %arg18[%get3A_181, %get3A_182] : memref<300x80xf32, #tpu.memory_space<vmem>>, vector<1x80xf32>
      %sub3A_184 = arith.subf %get3A_177, %get3A_171 : vector<1x80xf32>
      %add3A_185 = arith.constant 1.000000e+00 : f32
      %add3A_186 = vector.broadcast %add3A_185 : f32 to vector<1x80xf32>
      %add3A_187 = arith.addf %sub3A_184, %add3A_186 : vector<1x80xf32>
      %sub3A_188 = arith.subf %get3A_180, %get3A_174 : vector<1x80xf32>
      %add3A_189 = arith.constant 1.000000e+00 : f32
      %add3A_190 = vector.broadcast %add3A_189 : f32 to vector<1x80xf32>
      %add3A_191 = arith.addf %sub3A_188, %add3A_190 : vector<1x80xf32>
      %mul3A_192 = arith.mulf %add3A_187, %add3A_191 : vector<1x80xf32>
      %get3A_193 = arith.index_cast %scan3A_168 : i32 to index
      %get3A_194 = arith.constant 0 : index
      %get3A_195 = vector.load %arg20[%get3A_193, %get3A_194] : memref<300x80xi32, #tpu.memory_space<vmem>>, vector<1x80xi32>
      %eq3A = arith.constant 0 : i32
      %eq3A_196 = vector.broadcast %eq3A : i32 to vector<1x80xi32>
      %eq3A_197 = arith.cmpi eq, %get3A_195, %eq3A_196 : vector<1x80xi32>
      %min3A_198 = vector.broadcast %get3A_177 : vector<1x80xf32> to vector<300x80xf32>
      %min3A_199 = arith.minimumf %min3A_198, %transpose3A_122 : vector<300x80xf32>
      %max3A_200 = vector.broadcast %get3A_171 : vector<1x80xf32> to vector<300x80xf32>
      %max3A_201 = arith.maximumf %max3A_200, %transpose3A : vector<300x80xf32>
      %sub3A_202 = arith.subf %min3A_199, %max3A_201 : vector<300x80xf32>
      %add3A_203 = arith.constant 1.000000e+00 : f32
      %add3A_204 = vector.broadcast %add3A_203 : f32 to vector<300x80xf32>
      %add3A_205 = arith.addf %sub3A_202, %add3A_204 : vector<300x80xf32>
      %max3A_206 = arith.constant 0.000000e+00 : f32
      %max3A_207 = vector.broadcast %max3A_206 : f32 to vector<300x80xf32>
      %max3A_208 = arith.maximumf %add3A_205, %max3A_207 : vector<300x80xf32>
      %min3A_209 = vector.broadcast %get3A_180 : vector<1x80xf32> to vector<300x80xf32>
      %min3A_210 = arith.minimumf %min3A_209, %transpose3A_123 : vector<300x80xf32>
      %max3A_211 = vector.broadcast %get3A_174 : vector<1x80xf32> to vector<300x80xf32>
      %max3A_212 = arith.maximumf %max3A_211, %transpose3A_121 : vector<300x80xf32>
      %sub3A_213 = arith.subf %min3A_210, %max3A_212 : vector<300x80xf32>
      %add3A_214 = arith.constant 1.000000e+00 : f32
      %add3A_215 = vector.broadcast %add3A_214 : f32 to vector<300x80xf32>
      %add3A_216 = arith.addf %sub3A_213, %add3A_215 : vector<300x80xf32>
      %max3A_217 = arith.constant 0.000000e+00 : f32
      %max3A_218 = vector.broadcast %max3A_217 : f32 to vector<300x80xf32>
      %max3A_219 = arith.maximumf %add3A_216, %max3A_218 : vector<300x80xf32>
      %mul3A_220 = arith.mulf %max3A_208, %max3A_219 : vector<300x80xf32>
      %add3A_221 = vector.broadcast %mul3A_192 : vector<1x80xf32> to vector<300x80xf32>
      %add3A_222 = arith.addf %add3A_221, %mul3A_151 : vector<300x80xf32>
      %sub3A_223 = arith.subf %add3A_222, %mul3A_220 : vector<300x80xf32>
      %mul3A_224 = arith.constant 5.000000e-01 : f32
      %mul3A_225 = vector.broadcast %mul3A_224 : f32 to vector<300x80xf32>
      %mul3A_226 = arith.mulf %mul3A_225, %sub3A_223 : vector<300x80xf32>
      %gt3A = arith.cmpf ogt, %mul3A_220, %mul3A_226 : vector<300x80xf32>
      %jit3A_227 = arith.constant -1.000000e+09 : f32
      %broadcast_in_dim3A = vector.broadcast %jit3A_227 : f32 to vector<1x80xf32>
      %select_n3A = arith.select %eq3A_197, %get3A_183, %broadcast_in_dim3A : vector<1x80xi1>, vector<1x80xf32>
      %swap3A_228 = arith.index_cast %scan3A_168 : i32 to index
      %swap3A_229 = arith.constant 0 : index
      %swap3A_230 = vector.load %arg19[%swap3A_228, %swap3A_229] : memref<300x80xf32, #tpu.memory_space<vmem>>, vector<1x80xf32>
      tpu.vector_store %arg19[%swap3A_228, %swap3A_229], %select_n3A {strides = array<i32>} : memref<300x80xf32, #tpu.memory_space<vmem>>, vector<1x80xf32>,
      %and3A = vector.broadcast %eq3A_197 : vector<1x80xi1> to vector<300x80xi1>
      %and3A_231 = arith.andi %and3A, %gt3A : vector<300x80xi1>
      %convert_element_type3A_232 = arith.extui %and3A_231 : vector<300x80xi1> to vector<300x80xi32>
      %get3A_233 = arith.constant 0 : index
      %get3A_234 = arith.constant 0 : index
      %get3A_235 = vector.load %arg20[%get3A_233, %get3A_234] : memref<300x80xi32, #tpu.memory_space<vmem>>, vector<300x80xi32>
      %max3A_236 = arith.maxsi %get3A_235, %convert_element_type3A_232 : vector<300x80xi32>
      %swap3A_237 = arith.constant 0 : index
      %swap3A_238 = arith.constant 0 : index
      %swap3A_239 = vector.load %arg20[%swap3A_237, %swap3A_238] : memref<300x80xi32, #tpu.memory_space<vmem>>, vector<300x80xi32>
      tpu.vector_store %arg20[%swap3A_237, %swap3A_238], %max3A_236 {strides = array<i32>} : memref<300x80xi32, #tpu.memory_space<vmem>>, vector<300x80xi32>,
    }
    %scan3A_160 = arith.constant 300 : i32
    %get3A_161 = arith.constant 0 : index
    %get3A_162 = arith.constant 0 : index
    %get3A_163 = vector.load %arg19[%get3A_161, %get3A_162] : memref<300x80xf32, #tpu.memory_space<vmem>>, vector<300x80xf32>
    %transpose3A_164 = tpu.transpose %get3A_163, [1, 0] : vector<300x80xf32> -> vector<80x300xf32>
    %swap3A_165 = arith.constant 0 : index
    %swap3A_166 = arith.constant 0 : index
    %swap3A_167 = vector.load %arg13[%swap3A_165, %swap3A_166] : memref<80x300xf32, #tpu.memory_space<vmem>>, vector<80x300xf32>
    tpu.vector_store %arg13[%swap3A_165, %swap3A_166], %transpose3A_164 {strides = array<i32>} : memref<80x300xf32, #tpu.memory_space<vmem>>, vector<80x300xf32>,
    return
  }
}

</mosaic_0001>

<sc_bundles>
// kernel: gather_offload_async_start.1
scs
__scs_entry_jumppad:
0x0: {  	(pc) =	sbr.rel $0x88, $3  }
0x1: {  	(tag) =	ssettag $0x0;
	lr =	simm.s32 $0x1  }
0x2: {  	[smem:$0x3F9E] =	sst lr;
	_ =	strace $0xD0000000  }
0x3: {  	_ = 	snop  }
0x4: {  	_ = 	snop  }
0x5: {  	_ = 	snop  }
0x6: {  	_ = 	snop  }
0x7: {  	_ = 	snop  }
__scs_overlays_trampoline_lowered:
0x8: {  	[smem:$0x3FAD] =	sst s0  }
0x9: {  	[smem:$0x3FAE] =	sst s1  }
0xa: {  	[smem:$0x3FAF] =	sst s2  }
0xb: {  	[smem:$0x3FB0] =	sst s3  }
0xc: {  	[smem:$0x3FB1] =	sst s4  }
0xd: {  	[smem:$0x3FB2] =	sst s5  }
0xe: {  	[smem:$0x3FB3] =	sst s6  }
0xf: {  	[smem:$0x3FB4] =	sst s7  }
0x10: {  	[smem:$0x3FB5] =	sst s8  }
0x11: {  	[smem:$0x3FB6] =	sst s9;
	s0 =	simm.s32 @!p0 $0x0  }
0x12: {  	s1 =	sld [smem:$0x3F9C];
	s0 =	simm.s32 @p0 $0x1  }
0x13: {  	[smem:$0x3FB7] =	sst s0;
	s0 =	simm.s32 @!p1 $0x0  }
0x14: {  	s2 =	sld [smem:$0x3F9B];
	s0 =	simm.s32 @p1 $0x1  }
0x15: {  	[smem:$0x3FB8] =	sst s0;
	s0 =	simm.s32 @!p2 $0x0  }
0x16: {  	s3 =	sld [smem:$0x3FDB];
	s0 =	simm.s32 @p2 $0x1  }
0x17: {  	s4 =	simm.s32 $0x1BF5;
	[smem:$0x3FBA] =	sst s0  }
0x18: {  	s0 =	sld [smem:$0x3F9D];
	_ =	swait.ge [sflag:s4], $0x0  }
0x19: {  	s7 =	sld [smem:$0x3F9E]  }
0x1a: {  	s8 =	sadd.s32 $0xFFFFE003, lr  }
0x1b: {  	s9 =	sadd.s32 $0xFFFFFEF7, lr;
	s5 =	simm.s32 $0xFFFFFFFF;
	p2 =	slt.u32 s8, $0xFFFFF086  }
0x1c: {  	p1 =	slt.u32 s9, $0xF7A;
	s5 =	simm.s32 @!p2 $0x0  }
0x1d: {  	s5 =	simm.s32 @p1 $0x1;
	p0 =	seq.s32 s7, s2  }
0x1e: {  	s7 =	smul.u32 @!p0 $0xF7A, s2;
	p2 =	seq.s32 @!p0 s5, $0x0  }
0x1f: {  	s9 =	smul.u32 $0xF7A, s1;
	s8 =	simm.s32 @!p0 $0x1BF5;
	p2 =	por !p2, p0  }
0x20: {  	[sflag:s8] =	ssyncset.s32 @!p0 $0xFFFFF086;
	s6 =	sadd.s32 @!p0 s3, s7;
	s7 =	simm.s32 @!p0 $0x108  }
0x21: {  	s3 =	sadd.s32 s3, s9;
	s6 =	sadd.s32 @!p0 $0x88, s6;
	s7 =	simm.s32 @p2 $0x1082  }
0x22: {  	[simem:s7], [sflag:s8] =	dma.local @!p0 [hbm:s6], $0xF7A  }
0x23: {  	s9 =	sor.u32 $0xD0000000, s2;
	s6 =	simm.s32 $0x108;
	_ =	swait.ge @!p0 [sflag:s8], $0x0  }
0x24: {  	s3 =	sadd.s32 $0x88, s3;
	s6 =	simm.s32 @!p1 $0x1082;
	[sflag:s4] =	ssyncset.s32 $0xFFFFF086  }
0x25: {  	[simem:s6], [sflag:s4] =	dma.local [hbm:s3], $0xF7A  }
0x26: {  	[smem:$0x3F9E] =	sst s1;
	(tag) =	ssettag s2;
	_ =	strace s9  }
0x27: {  	s1 =	sld [smem:$0x3FAE]  }
0x28: {  	s2 =	sld [smem:$0x3FAF]  }
0x29: {  	s4 =	sld [smem:$0x3FB1]  }
0x2a: {  	p0 =	seq.s32 s5, $0x0;
	s5 =	sld [smem:$0x3FB2]  }
0x2b: {  	s6 =	sld [smem:$0x3FB3]  }
0x2c: {  	s7 =	sld [smem:$0x3FB4]  }
0x2d: {  	s3 =	simm.s32 $0x108;
	s8 =	sld [smem:$0x3FB5]  }
0x2e: {  	s3 =	simm.s32 @!p0 $0x1082;
	s9 =	sld [smem:$0x3FB6]  }
0x2f: {  	lr =	sadd.s32 s0, s3;
	s0 =	sld [smem:$0x3FAD]  }
0x30: {  	s3 =	sld [smem:$0x3FB0]  }
0x31: {  	[smem:$0x3FB9] =	sst s10  }
0x32: {  	s10 =	sld [smem:$0x3FB7];
	_ =	sdelay $0x3  }
0x33: {  	p0 =	seq.s32 s10, $0x1;
	s10 =	sld [smem:$0x3FB9];
	_ =	sdelay $0x3  }
0x34: {  	[smem:$0x3FB9] =	sst s10  }
0x35: {  	s10 =	sld [smem:$0x3FB8];
	_ =	sdelay $0x3  }
0x36: {  	p1 =	seq.s32 s10, $0x1;
	s10 =	sld [smem:$0x3FB9];
	_ =	sdelay $0x3  }
0x37: {  	[smem:$0x3FB9] =	sst s10  }
0x38: {  	s10 =	sld [smem:$0x3FBA]  }
0x39: {  	_ = 	snop;
	(pc) =	sbr.ind lr, $3  }
0x3a: {  	_ = 	snop  }
0x3b: {  	_ = 	snop  }
0x3c: {  	p2 =	seq.s32 s10, $0x1;
	s10 =	sld [smem:$0x3FB9]  }
0x3d: {  	_ =	shalt  }
0x3e: {  	_ =	shalt  }
0x3f: {  	_ =	shalt  }
0x40: {  	_ =	shalt  }
0x41: {  	_ =	shalt  }
0x42: {  	_ =	shalt  }
0x43: {  	_ =	shalt  }
0x44: {  	_ =	shalt  }
0x45: {  	_ =	shalt  }
0x46: {  	_ =	shalt  }
0x47: {  	_ =	shalt  }
0x48: {  	_ =	shalt  }
0x49: {  	_ =	shalt  }
0x4a: {  	_ =	shalt  }
0x4b: {  	_ =	shalt  }
0x4c: {  	_ =	shalt  }
0x4d: {  	_ =	shalt  }
0x4e: {  	_ =	shalt  }
0x4f: {  	_ =	shalt  }
0x50: {  	_ =	shalt  }
0x51: {  	_ =	shalt  }
0x52: {  	_ =	shalt  }
0x53: {  	_ =	shalt  }
0x54: {  	_ =	shalt  }
0x55: {  	_ =	shalt  }
0x56: {  	_ =	shalt  }
0x57: {  	_ =	shalt  }
0x58: {  	_ =	shalt  }
0x59: {  	_ =	shalt  }
0x5a: {  	_ =	shalt  }
0x5b: {  	_ =	shalt  }
0x5c: {  	_ =	shalt  }
0x5d: {  	_ =	shalt  }
0x5e: {  	_ =	shalt  }
0x5f: {  	_ =	shalt  }
0x60: {  	_ =	shalt  }
0x61: {  	_ =	shalt  }
0x62: {  	_ =	shalt  }
0x63: {  	_ =	shalt  }
0x64: {  	_ =	shalt  }
0x65: {  	_ =	shalt  }
0x66: {  	_ =	shalt  }
0x67: {  	_ =	shalt  }
0x68: {  	_ =	shalt  }
0x69: {  	_ =	shalt  }
0x6a: {  	_ =	shalt  }
0x6b: {  	_ =	shalt  }
0x6c: {  	_ =	shalt  }
0x6d: {  	_ =	shalt  }
0x6e: {  	_ =	shalt  }
0x6f: {  	_ =	shalt  }
0x70: {  	_ =	shalt  }
0x71: {  	_ =	shalt  }
0x72: {  	_ =	shalt  }
0x73: {  	_ =	shalt  }
0x74: {  	_ =	shalt  }
0x75: {  	_ =	shalt  }
0x76: {  	_ =	shalt  }
0x77: {  	_ =	shalt  }
0x78: {  	_ =	shalt  }
0x79: {  	_ =	shalt  }
0x7a: {  	_ =	shalt  }
0x7b: {  	_ =	shalt  }
0x7c: {  	_ =	shalt  }
0x7d: {  	_ =	shalt  }
0x7e: {  	_ =	shalt  }
0x7f: {  	_ =	shalt  }
0x80: {  	_ =	shalt  }
0x81: {  	_ =	shalt  }
0x82: {  	_ =	shalt  }
0x83: {  	_ =	shalt  }
0x84: {  	_ =	shalt  }
0x85: {  	_ =	shalt  }
0x86: {  	_ =	shalt  }
0x87: {  	_ =	shalt  }
.Lfunc_end0:
.L_simem_size_0:
called_computation.1_lowered:
.L_overlay_start_0:
0x88: {  	s2 =	sld [smem:$0x3FD9]  }
0x89: {  	s3 =	sld [smem:$0x3FFE];
	_ =	sdelay $0x1  }
0x8a: {  	s1 =	srdreg.scid  }
0x8b: {  	s0 =	sand.u32 $0x1, s1  }
0x8c: {  	s16 =	sshll.u32 s0, $0xA;
	s2 =	sadd.s32 s3, s2  }
0x8d: {  	s2 =	sadd.s32 s2, s16  }
0x8e: {  	[smem:$0x3FC5] =	sst s2  }
0x8f: {  	_ = 	snop  }
0x90: {  	(tm) =	ssettm $0x1  }
0x91: {  	s17 =	sld [smem:$0x3FFB];
	_ =	sdelay $0x3  }
0x92: {  	_ =	strace s17  }
0x93: {  	s2 =	sld [smem:$0x3FFC];
	_ =	sdelay $0x3  }
0x94: {  	_ =	strace s2  }
0x95: {  	s2 =	sld [smem:$0x3FFD];
	_ =	sdelay $0x3  }
0x96: {  	_ =	strace s2  }
0x97: {  	_ =	strace $0x8FFFFFFF  }
0x98: {  	s18 =	sld [smem:$0x3FDB];
	_ =	sdelay $0x1  }
0x99: {  	s19 =	simm.s32 $_scs_section_size  }
0x9a: {  	s4 =	simm.s32 $_size__tile_overlayer_lowered;
	s5 =	simm.s32 $_tile_overlayer_lowered  }
0x9b: {  	s22 =	simm.s32 $0x1BFF;
	s21 =	sshll.u32 s5, $0x1;
	s2 =	sadd.s32 s19, s18  }
0x9c: {  	s6 =	simm.s32 $0x0;
	s20 =	sshll.u32 s4, $0x1;
	s4 =	sadd.s32 s21, s2  }
0x9d: {  	[timem:s6], [sflag:s22] =	dma.local [hbm:s4], s20  }
0x9e: {  	_ =	swait.ge [sflag:s22], s20  }
0x9f: {  	s3 =	ssub.s32 $0x0, s20;
	[sflag:s22] =	ssyncset.done $0x0  }
0xa0: {  	[sflag:s22] =	ssyncadd.s32 s3;
	_ =	sdelay $0x1  }
0xa1: {  	s23 =	simm.s32 $0x1B8B  }
0xa2: {  	_ =	swait.ge [sflag:s23], $0x1  }
0xa3: {  	[sflag:s23] =	ssyncset.done $0x0  }
0xa4: {  	s25 =	simm.s32 $0x1B8E;
	s24 =	sld [smem:$0x3FFE];
	[sflag:s23] =	ssyncadd.s32 $0xFFFFFFFF  }
0xa5: {  	s26 =	simm.s32 $execute0_lowered;
	[smem:$0x3FD2] =	sst s25  }
0xa6: {  	s4 =	sshll.u32 s26, $0x1;
	_ =	strace $0x80000052;
	[dreg:$0x1] =	wrdreg $0xFFFFFFFF  }
0xa7: {  	s28 =	simm.s32 $_size_execute0_lowered;
	s2 =	sadd.s32 s2, s4;
	[dreg:$0x0] =	wrdreg $0x0  }
0xa8: {  	s4 =	sshll.u32 s28, $0x1;
	[dreg:$0x2] =	wrdreg s2  }
0xa9: {  	[dreg:$0x3] =	wrdreg s4  }
0xaa: {  	[dreg:$0x4] =	wrdreg $0xC0  }
0xab: {  	_ =	task [dreg:s6], $0x5FFFF  }
0xac: {  	[dreg:$0x1] =	wrdreg $0xFFFFFFFF  }
0xad: {  	[dreg:$0x0] =	wrdreg $0x60  }
0xae: {  	[dreg:$0x2] =	wrdreg s24  }
0xaf: {  	[dreg:$0x3] =	wrdreg $0xA  }
0xb0: {  	_ =	task.clear_ibuf [dreg:s6], $0x4FFFF;
	_ =	strace $0x90000052  }
0xb1: {  	s29 =	simm.s32 $0xA;
	_ =	strace $0x80000054  }
0xb2: {  	_ =	swait.ge [sflag:s29], $0x1  }
0xb3: {  	[sflag:s29] =	ssyncadd.s32 $0xFFFFFFFF  }
0xb4: {  	_ =	strace $0x90000054  }
0xb5: {  	_ =	sfence  }
0xb6: {  	s30 =	sld [smem:$0x0];
	_ =	sdelay $0x2  }
0xb7: {  	s31 =	sshll.u32 s1, $0xD;
	s1 =	sshrl.u32 s1, $0x2  }
0xb8: {  	s3 =	sand.u32 $0x4000, s31;
	s1 =	sadd.s32 s1, s30  }
0xb9: {  	s0 =	sor.u32 s3, s0;
	s1 =	sshll.u32 s1, $0x11  }
0xba: {  	s0 =	sor.u32 s1, s0  }
0xbb: {  	s0 =	sadd.s32 $0x8F2B, s0  }
0xbc: {  	[sflag:s0] =	ssyncadd.remote.s32 $0x1  }
0xbd: {  	_ =	sfence.sel $0xFFFF  }
0xbe: {  	[dreg:$0x0] =	wrdreg $0xFFFFFFFF;
	(pc) =	sbr.abs _section_cstart, $3  }
0xbf: {  	[dreg:$0x1] =	wrdreg $0xFFFFFFFF  }
0xc0: {  	_ =	task.clear_ibuf [dreg:s6], $0x2FFFF;
	_ =	strace $0x9FFFFFFF  }
0xc1: {  	(tm) =	ssettm $0x7FFFFFFF  }
tec
execute0_lowered:
.L_overlay_start_1:
0x0: {  	(tag) =	ssettag $0x1  }
0x1: {  	s8 =	rddreg [dreg:$0x0]  }
0x2: {  	s0 =	rddreg [dreg:$0x1];
	_ =	strace $0x80000053;
	s1 =	stileid.u32  }
0x3: {  	s3 =	srdreg.scid;
	s4 =	simm.s32 $0x1;
	s7 =	simm.s32 $0x1  }
0x4: {  	s9 =	simm.s32 $0x1;
	s10 =	simm.s32 $0x3;
	s13 =	simm.s32 $0x0  }
0x5: {  	s12 =	simm.s32 $0x0;
	s5 =	sand.u32 $0x1, s3;
	s6 =	sshll.u32 s1, $0x1  }
0x6: {  	s2 =	sadd.s32 $0x104400, s8;
	s3 =	sadd.s32 $0x4000, s8;
	s5 =	sor.u32 s6, s5  }
.Ltmp0:
0x7: {  	[sflag:s4] =	ssyncpa.u1 $0x0;
	p0 =	slt.u32 s5, $0x13;
	(pc) =	sbr.rel .LBB2_1-.Ltmp0, $4  }
0x8: {  	s6 =	simm.s32 $0x2;
	s7 =	simm.s32 @!p0 $0x0;
	p0 =	sne.s32 s5, $0x12  }
0x9: {  	[sflag:s6] =	ssyncpa.u1 $0x0;
	s5 =	smul.u32 $0x1E0, s5;
	s9 =	simm.s32 @!p0 $0x0  }
0xa: {  	s8 =	sadd.s32 $0x4C00, s8;
	[sflag:s10] =	ssyncpa.u1 $0x0;
	s7 =	sadd.s32 s9, s7  }
0xb: {  	vm0 =	vmmov $0xffff;
	s10 =	simm.s32 $0x0;
	s11 =	smov.u32 s5;
	s9 =	sadd.s32 $0x1, s7  }
.LBB2_4:
0xc: {  	v2 =	vnsel vm1, $0x0, v2  }
0xd: {  	vm1 =	vgt.s32 v0, $0x0;
	v2 =	vmin.u32 v2, $0x4E1F  }
0xe: {  	v0 =	vnsel vm1, $0x0, v0  }
0xf: {  	v0 =	vmin.u32 v0, $0x4E1F  }
0x10: {  	[tilespmem:s18], [sflag:$0x1] =	stream.indirect_vreg.gather [hbm4b:s2+s10], $0x1, v1, vm0, $0x4038;
	[tilespmem:$0x780] =	vst v63  }
0x11: {  	(ifvalue) =	ssetifvalue $0x7FFFFFFF  }
0x12: {  	[tilespmem:s15], [sflag:$0x1] =	stream.indirect_vreg.gather [hbm4b:s2+s10], $0x1, v2, vm0, $0x4038;
	[tilespmem:$0x780] =	vst v63  }
0x13: {  	s29 =	sadd.s32 $0x10, s15;
	(ifvalue) =	ssetifvalue $0x7FFFFFFF  }
0x14: {  	[tilespmem:s29], [sflag:$0x1] =	stream.indirect_vreg.gather [hbm4b:s2+s10], $0x1, v0, vm0, $0x4038;
	[tilespmem:$0x780] =	vst v63  }
0x15: {  	_ =	swait.ge [sflag:s4], $0x1E0  }
0x16: {  	s30 =	sshrl.u32 s13, $0x3;
	[sflag:s4] =	ssyncset.done $0x0  }
0x17: {  	s31 =	sand.u32 $0x7, s13;
	s15 =	sadd.s32 s8, s30;
	[sflag:s4] =	ssyncadd.s32 $0xFFFFFE20  }
0x18: {  	[hbm4b:s15+s31] =	stream.linear.scatter [tilespmem:s14], [sflag:$0x3], $0x1E0, $0x38;
	[tilespmem:$0x780] =	vst v63  }
.LBB2_5:
0x19: {  	s15 =	sadd.s32 $0x3C00, s11  }
0x1a: {  	p1 =	sgt.s32 s15, $0x5DBF  }
0x1b: {  	s15 =	smov.u32 @p1 s5;
	p1 =	sne.s32 s12, s9  }
.Ltmp1:
0x1c: {  	p0 =	slt.u32 s12, $0x2;
	(pc) =	sbr.rel @!p1 .LBB2_6-.Ltmp1, $4  }
0x1d: {  	s14 =	simm.s32 @!p0 $0x3  }
0x1e: {  	_ =	swait.ge @!p0 [sflag:s14], $0x1E0  }
0x1f: {  	s16 =	sadd.s32 $0x1, s12;
	s13 =	smov.u32 s11;
	[sflag:s14] =	ssyncset.done @!p0 $0x0  }
0x20: {  	s12 =	smov.u32 s16;
	s11 =	smov.u32 s15;
	[sflag:s14] =	ssyncadd.s32 @!p0 $0xFFFFFE20  }
.LBB2_1:
0x21: {  	p0 =	sge.u32 s12, s7  }
0x22: {  	s14 =	sxor.u32 @!p0 $0x1, s12  }
0x23: {  	s14 =	smul.u32 @!p0 $0x780, s14  }
0x24: {  	s31 =	sadd.s32 $0xFFFFFFFF, s12;
	s15 =	sshrl.u32 @!p0 s11, $0x3  }
0x25: {  	s16 =	sand.u32 @!p0 $0x7, s11;
	s15 =	sadd.s32 @!p0 s3, s15;
	s14 =	sshra.s32 @!p0 s14, $0x2  }
0x26: {  	[tilespmem:s14], [sflag:$0x2] =	stream.linear.gather @!p0 [hbm4b:s15+s16], $0x1E0, $0x38;
	[tilespmem:$0x780] =	vst v63  }
0x27: {  	p0 =	sge.u32 s31, s7  }
.Ltmp2:
0x28: {  	_ = 	snop;
	(pc) =	sbr.rel @p0 .LBB2_5-.Ltmp2, $1  }
0x29: {  	_ =	sdelay $0x3  }
0x2a: {  	s14 =	sand.u32 $0x1, s12  }
0x2b: {  	_ =	swait.ge [sflag:s6], $0x1E0;
	p0 =	seq.s32 s14, $0x1;
	s14 =	simm.s32 $0x1E0  }
0x2c: {  	[sflag:s6] =	ssyncset.done $0x0;
	s14 =	simm.s32 @!p0 $0x0  }
0x2d: {  	[sflag:s6] =	ssyncadd.s32 $0xFFFFFE20;
	(ifvalue) =	ssetifvalue $0x7FFFFFFF;
	v0 =	vld.msk [tilespmem:s14+$0x0 ss:$0x1], $0xffff;
	_ =	sdelay $0x4  }
0x2e: {  	s15 =	sadd.s32 $0x10, s14;
	vm1 =	vgt.s32 v0, $0x0  }
0x2f: {  	v2 =	vld.msk [tilespmem:s15+$0x0 ss:$0x1], $0xffff;
	v1 =	vnsel vm1, $0x0, v0  }
0x30: {  	v1 =	vmin.u32 v1, $0x4E1F;
	_ =	sdelay $0x2  }
0x31: {  	s17 =	simm.s32 $0x20;
	s14 =	sadd.s32 $0x3C0, s14;
	s16 =	sadd.s32 $0x10, s15  }
0x32: {  	s15 =	sadd.s32 $0x10, s14;
	s18 =	smov.u32 s14;
	v0 =	vld.msk [tilespmem:s16+$0x0 ss:$0x1], $0xffff;
	vm1 =	vgt.s32 v2, $0x0;
	(ifvalue) =	ssetifvalue $0x7FFFFFFF  }
.LBB2_3:
0x33: {  	[tilespmem:s18], [sflag:$0x1] =	stream.indirect_vreg.gather [hbm4b:s2+s10], $0x1, v1, vm0, $0x4038;
	[tilespmem:$0x780] =	vst v63  }
0x34: {  	s17 =	sadd.s32 $0x10, s17  }
0x35: {  	v2 =	vnsel vm1, $0x0, v2;
	p0 =	slt.u32 s17, $0x1D0  }
.Ltmp3:
0x36: {  	s18 =	smov.u32 s15;
	v1 =	vmin.u32 v2, $0x4E1F;
	(pc) =	sbr.rel @p0 .LBB2_3-.Ltmp3, $3  }
0x37: {  	_ =	sdelay $0x1  }
0x38: {  	s16 =	sadd.s32 $0x10, s16  }
0x39: {  	vm1 =	vgt.s32 v0, $0x0;
	s15 =	sadd.s32 $0x10, s15;
	v2 =	vmov v0;
	(ifvalue) =	ssetifvalue $0x7FFFFFFF;
	v0 =	vld.msk [tilespmem:s16+$0x0 ss:$0x1], $0xffff  }
.Ltmp4:
0x3a: {  	_ = 	snop;
	(pc) =	sbr.rel .LBB2_4-.Ltmp4, $1  }
0x3b: {  	_ =	sdelay $0x3  }
.LBB2_6:
0x3c: {  	_ =	sfence.sel $0x180000  }
0x3d: {  	s2 =	simm.s32 $0x2;
	[bflag:$0x0] =	sbarrier.arrive $0xFFFF  }
0x3e: {  	s30 =	simm.s32 $0x3;
	[sflag:s2] =	ssyncpa.u1 $0x1  }
0x3f: {  	s31 =	simm.s32 $0x1;
	[sflag:s30] =	ssyncpa.u1 $0x1  }
0x40: {  	[sflag:s31] =	ssyncpa.u1 $0x1  }
0x41: {  	p0 =	sne.s32 s1, $0x0;
	_ =	strace $0x90000053  }
0x42: {  	s0 =	sadd.s32 @!p0 $0x100000, s0;
	[bflag:$0x2] =	sbarrier.arrive $0xFFFF  }
0x43: {  	[sflag:s0] =	ssyncadd.tile.s32 @!p0 $0x1;
	_ =	shalt  }
.Lfunc_end2:
_tile_overlayer_lowered:
.L_overlay_start_2:
0x44: {  	(tag) =	ssettag $0x2  }
0x45: {  	s0 =	rddreg [dreg:$0x0];
	s2 =	stileid.u32  }
0x46: {  	s1 =	rddreg [dreg:$0x1];
	p0 =	sne.s32 s2, $0x0  }
0x47: {  	s3 =	rddreg [dreg:$0x2];
	[bflag:$0x3] =	sbarrier.arrive $0xFFFF;
	s2 =	simm.s32 @!p0 $0x1C01  }
0x48: {  	[timem:s3], [sflag:s2] =	dma.local @!p0 [hbm:s0], s1  }
0x49: {  	s0 =	simm.s32 @!p0 $0x1  }
0x4a: {  	_ =	swait.ge @!p0 [sflag:s0], s1  }
0x4b: {  	s1 =	ssub.s32 @!p0 $0x0, s1;
	[sflag:s0] =	ssyncset.done @!p0 $0x0  }
0x4c: {  	[sflag:s0] =	ssyncadd.s32 @!p0 s1  }
0x4d: {  	[bflag:$0x3] =	sbarrier.arrive $0xFFFF  }
0x4e: {  	_ =	shalt  }

// kernel: gather_offload_async_start.2
scs
__scs_entry_jumppad:
0x0: {  	(pc) =	sbr.rel $0x88, $3  }
0x1: {  	(tag) =	ssettag $0x0;
	lr =	simm.s32 $0x1  }
0x2: {  	[smem:$0x3F9E] =	sst lr;
	_ =	strace $0xD0000000  }
0x3: {  	_ = 	snop  }
0x4: {  	_ = 	snop  }
0x5: {  	_ = 	snop  }
0x6: {  	_ = 	snop  }
0x7: {  	_ = 	snop  }
__scs_overlays_trampoline_lowered:
0x8: {  	[smem:$0x3FAD] =	sst s0  }
0x9: {  	[smem:$0x3FAE] =	sst s1  }
0xa: {  	[smem:$0x3FAF] =	sst s2  }
0xb: {  	[smem:$0x3FB0] =	sst s3  }
0xc: {  	[smem:$0x3FB1] =	sst s4  }
0xd: {  	[smem:$0x3FB2] =	sst s5  }
0xe: {  	[smem:$0x3FB3] =	sst s6  }
0xf: {  	[smem:$0x3FB4] =	sst s7  }
0x10: {  	[smem:$0x3FB5] =	sst s8  }
0x11: {  	[smem:$0x3FB6] =	sst s9;
	s0 =	simm.s32 @!p0 $0x0  }
0x12: {  	s1 =	sld [smem:$0x3F9C];
	s0 =	simm.s32 @p0 $0x1  }
0x13: {  	[smem:$0x3FB7] =	sst s0;
	s0 =	simm.s32 @!p1 $0x0  }
0x14: {  	s2 =	sld [smem:$0x3F9B];
	s0 =	simm.s32 @p1 $0x1  }
0x15: {  	[smem:$0x3FB8] =	sst s0;
	s0 =	simm.s32 @!p2 $0x0  }
0x16: {  	s3 =	sld [smem:$0x3FDB];
	s0 =	simm.s32 @p2 $0x1  }
0x17: {  	s4 =	simm.s32 $0x1BF5;
	[smem:$0x3FBA] =	sst s0  }
0x18: {  	s0 =	sld [smem:$0x3F9D];
	_ =	swait.ge [sflag:s4], $0x0  }
0x19: {  	s7 =	sld [smem:$0x3F9E]  }
0x1a: {  	s8 =	sadd.s32 $0xFFFFE003, lr  }
0x1b: {  	s9 =	sadd.s32 $0xFFFFFEF7, lr;
	s5 =	simm.s32 $0xFFFFFFFF;
	p2 =	slt.u32 s8, $0xFFFFF086  }
0x1c: {  	p1 =	slt.u32 s9, $0xF7A;
	s5 =	simm.s32 @!p2 $0x0  }
0x1d: {  	s5 =	simm.s32 @p1 $0x1;
	p0 =	seq.s32 s7, s2  }
0x1e: {  	s7 =	smul.u32 @!p0 $0xF7A, s2;
	p2 =	seq.s32 @!p0 s5, $0x0  }
0x1f: {  	s9 =	smul.u32 $0xF7A, s1;
	s8 =	simm.s32 @!p0 $0x1BF5;
	p2 =	por !p2, p0  }
0x20: {  	[sflag:s8] =	ssyncset.s32 @!p0 $0xFFFFF086;
	s6 =	sadd.s32 @!p0 s3, s7;
	s7 =	simm.s32 @!p0 $0x108  }
0x21: {  	s3 =	sadd.s32 s3, s9;
	s6 =	sadd.s32 @!p0 $0x88, s6;
	s7 =	simm.s32 @p2 $0x1082  }
0x22: {  	[simem:s7], [sflag:s8] =	dma.local @!p0 [hbm:s6], $0xF7A  }
0x23: {  	s9 =	sor.u32 $0xD0000000, s2;
	s6 =	simm.s32 $0x108;
	_ =	swait.ge @!p0 [sflag:s8], $0x0  }
0x24: {  	s3 =	sadd.s32 $0x88, s3;
	s6 =	simm.s32 @!p1 $0x1082;
	[sflag:s4] =	ssyncset.s32 $0xFFFFF086  }
0x25: {  	[simem:s6], [sflag:s4] =	dma.local [hbm:s3], $0xF7A  }
0x26: {  	[smem:$0x3F9E] =	sst s1;
	(tag) =	ssettag s2;
	_ =	strace s9  }
0x27: {  	s1 =	sld [smem:$0x3FAE]  }
0x28: {  	s2 =	sld [smem:$0x3FAF]  }
0x29: {  	s4 =	sld [smem:$0x3FB1]  }
0x2a: {  	p0 =	seq.s32 s5, $0x0;
	s5 =	sld [smem:$0x3FB2]  }
0x2b: {  	s6 =	sld [smem:$0x3FB3]  }
0x2c: {  	s7 =	sld [smem:$0x3FB4]  }
0x2d: {  	s3 =	simm.s32 $0x108;
	s8 =	sld [smem:$0x3FB5]  }
0x2e: {  	s3 =	simm.s32 @!p0 $0x1082;
	s9 =	sld [smem:$0x3FB6]  }
0x2f: {  	lr =	sadd.s32 s0, s3;
	s0 =	sld [smem:$0x3FAD]  }
0x30: {  	s3 =	sld [smem:$0x3FB0]  }
0x31: {  	[smem:$0x3FB9] =	sst s10  }
0x32: {  	s10 =	sld [smem:$0x3FB7];
	_ =	sdelay $0x3  }
0x33: {  	p0 =	seq.s32 s10, $0x1;
	s10 =	sld [smem:$0x3FB9];
	_ =	sdelay $0x3  }
0x34: {  	[smem:$0x3FB9] =	sst s10  }
0x35: {  	s10 =	sld [smem:$0x3FB8];
	_ =	sdelay $0x3  }
0x36: {  	p1 =	seq.s32 s10, $0x1;
	s10 =	sld [smem:$0x3FB9];
	_ =	sdelay $0x3  }
0x37: {  	[smem:$0x3FB9] =	sst s10  }
0x38: {  	s10 =	sld [smem:$0x3FBA]  }
0x39: {  	_ = 	snop;
	(pc) =	sbr.ind lr, $3  }
0x3a: {  	_ = 	snop  }
0x3b: {  	_ = 	snop  }
0x3c: {  	p2 =	seq.s32 s10, $0x1;
	s10 =	sld [smem:$0x3FB9]  }
0x3d: {  	_ =	shalt  }
0x3e: {  	_ =	shalt  }
0x3f: {  	_ =	shalt  }
0x40: {  	_ =	shalt  }
0x41: {  	_ =	shalt  }
0x42: {  	_ =	shalt  }
0x43: {  	_ =	shalt  }
0x44: {  	_ =	shalt  }
0x45: {  	_ =	shalt  }
0x46: {  	_ =	shalt  }
0x47: {  	_ =	shalt  }
0x48: {  	_ =	shalt  }
0x49: {  	_ =	shalt  }
0x4a: {  	_ =	shalt  }
0x4b: {  	_ =	shalt  }
0x4c: {  	_ =	shalt  }
0x4d: {  	_ =	shalt  }
0x4e: {  	_ =	shalt  }
0x4f: {  	_ =	shalt  }
0x50: {  	_ =	shalt  }
0x51: {  	_ =	shalt  }
0x52: {  	_ =	shalt  }
0x53: {  	_ =	shalt  }
0x54: {  	_ =	shalt  }
0x55: {  	_ =	shalt  }
0x56: {  	_ =	shalt  }
0x57: {  	_ =	shalt  }
0x58: {  	_ =	shalt  }
0x59: {  	_ =	shalt  }
0x5a: {  	_ =	shalt  }
0x5b: {  	_ =	shalt  }
0x5c: {  	_ =	shalt  }
0x5d: {  	_ =	shalt  }
0x5e: {  	_ =	shalt  }
0x5f: {  	_ =	shalt  }
0x60: {  	_ =	shalt  }
0x61: {  	_ =	shalt  }
0x62: {  	_ =	shalt  }
0x63: {  	_ =	shalt  }
0x64: {  	_ =	shalt  }
0x65: {  	_ =	shalt  }
0x66: {  	_ =	shalt  }
0x67: {  	_ =	shalt  }
0x68: {  	_ =	shalt  }
0x69: {  	_ =	shalt  }
0x6a: {  	_ =	shalt  }
0x6b: {  	_ =	shalt  }
0x6c: {  	_ =	shalt  }
0x6d: {  	_ =	shalt  }
0x6e: {  	_ =	shalt  }
0x6f: {  	_ =	shalt  }
0x70: {  	_ =	shalt  }
0x71: {  	_ =	shalt  }
0x72: {  	_ =	shalt  }
0x73: {  	_ =	shalt  }
0x74: {  	_ =	shalt  }
0x75: {  	_ =	shalt  }
0x76: {  	_ =	shalt  }
0x77: {  	_ =	shalt  }
0x78: {  	_ =	shalt  }
0x79: {  	_ =	shalt  }
0x7a: {  	_ =	shalt  }
0x7b: {  	_ =	shalt  }
0x7c: {  	_ =	shalt  }
0x7d: {  	_ =	shalt  }
0x7e: {  	_ =	shalt  }
0x7f: {  	_ =	shalt  }
0x80: {  	_ =	shalt  }
0x81: {  	_ =	shalt  }
0x82: {  	_ =	shalt  }
0x83: {  	_ =	shalt  }
0x84: {  	_ =	shalt  }
0x85: {  	_ =	shalt  }
0x86: {  	_ =	shalt  }
0x87: {  	_ =	shalt  }
.Lfunc_end0:
.L_simem_size_0:
called_computation.2_lowered:
.L_overlay_start_0:
0x88: {  	s2 =	sld [smem:$0x3FD9]  }
0x89: {  	s3 =	sld [smem:$0x3FFE];
	_ =	sdelay $0x1  }
0x8a: {  	s1 =	srdreg.scid  }
0x8b: {  	s0 =	sand.u32 $0x1, s1  }
0x8c: {  	s17 =	sshll.u32 s0, $0xA;
	s2 =	sadd.s32 s3, s2  }
0x8d: {  	s2 =	sadd.s32 s2, s17  }
0x8e: {  	[smem:$0x3FC5] =	sst s2  }
0x8f: {  	_ = 	snop  }
0x90: {  	(tm) =	ssettm $0x1  }
0x91: {  	s18 =	sld [smem:$0x3FFB];
	_ =	sdelay $0x3  }
0x92: {  	_ =	strace s18  }
0x93: {  	s2 =	sld [smem:$0x3FFC];
	_ =	sdelay $0x3  }
0x94: {  	_ =	strace s2  }
0x95: {  	s2 =	sld [smem:$0x3FFD];
	_ =	sdelay $0x3  }
0x96: {  	_ =	strace s2  }
0x97: {  	_ =	strace $0x8FFFFFFF  }
0x98: {  	s19 =	sld [smem:$0x3FDB];
	_ =	sdelay $0x1  }
0x99: {  	s20 =	simm.s32 $_scs_section_size  }
0x9a: {  	s4 =	simm.s32 $_size__tile_overlayer_lowered;
	s5 =	simm.s32 $_tile_overlayer_lowered  }
0x9b: {  	s6 =	simm.s32 $0x1BFF;
	s21 =	sshll.u32 s5, $0x1;
	s3 =	sadd.s32 s20, s19  }
0x9c: {  	s22 =	simm.s32 $0x0;
	s4 =	sshll.u32 s4, $0x1;
	s5 =	sadd.s32 s21, s3  }
0x9d: {  	[timem:s22], [sflag:s6] =	dma.local [hbm:s5], s4  }
0x9e: {  	_ =	swait.ge [sflag:s6], s4  }
0x9f: {  	s4 =	ssub.s32 $0x0, s4;
	[sflag:s6] =	ssyncset.done $0x0  }
0xa0: {  	[sflag:s6] =	ssyncadd.s32 s4;
	_ =	sdelay $0x1  }
0xa1: {  	s23 =	simm.s32 $0x1B8B  }
0xa2: {  	_ =	swait.ge [sflag:s23], $0x1  }
0xa3: {  	[sflag:s23] =	ssyncset.done $0x0  }
0xa4: {  	[sflag:s23] =	ssyncadd.s32 $0xFFFFFFFF  }
0xa5: {  	s4 =	sld [smem:$0x0]  }
0xa6: {  	s5 =	sand.u32 $0xFFFFFFFE, s1  }
0xa7: {  	p0 =	sne.s32 s1, s5  }
0xa8: {  	s5 =	sshll.u32 @p0 s5, $0xE  }
0xa9: {  	s5 =	sadd.s32 @p0 $0x11B8D, s5;
	s6 =	sshll.u32 @p0 s4, $0x11  }
0xaa: {  	s5 =	sor.u32 @p0 s6, s5  }
0xab: {  	[sflag:s5] =	ssyncadd.remote.s32 @p0 $0x1;
	_ =	sdelay $0x1  }
0xac: {  	s5 =	simm.s32 @p0 $0x1B8D  }
0xad: {  	_ =	swait.eq @p0 [sflag:s5], $0x1  }
0xae: {  	[sflag:s5] =	ssyncadd.s32 @p0 $0xFFFFFFFF  }
0xaf: {  	s6 =	sshll.u32 @!p0 s1, $0xE  }
0xb0: {  	s6 =	sor.u32 @!p0 $0x4000, s6;
	s5 =	simm.s32 @!p0 $0x1B8D  }
0xb1: {  	s4 =	sshll.u32 @!p0 s4, $0x11;
	s6 =	sadd.s32 @!p0 $0x11B8D, s6;
	_ =	swait.eq @!p0 [sflag:s5], $0x1  }
0xb2: {  	s4 =	sor.u32 @!p0 s4, s6;
	[sflag:s5] =	ssyncadd.s32 @!p0 $0xFFFFFFFF  }
0xb3: {  	s25 =	simm.s32 $0x1B8E;
	s24 =	sld [smem:$0x3FFE];
	[sflag:s4] =	ssyncadd.remote.s32 @!p0 $0x1  }
0xb4: {  	s26 =	simm.s32 $execute0_lowered;
	[smem:$0x3FD2] =	sst s25  }
0xb5: {  	s5 =	sshll.u32 s26, $0x1;
	_ =	strace $0x8000004F;
	[dreg:$0x1] =	wrdreg $0xFFFFFFFF  }
0xb6: {  	s28 =	simm.s32 $_size_execute0_lowered;
	s3 =	sadd.s32 s3, s5;
	[dreg:$0x0] =	wrdreg $0x0  }
0xb7: {  	s5 =	sshll.u32 s28, $0x1;
	[dreg:$0x2] =	wrdreg s3  }
0xb8: {  	[dreg:$0x3] =	wrdreg s5  }
0xb9: {  	[dreg:$0x4] =	wrdreg $0xC0  }
0xba: {  	_ =	task [dreg:s22], $0x5FFFF  }
0xbb: {  	[dreg:$0x1] =	wrdreg $0xFFFFFFFF  }
0xbc: {  	[dreg:$0x0] =	wrdreg $0x60  }
0xbd: {  	[dreg:$0x2] =	wrdreg s24  }
0xbe: {  	[dreg:$0x3] =	wrdreg $0x9  }
0xbf: {  	_ =	task.clear_ibuf [dreg:s22], $0x4FFFF;
	_ =	strace $0x9000004F  }
0xc0: {  	s29 =	simm.s32 $0x9;
	_ =	strace $0x80000051  }
0xc1: {  	_ =	swait.ge [sflag:s29], $0x1  }
0xc2: {  	[sflag:s29] =	ssyncadd.s32 $0xFFFFFFFF  }
0xc3: {  	_ =	strace $0x90000051  }
0xc4: {  	_ =	sfence  }
0xc5: {  	s30 =	sld [smem:$0x0];
	_ =	sdelay $0x2  }
0xc6: {  	s31 =	sshll.u32 s1, $0xD;
	s1 =	sshrl.u32 s1, $0x2  }
0xc7: {  	s4 =	sand.u32 $0x4000, s31;
	s1 =	sadd.s32 s1, s30  }
0xc8: {  	s0 =	sor.u32 s4, s0;
	s1 =	sshll.u32 s1, $0x11  }
0xc9: {  	s0 =	sor.u32 s1, s0  }
0xca: {  	s0 =	sadd.s32 $0x8F2B, s0  }
0xcb: {  	[sflag:s0] =	ssyncadd.remote.s32 $0x1  }
0xcc: {  	_ =	sfence.sel $0xFFFF  }
0xcd: {  	[dreg:$0x0] =	wrdreg $0xFFFFFFFF;
	(pc) =	sbr.abs _section_cstart, $3  }
0xce: {  	[dreg:$0x1] =	wrdreg $0xFFFFFFFF  }
0xcf: {  	_ =	task.clear_ibuf [dreg:s22], $0x2FFFF;
	_ =	strace $0x9FFFFFFF  }
0xd0: {  	(tm) =	ssettm $0x7FFFFFFF  }
0xd1: {  	_ =	shalt  }
tec
execute0_lowered:
.L_overlay_start_1:
0x0: {  	(tag) =	ssettag $0x1  }
0x1: {  	s8 =	rddreg [dreg:$0x0]  }
0x2: {  	s0 =	rddreg [dreg:$0x1];
	_ =	strace $0x80000050;
	s1 =	stileid.u32  }
0x3: {  	s3 =	srdreg.scid;
	s4 =	simm.s32 $0x1;
	s7 =	simm.s32 $0x1  }
0x4: {  	s9 =	simm.s32 $0x1;
	s10 =	simm.s32 $0x3;
	s13 =	simm.s32 $0x0  }
0x5: {  	s12 =	simm.s32 $0x0;
	s5 =	sand.u32 $0x1, s3;
	s6 =	sshll.u32 s1, $0x1  }
0x6: {  	s2 =	sadd.s32 $0x103A00, s8;
	s3 =	sadd.s32 $0x4000, s8;
	s5 =	sor.u32 s6, s5  }
.Ltmp0:
0x7: {  	[sflag:s4] =	ssyncpa.u1 $0x0;
	p0 =	slt.u32 s5, $0x13;
	(pc) =	sbr.rel .LBB2_1-.Ltmp0, $4  }
0x8: {  	s6 =	simm.s32 $0x2;
	s7 =	simm.s32 @!p0 $0x0;
	p0 =	sne.s32 s5, $0x12  }
0x9: {  	[sflag:s6] =	ssyncpa.u1 $0x0;
	s5 =	smul.u32 $0x1E0, s5;
	s9 =	simm.s32 @!p0 $0x0  }
0xa: {  	s8 =	sadd.s32 $0x5800, s8;
	[sflag:s10] =	ssyncpa.u1 $0x0;
	s7 =	sadd.s32 s9, s7  }
0xb: {  	vm0 =	vmmov $0xffff;
	s10 =	simm.s32 $0x0;
	s11 =	smov.u32 s5;
	s9 =	sadd.s32 $0x1, s7  }
.LBB2_4:
0xc: {  	v2 =	vnsel vm1, $0x0, v2  }
0xd: {  	vm1 =	vgt.s32 v0, $0x0;
	v2 =	vmin.u32 v2, $0x4E1F  }
0xe: {  	v0 =	vnsel vm1, $0x0, v0  }
0xf: {  	v0 =	vmin.u32 v0, $0x4E1F  }
0x10: {  	[tilespmem:s18], [sflag:$0x1] =	stream.indirect_vreg.gather [hbm4b:s2+s10], $0x1, v1, vm0, $0x4038;
	[tilespmem:$0x780] =	vst v63  }
0x11: {  	(ifvalue) =	ssetifvalue $0x7FFFFFFF  }
0x12: {  	[tilespmem:s15], [sflag:$0x1] =	stream.indirect_vreg.gather [hbm4b:s2+s10], $0x1, v2, vm0, $0x4038;
	[tilespmem:$0x780] =	vst v63  }
0x13: {  	s29 =	sadd.s32 $0x10, s15;
	(ifvalue) =	ssetifvalue $0x7FFFFFFF  }
0x14: {  	[tilespmem:s29], [sflag:$0x1] =	stream.indirect_vreg.gather [hbm4b:s2+s10], $0x1, v0, vm0, $0x4038;
	[tilespmem:$0x780] =	vst v63  }
0x15: {  	_ =	swait.ge [sflag:s4], $0x1E0  }
0x16: {  	s30 =	sshrl.u32 s13, $0x3;
	[sflag:s4] =	ssyncset.done $0x0  }
0x17: {  	s31 =	sand.u32 $0x7, s13;
	s15 =	sadd.s32 s8, s30;
	[sflag:s4] =	ssyncadd.s32 $0xFFFFFE20  }
0x18: {  	[hbm4b:s15+s31] =	stream.linear.scatter [tilespmem:s14], [sflag:$0x3], $0x1E0, $0x38;
	[tilespmem:$0x780] =	vst v63  }
.LBB2_5:
0x19: {  	s15 =	sadd.s32 $0x3C00, s11  }
0x1a: {  	p1 =	sgt.s32 s15, $0x5DBF  }
0x1b: {  	s15 =	smov.u32 @p1 s5;
	p1 =	sne.s32 s12, s9  }
.Ltmp1:
0x1c: {  	p0 =	slt.u32 s12, $0x2;
	(pc) =	sbr.rel @!p1 .LBB2_6-.Ltmp1, $4  }
0x1d: {  	s14 =	simm.s32 @!p0 $0x3  }
0x1e: {  	_ =	swait.ge @!p0 [sflag:s14], $0x1E0  }
0x1f: {  	s16 =	sadd.s32 $0x1, s12;
	s13 =	smov.u32 s11;
	[sflag:s14] =	ssyncset.done @!p0 $0x0  }
0x20: {  	s12 =	smov.u32 s16;
	s11 =	smov.u32 s15;
	[sflag:s14] =	ssyncadd.s32 @!p0 $0xFFFFFE20  }
.LBB2_1:
0x21: {  	p0 =	sge.u32 s12, s7  }
0x22: {  	s14 =	sxor.u32 @!p0 $0x1, s12  }
0x23: {  	s14 =	smul.u32 @!p0 $0x780, s14  }
0x24: {  	s31 =	sadd.s32 $0xFFFFFFFF, s12;
	s15 =	sshrl.u32 @!p0 s11, $0x3  }
0x25: {  	s16 =	sand.u32 @!p0 $0x7, s11;
	s15 =	sadd.s32 @!p0 s3, s15;
	s14 =	sshra.s32 @!p0 s14, $0x2  }
0x26: {  	[tilespmem:s14], [sflag:$0x2] =	stream.linear.gather @!p0 [hbm4b:s15+s16], $0x1E0, $0x38;
	[tilespmem:$0x780] =	vst v63  }
0x27: {  	p0 =	sge.u32 s31, s7  }
.Ltmp2:
0x28: {  	_ = 	snop;
	(pc) =	sbr.rel @p0 .LBB2_5-.Ltmp2, $1  }
0x29: {  	_ =	sdelay $0x3  }
0x2a: {  	s14 =	sand.u32 $0x1, s12  }
0x2b: {  	_ =	swait.ge [sflag:s6], $0x1E0;
	p0 =	seq.s32 s14, $0x1;
	s14 =	simm.s32 $0x1E0  }
0x2c: {  	[sflag:s6] =	ssyncset.done $0x0;
	s14 =	simm.s32 @!p0 $0x0  }
0x2d: {  	[sflag:s6] =	ssyncadd.s32 $0xFFFFFE20;
	(ifvalue) =	ssetifvalue $0x7FFFFFFF;
	v0 =	vld.msk [tilespmem:s14+$0x0 ss:$0x1], $0xffff;
	_ =	sdelay $0x4  }
0x2e: {  	s15 =	sadd.s32 $0x10, s14;
	vm1 =	vgt.s32 v0, $0x0  }
0x2f: {  	v2 =	vld.msk [tilespmem:s15+$0x0 ss:$0x1], $0xffff;
	v1 =	vnsel vm1, $0x0, v0  }
0x30: {  	v1 =	vmin.u32 v1, $0x4E1F;
	_ =	sdelay $0x2  }
0x31: {  	s17 =	simm.s32 $0x20;
	s14 =	sadd.s32 $0x3C0, s14;
	s16 =	sadd.s32 $0x10, s15  }
0x32: {  	s15 =	sadd.s32 $0x10, s14;
	s18 =	smov.u32 s14;
	v0 =	vld.msk [tilespmem:s16+$0x0 ss:$0x1], $0xffff;
	vm1 =	vgt.s32 v2, $0x0;
	(ifvalue) =	ssetifvalue $0x7FFFFFFF  }
.LBB2_3:
0x33: {  	[tilespmem:s18], [sflag:$0x1] =	stream.indirect_vreg.gather [hbm4b:s2+s10], $0x1, v1, vm0, $0x4038;
	[tilespmem:$0x780] =	vst v63  }
0x34: {  	s17 =	sadd.s32 $0x10, s17  }
0x35: {  	v2 =	vnsel vm1, $0x0, v2;
	p0 =	slt.u32 s17, $0x1D0  }
.Ltmp3:
0x36: {  	s18 =	smov.u32 s15;
	v1 =	vmin.u32 v2, $0x4E1F;
	(pc) =	sbr.rel @p0 .LBB2_3-.Ltmp3, $3  }
0x37: {  	_ =	sdelay $0x1  }
0x38: {  	s16 =	sadd.s32 $0x10, s16  }
0x39: {  	vm1 =	vgt.s32 v0, $0x0;
	s15 =	sadd.s32 $0x10, s15;
	v2 =	vmov v0;
	(ifvalue) =	ssetifvalue $0x7FFFFFFF;
	v0 =	vld.msk [tilespmem:s16+$0x0 ss:$0x1], $0xffff  }
.Ltmp4:
0x3a: {  	_ = 	snop;
	(pc) =	sbr.rel .LBB2_4-.Ltmp4, $1  }
0x3b: {  	_ =	sdelay $0x3  }
.LBB2_6:
0x3c: {  	_ =	sfence.sel $0x180000  }
0x3d: {  	s2 =	simm.s32 $0x2;
	[bflag:$0x0] =	sbarrier.arrive $0xFFFF  }
0x3e: {  	s30 =	simm.s32 $0x3;
	[sflag:s2] =	ssyncpa.u1 $0x1  }
0x3f: {  	s31 =	simm.s32 $0x1;
	[sflag:s30] =	ssyncpa.u1 $0x1  }
0x40: {  	[sflag:s31] =	ssyncpa.u1 $0x1  }
0x41: {  	p0 =	sne.s32 s1, $0x0;
	_ =	strace $0x90000050  }
0x42: {  	s0 =	sadd.s32 @!p0 $0x100000, s0;
	[bflag:$0x2] =	sbarrier.arrive $0xFFFF  }
0x43: {  	[sflag:s0] =	ssyncadd.tile.s32 @!p0 $0x1;
	_ =	shalt  }
.Lfunc_end2:
_tile_overlayer_lowered:
.L_overlay_start_2:
0x44: {  	(tag) =	ssettag $0x2  }
0x45: {  	s0 =	rddreg [dreg:$0x0];
	s2 =	stileid.u32  }
0x46: {  	s1 =	rddreg [dreg:$0x1];
	p0 =	sne.s32 s2, $0x0  }
0x47: {  	s3 =	rddreg [dreg:$0x2];
	[bflag:$0x3] =	sbarrier.arrive $0xFFFF;
	s2 =	simm.s32 @!p0 $0x1C01  }
0x48: {  	[timem:s3], [sflag:s2] =	dma.local @!p0 [hbm:s0], s1  }
0x49: {  	s0 =	simm.s32 @!p0 $0x1  }
0x4a: {  	_ =	swait.ge @!p0 [sflag:s0], s1  }
0x4b: {  	s1 =	ssub.s32 @!p0 $0x0, s1;
	[sflag:s0] =	ssyncset.done @!p0 $0x0  }
0x4c: {  	[sflag:s0] =	ssyncadd.s32 @!p0 s1  }
0x4d: {  	[bflag:$0x3] =	sbarrier.arrive $0xFFFF  }
0x4e: {  	_ =	shalt  }

// kernel: gather_offload_async_start.3
scs
__scs_entry_jumppad:
0x0: {  	(pc) =	sbr.rel $0x88, $3  }
0x1: {  	(tag) =	ssettag $0x0;
	lr =	simm.s32 $0x1  }
0x2: {  	[smem:$0x3F9E] =	sst lr;
	_ =	strace $0xD0000000  }
0x3: {  	_ = 	snop  }
0x4: {  	_ = 	snop  }
0x5: {  	_ = 	snop  }
0x6: {  	_ = 	snop  }
0x7: {  	_ = 	snop  }
__scs_overlays_trampoline_lowered:
0x8: {  	[smem:$0x3FAD] =	sst s0  }
0x9: {  	[smem:$0x3FAE] =	sst s1  }
0xa: {  	[smem:$0x3FAF] =	sst s2  }
0xb: {  	[smem:$0x3FB0] =	sst s3  }
0xc: {  	[smem:$0x3FB1] =	sst s4  }
0xd: {  	[smem:$0x3FB2] =	sst s5  }
0xe: {  	[smem:$0x3FB3] =	sst s6  }
0xf: {  	[smem:$0x3FB4] =	sst s7  }
0x10: {  	[smem:$0x3FB5] =	sst s8  }
0x11: {  	[smem:$0x3FB6] =	sst s9;
	s0 =	simm.s32 @!p0 $0x0  }
0x12: {  	s1 =	sld [smem:$0x3F9C];
	s0 =	simm.s32 @p0 $0x1  }
0x13: {  	[smem:$0x3FB7] =	sst s0;
	s0 =	simm.s32 @!p1 $0x0  }
0x14: {  	s2 =	sld [smem:$0x3F9B];
	s0 =	simm.s32 @p1 $0x1  }
0x15: {  	[smem:$0x3FB8] =	sst s0;
	s0 =	simm.s32 @!p2 $0x0  }
0x16: {  	s3 =	sld [smem:$0x3FDB];
	s0 =	simm.s32 @p2 $0x1  }
0x17: {  	s4 =	simm.s32 $0x1BF5;
	[smem:$0x3FBA] =	sst s0  }
0x18: {  	s0 =	sld [smem:$0x3F9D];
	_ =	swait.ge [sflag:s4], $0x0  }
0x19: {  	s7 =	sld [smem:$0x3F9E]  }
0x1a: {  	s8 =	sadd.s32 $0xFFFFE003, lr  }
0x1b: {  	s9 =	sadd.s32 $0xFFFFFEF7, lr;
	s5 =	simm.s32 $0xFFFFFFFF;
	p2 =	slt.u32 s8, $0xFFFFF086  }
0x1c: {  	p1 =	slt.u32 s9, $0xF7A;
	s5 =	simm.s32 @!p2 $0x0  }
0x1d: {  	s5 =	simm.s32 @p1 $0x1;
	p0 =	seq.s32 s7, s2  }
0x1e: {  	s7 =	smul.u32 @!p0 $0xF7A, s2;
	p2 =	seq.s32 @!p0 s5, $0x0  }
0x1f: {  	s9 =	smul.u32 $0xF7A, s1;
	s8 =	simm.s32 @!p0 $0x1BF5;
	p2 =	por !p2, p0  }
0x20: {  	[sflag:s8] =	ssyncset.s32 @!p0 $0xFFFFF086;
	s6 =	sadd.s32 @!p0 s3, s7;
	s7 =	simm.s32 @!p0 $0x108  }
0x21: {  	s3 =	sadd.s32 s3, s9;
	s6 =	sadd.s32 @!p0 $0x88, s6;
	s7 =	simm.s32 @p2 $0x1082  }
0x22: {  	[simem:s7], [sflag:s8] =	dma.local @!p0 [hbm:s6], $0xF7A  }
0x23: {  	s9 =	sor.u32 $0xD0000000, s2;
	s6 =	simm.s32 $0x108;
	_ =	swait.ge @!p0 [sflag:s8], $0x0  }
0x24: {  	s3 =	sadd.s32 $0x88, s3;
	s6 =	simm.s32 @!p1 $0x1082;
	[sflag:s4] =	ssyncset.s32 $0xFFFFF086  }
0x25: {  	[simem:s6], [sflag:s4] =	dma.local [hbm:s3], $0xF7A  }
0x26: {  	[smem:$0x3F9E] =	sst s1;
	(tag) =	ssettag s2;
	_ =	strace s9  }
0x27: {  	s1 =	sld [smem:$0x3FAE]  }
0x28: {  	s2 =	sld [smem:$0x3FAF]  }
0x29: {  	s4 =	sld [smem:$0x3FB1]  }
0x2a: {  	p0 =	seq.s32 s5, $0x0;
	s5 =	sld [smem:$0x3FB2]  }
0x2b: {  	s6 =	sld [smem:$0x3FB3]  }
0x2c: {  	s7 =	sld [smem:$0x3FB4]  }
0x2d: {  	s3 =	simm.s32 $0x108;
	s8 =	sld [smem:$0x3FB5]  }
0x2e: {  	s3 =	simm.s32 @!p0 $0x1082;
	s9 =	sld [smem:$0x3FB6]  }
0x2f: {  	lr =	sadd.s32 s0, s3;
	s0 =	sld [smem:$0x3FAD]  }
0x30: {  	s3 =	sld [smem:$0x3FB0]  }
0x31: {  	[smem:$0x3FB9] =	sst s10  }
0x32: {  	s10 =	sld [smem:$0x3FB7];
	_ =	sdelay $0x3  }
0x33: {  	p0 =	seq.s32 s10, $0x1;
	s10 =	sld [smem:$0x3FB9];
	_ =	sdelay $0x3  }
0x34: {  	[smem:$0x3FB9] =	sst s10  }
0x35: {  	s10 =	sld [smem:$0x3FB8];
	_ =	sdelay $0x3  }
0x36: {  	p1 =	seq.s32 s10, $0x1;
	s10 =	sld [smem:$0x3FB9];
	_ =	sdelay $0x3  }
0x37: {  	[smem:$0x3FB9] =	sst s10  }
0x38: {  	s10 =	sld [smem:$0x3FBA]  }
0x39: {  	_ = 	snop;
	(pc) =	sbr.ind lr, $3  }
0x3a: {  	_ = 	snop  }
0x3b: {  	_ = 	snop  }
0x3c: {  	p2 =	seq.s32 s10, $0x1;
	s10 =	sld [smem:$0x3FB9]  }
0x3d: {  	_ =	shalt  }
0x3e: {  	_ =	shalt  }
0x3f: {  	_ =	shalt  }
0x40: {  	_ =	shalt  }
0x41: {  	_ =	shalt  }
0x42: {  	_ =	shalt  }
0x43: {  	_ =	shalt  }
0x44: {  	_ =	shalt  }
0x45: {  	_ =	shalt  }
0x46: {  	_ =	shalt  }
0x47: {  	_ =	shalt  }
0x48: {  	_ =	shalt  }
0x49: {  	_ =	shalt  }
0x4a: {  	_ =	shalt  }
0x4b: {  	_ =	shalt  }
0x4c: {  	_ =	shalt  }
0x4d: {  	_ =	shalt  }
0x4e: {  	_ =	shalt  }
0x4f: {  	_ =	shalt  }
0x50: {  	_ =	shalt  }
0x51: {  	_ =	shalt  }
0x52: {  	_ =	shalt  }
0x53: {  	_ =	shalt  }
0x54: {  	_ =	shalt  }
0x55: {  	_ =	shalt  }
0x56: {  	_ =	shalt  }
0x57: {  	_ =	shalt  }
0x58: {  	_ =	shalt  }
0x59: {  	_ =	shalt  }
0x5a: {  	_ =	shalt  }
0x5b: {  	_ =	shalt  }
0x5c: {  	_ =	shalt  }
0x5d: {  	_ =	shalt  }
0x5e: {  	_ =	shalt  }
0x5f: {  	_ =	shalt  }
0x60: {  	_ =	shalt  }
0x61: {  	_ =	shalt  }
0x62: {  	_ =	shalt  }
0x63: {  	_ =	shalt  }
0x64: {  	_ =	shalt  }
0x65: {  	_ =	shalt  }
0x66: {  	_ =	shalt  }
0x67: {  	_ =	shalt  }
0x68: {  	_ =	shalt  }
0x69: {  	_ =	shalt  }
0x6a: {  	_ =	shalt  }
0x6b: {  	_ =	shalt  }
0x6c: {  	_ =	shalt  }
0x6d: {  	_ =	shalt  }
0x6e: {  	_ =	shalt  }
0x6f: {  	_ =	shalt  }
0x70: {  	_ =	shalt  }
0x71: {  	_ =	shalt  }
0x72: {  	_ =	shalt  }
0x73: {  	_ =	shalt  }
0x74: {  	_ =	shalt  }
0x75: {  	_ =	shalt  }
0x76: {  	_ =	shalt  }
0x77: {  	_ =	shalt  }
0x78: {  	_ =	shalt  }
0x79: {  	_ =	shalt  }
0x7a: {  	_ =	shalt  }
0x7b: {  	_ =	shalt  }
0x7c: {  	_ =	shalt  }
0x7d: {  	_ =	shalt  }
0x7e: {  	_ =	shalt  }
0x7f: {  	_ =	shalt  }
0x80: {  	_ =	shalt  }
0x81: {  	_ =	shalt  }
0x82: {  	_ =	shalt  }
0x83: {  	_ =	shalt  }
0x84: {  	_ =	shalt  }
0x85: {  	_ =	shalt  }
0x86: {  	_ =	shalt  }
0x87: {  	_ =	shalt  }
.Lfunc_end0:
.L_simem_size_0:
called_computation.3_lowered:
.L_overlay_start_0:
0x88: {  	s2 =	sld [smem:$0x3FD9]  }
0x89: {  	s3 =	sld [smem:$0x3FFE];
	_ =	sdelay $0x1  }
0x8a: {  	s1 =	srdreg.scid  }
0x8b: {  	s0 =	sand.u32 $0x1, s1  }
0x8c: {  	s16 =	sshll.u32 s0, $0xA;
	s2 =	sadd.s32 s3, s2  }
0x8d: {  	s2 =	sadd.s32 s2, s16  }
0x8e: {  	[smem:$0x3FC5] =	sst s2  }
0x8f: {  	_ = 	snop  }
0x90: {  	(tm) =	ssettm $0x1  }
0x91: {  	s17 =	sld [smem:$0x3FFB];
	_ =	sdelay $0x3  }
0x92: {  	_ =	strace s17  }
0x93: {  	s2 =	sld [smem:$0x3FFC];
	_ =	sdelay $0x3  }
0x94: {  	_ =	strace s2  }
0x95: {  	s2 =	sld [smem:$0x3FFD];
	_ =	sdelay $0x3  }
0x96: {  	_ =	strace s2  }
0x97: {  	_ =	strace $0x8FFFFFFF  }
0x98: {  	s18 =	sld [smem:$0x3FDB];
	_ =	sdelay $0x1  }
0x99: {  	s19 =	simm.s32 $_scs_section_size  }
0x9a: {  	s4 =	simm.s32 $_size__tile_overlayer_lowered;
	s5 =	simm.s32 $_tile_overlayer_lowered  }
0x9b: {  	s22 =	simm.s32 $0x1BFF;
	s21 =	sshll.u32 s5, $0x1;
	s2 =	sadd.s32 s19, s18  }
0x9c: {  	s6 =	simm.s32 $0x0;
	s20 =	sshll.u32 s4, $0x1;
	s4 =	sadd.s32 s21, s2  }
0x9d: {  	[timem:s6], [sflag:s22] =	dma.local [hbm:s4], s20  }
0x9e: {  	_ =	swait.ge [sflag:s22], s20  }
0x9f: {  	s3 =	ssub.s32 $0x0, s20;
	[sflag:s22] =	ssyncset.done $0x0  }
0xa0: {  	[sflag:s22] =	ssyncadd.s32 s3;
	_ =	sdelay $0x1  }
0xa1: {  	s23 =	simm.s32 $0x1B8B  }
0xa2: {  	_ =	swait.ge [sflag:s23], $0x1  }
0xa3: {  	[sflag:s23] =	ssyncset.done $0x0  }
0xa4: {  	s25 =	simm.s32 $0x1B8E;
	s24 =	sld [smem:$0x3FFE];
	[sflag:s23] =	ssyncadd.s32 $0xFFFFFFFF  }
0xa5: {  	s26 =	simm.s32 $execute0_lowered;
	[smem:$0x3FD2] =	sst s25  }
0xa6: {  	s4 =	sshll.u32 s26, $0x1;
	_ =	strace $0x8000004C;
	[dreg:$0x1] =	wrdreg $0xFFFFFFFF  }
0xa7: {  	s28 =	simm.s32 $_size_execute0_lowered;
	s2 =	sadd.s32 s2, s4;
	[dreg:$0x0] =	wrdreg $0x0  }
0xa8: {  	s4 =	sshll.u32 s28, $0x1;
	[dreg:$0x2] =	wrdreg s2  }
0xa9: {  	[dreg:$0x3] =	wrdreg s4  }
0xaa: {  	[dreg:$0x4] =	wrdreg $0xC0  }
0xab: {  	_ =	task [dreg:s6], $0x5FFFF  }
0xac: {  	[dreg:$0x1] =	wrdreg $0xFFFFFFFF  }
0xad: {  	[dreg:$0x0] =	wrdreg $0x60  }
0xae: {  	[dreg:$0x2] =	wrdreg s24  }
0xaf: {  	[dreg:$0x3] =	wrdreg $0xA  }
0xb0: {  	_ =	task.clear_ibuf [dreg:s6], $0x4FFFF;
	_ =	strace $0x9000004C  }
0xb1: {  	s29 =	simm.s32 $0xA;
	_ =	strace $0x8000004E  }
0xb2: {  	_ =	swait.ge [sflag:s29], $0x1  }
0xb3: {  	[sflag:s29] =	ssyncadd.s32 $0xFFFFFFFF  }
0xb4: {  	_ =	strace $0x9000004E  }
0xb5: {  	_ =	sfence  }
0xb6: {  	s30 =	sld [smem:$0x0];
	_ =	sdelay $0x2  }
0xb7: {  	s31 =	sshll.u32 s1, $0xD;
	s1 =	sshrl.u32 s1, $0x2  }
0xb8: {  	s3 =	sand.u32 $0x4000, s31;
	s1 =	sadd.s32 s1, s30  }
0xb9: {  	s0 =	sor.u32 s3, s0;
	s1 =	sshll.u32 s1, $0x11  }
0xba: {  	s0 =	sor.u32 s1, s0  }
0xbb: {  	s0 =	sadd.s32 $0x8F2B, s0  }
0xbc: {  	[sflag:s0] =	ssyncadd.remote.s32 $0x1  }
0xbd: {  	_ =	sfence.sel $0xFFFF  }
0xbe: {  	[dreg:$0x0] =	wrdreg $0xFFFFFFFF;
	(pc) =	sbr.abs _section_cstart, $3  }
0xbf: {  	[dreg:$0x1] =	wrdreg $0xFFFFFFFF  }
0xc0: {  	_ =	task.clear_ibuf [dreg:s6], $0x2FFFF;
	_ =	strace $0x9FFFFFFF  }
0xc1: {  	(tm) =	ssettm $0x7FFFFFFF  }
tec
execute0_lowered:
.L_overlay_start_1:
0x0: {  	(tag) =	ssettag $0x1  }
0x1: {  	s8 =	rddreg [dreg:$0x0]  }
0x2: {  	s0 =	rddreg [dreg:$0x1];
	_ =	strace $0x8000004D;
	s1 =	stileid.u32  }
0x3: {  	s3 =	srdreg.scid;
	s4 =	simm.s32 $0x1;
	s7 =	simm.s32 $0x1  }
0x4: {  	s9 =	simm.s32 $0x1;
	s10 =	simm.s32 $0x3;
	s13 =	simm.s32 $0x0  }
0x5: {  	s12 =	simm.s32 $0x0;
	s5 =	sand.u32 $0x1, s3;
	s6 =	sshll.u32 s1, $0x1  }
0x6: {  	s2 =	sadd.s32 $0x103000, s8;
	s3 =	sadd.s32 $0x4000, s8;
	s5 =	sor.u32 s6, s5  }
.Ltmp0:
0x7: {  	[sflag:s4] =	ssyncpa.u1 $0x0;
	p0 =	slt.u32 s5, $0x13;
	(pc) =	sbr.rel .LBB2_1-.Ltmp0, $4  }
0x8: {  	s6 =	simm.s32 $0x2;
	s7 =	simm.s32 @!p0 $0x0;
	p0 =	sne.s32 s5, $0x12  }
0x9: {  	[sflag:s6] =	ssyncpa.u1 $0x0;
	s5 =	smul.u32 $0x1E0, s5;
	s9 =	simm.s32 @!p0 $0x0  }
0xa: {  	s8 =	sadd.s32 $0x4C00, s8;
	[sflag:s10] =	ssyncpa.u1 $0x0;
	s7 =	sadd.s32 s9, s7  }
0xb: {  	vm0 =	vmmov $0xffff;
	s10 =	simm.s32 $0x0;
	s11 =	smov.u32 s5;
	s9 =	sadd.s32 $0x1, s7  }
.LBB2_4:
0xc: {  	v2 =	vnsel vm1, $0x0, v2  }
0xd: {  	vm1 =	vgt.s32 v0, $0x0;
	v2 =	vmin.u32 v2, $0x4E1F  }
0xe: {  	v0 =	vnsel vm1, $0x0, v0  }
0xf: {  	v0 =	vmin.u32 v0, $0x4E1F  }
0x10: {  	[tilespmem:s18], [sflag:$0x1] =	stream.indirect_vreg.gather [hbm4b:s2+s10], $0x1, v1, vm0, $0x4038;
	[tilespmem:$0x780] =	vst v63  }
0x11: {  	(ifvalue) =	ssetifvalue $0x7FFFFFFF  }
0x12: {  	[tilespmem:s15], [sflag:$0x1] =	stream.indirect_vreg.gather [hbm4b:s2+s10], $0x1, v2, vm0, $0x4038;
	[tilespmem:$0x780] =	vst v63  }
0x13: {  	s29 =	sadd.s32 $0x10, s15;
	(ifvalue) =	ssetifvalue $0x7FFFFFFF  }
0x14: {  	[tilespmem:s29], [sflag:$0x1] =	stream.indirect_vreg.gather [hbm4b:s2+s10], $0x1, v0, vm0, $0x4038;
	[tilespmem:$0x780] =	vst v63  }
0x15: {  	_ =	swait.ge [sflag:s4], $0x1E0  }
0x16: {  	s30 =	sshrl.u32 s13, $0x3;
	[sflag:s4] =	ssyncset.done $0x0  }
0x17: {  	s31 =	sand.u32 $0x7, s13;
	s15 =	sadd.s32 s8, s30;
	[sflag:s4] =	ssyncadd.s32 $0xFFFFFE20  }
0x18: {  	[hbm4b:s15+s31] =	stream.linear.scatter [tilespmem:s14], [sflag:$0x3], $0x1E0, $0x38;
	[tilespmem:$0x780] =	vst v63  }
.LBB2_5:
0x19: {  	s15 =	sadd.s32 $0x3C00, s11  }
0x1a: {  	p1 =	sgt.s32 s15, $0x5DBF  }
0x1b: {  	s15 =	smov.u32 @p1 s5;
	p1 =	sne.s32 s12, s9  }
.Ltmp1:
0x1c: {  	p0 =	slt.u32 s12, $0x2;
	(pc) =	sbr.rel @!p1 .LBB2_6-.Ltmp1, $4  }
0x1d: {  	s14 =	simm.s32 @!p0 $0x3  }
0x1e: {  	_ =	swait.ge @!p0 [sflag:s14], $0x1E0  }
0x1f: {  	s16 =	sadd.s32 $0x1, s12;
	s13 =	smov.u32 s11;
	[sflag:s14] =	ssyncset.done @!p0 $0x0  }
0x20: {  	s12 =	smov.u32 s16;
	s11 =	smov.u32 s15;
	[sflag:s14] =	ssyncadd.s32 @!p0 $0xFFFFFE20  }
.LBB2_1:
0x21: {  	p0 =	sge.u32 s12, s7  }
0x22: {  	s14 =	sxor.u32 @!p0 $0x1, s12  }
0x23: {  	s14 =	smul.u32 @!p0 $0x780, s14  }
0x24: {  	s31 =	sadd.s32 $0xFFFFFFFF, s12;
	s15 =	sshrl.u32 @!p0 s11, $0x3  }
0x25: {  	s16 =	sand.u32 @!p0 $0x7, s11;
	s15 =	sadd.s32 @!p0 s3, s15;
	s14 =	sshra.s32 @!p0 s14, $0x2  }
0x26: {  	[tilespmem:s14], [sflag:$0x2] =	stream.linear.gather @!p0 [hbm4b:s15+s16], $0x1E0, $0x38;
	[tilespmem:$0x780] =	vst v63  }
0x27: {  	p0 =	sge.u32 s31, s7  }
.Ltmp2:
0x28: {  	_ = 	snop;
	(pc) =	sbr.rel @p0 .LBB2_5-.Ltmp2, $1  }
0x29: {  	_ =	sdelay $0x3  }
0x2a: {  	s14 =	sand.u32 $0x1, s12  }
0x2b: {  	_ =	swait.ge [sflag:s6], $0x1E0;
	p0 =	seq.s32 s14, $0x1;
	s14 =	simm.s32 $0x1E0  }
0x2c: {  	[sflag:s6] =	ssyncset.done $0x0;
	s14 =	simm.s32 @!p0 $0x0  }
0x2d: {  	[sflag:s6] =	ssyncadd.s32 $0xFFFFFE20;
	(ifvalue) =	ssetifvalue $0x7FFFFFFF;
	v0 =	vld.msk [tilespmem:s14+$0x0 ss:$0x1], $0xffff;
	_ =	sdelay $0x4  }
0x2e: {  	s15 =	sadd.s32 $0x10, s14;
	vm1 =	vgt.s32 v0, $0x0  }
0x2f: {  	v2 =	vld.msk [tilespmem:s15+$0x0 ss:$0x1], $0xffff;
	v1 =	vnsel vm1, $0x0, v0  }
0x30: {  	v1 =	vmin.u32 v1, $0x4E1F;
	_ =	sdelay $0x2  }
0x31: {  	s17 =	simm.s32 $0x20;
	s14 =	sadd.s32 $0x3C0, s14;
	s16 =	sadd.s32 $0x10, s15  }
0x32: {  	s15 =	sadd.s32 $0x10, s14;
	s18 =	smov.u32 s14;
	v0 =	vld.msk [tilespmem:s16+$0x0 ss:$0x1], $0xffff;
	vm1 =	vgt.s32 v2, $0x0;
	(ifvalue) =	ssetifvalue $0x7FFFFFFF  }
.LBB2_3:
0x33: {  	[tilespmem:s18], [sflag:$0x1] =	stream.indirect_vreg.gather [hbm4b:s2+s10], $0x1, v1, vm0, $0x4038;
	[tilespmem:$0x780] =	vst v63  }
0x34: {  	s17 =	sadd.s32 $0x10, s17  }
0x35: {  	v2 =	vnsel vm1, $0x0, v2;
	p0 =	slt.u32 s17, $0x1D0  }
.Ltmp3:
0x36: {  	s18 =	smov.u32 s15;
	v1 =	vmin.u32 v2, $0x4E1F;
	(pc) =	sbr.rel @p0 .LBB2_3-.Ltmp3, $3  }
0x37: {  	_ =	sdelay $0x1  }
0x38: {  	s16 =	sadd.s32 $0x10, s16  }
0x39: {  	vm1 =	vgt.s32 v0, $0x0;
	s15 =	sadd.s32 $0x10, s15;
	v2 =	vmov v0;
	(ifvalue) =	ssetifvalue $0x7FFFFFFF;
	v0 =	vld.msk [tilespmem:s16+$0x0 ss:$0x1], $0xffff  }
.Ltmp4:
0x3a: {  	_ = 	snop;
	(pc) =	sbr.rel .LBB2_4-.Ltmp4, $1  }
0x3b: {  	_ =	sdelay $0x3  }
.LBB2_6:
0x3c: {  	_ =	sfence.sel $0x180000  }
0x3d: {  	s2 =	simm.s32 $0x2;
	[bflag:$0x0] =	sbarrier.arrive $0xFFFF  }
0x3e: {  	s30 =	simm.s32 $0x3;
	[sflag:s2] =	ssyncpa.u1 $0x1  }
0x3f: {  	s31 =	simm.s32 $0x1;
	[sflag:s30] =	ssyncpa.u1 $0x1  }
0x40: {  	[sflag:s31] =	ssyncpa.u1 $0x1  }
0x41: {  	p0 =	sne.s32 s1, $0x0;
	_ =	strace $0x9000004D  }
0x42: {  	s0 =	sadd.s32 @!p0 $0x100000, s0;
	[bflag:$0x2] =	sbarrier.arrive $0xFFFF  }
0x43: {  	[sflag:s0] =	ssyncadd.tile.s32 @!p0 $0x1;
	_ =	shalt  }
.Lfunc_end2:
_tile_overlayer_lowered:
.L_overlay_start_2:
0x44: {  	(tag) =	ssettag $0x2  }
0x45: {  	s0 =	rddreg [dreg:$0x0];
	s2 =	stileid.u32  }
0x46: {  	s1 =	rddreg [dreg:$0x1];
	p0 =	sne.s32 s2, $0x0  }
0x47: {  	s3 =	rddreg [dreg:$0x2];
	[bflag:$0x3] =	sbarrier.arrive $0xFFFF;
	s2 =	simm.s32 @!p0 $0x1C01  }
0x48: {  	[timem:s3], [sflag:s2] =	dma.local @!p0 [hbm:s0], s1  }
0x49: {  	s0 =	simm.s32 @!p0 $0x1  }
0x4a: {  	_ =	swait.ge @!p0 [sflag:s0], s1  }
0x4b: {  	s1 =	ssub.s32 @!p0 $0x0, s1;
	[sflag:s0] =	ssyncset.done @!p0 $0x0  }
0x4c: {  	[sflag:s0] =	ssyncadd.s32 @!p0 s1  }
0x4d: {  	[bflag:$0x3] =	sbarrier.arrive $0xFFFF  }
0x4e: {  	_ =	shalt  }

// kernel: gather_offload_async_start.4
scs
__scs_entry_jumppad:
0x0: {  	(pc) =	sbr.rel $0x88, $3  }
0x1: {  	(tag) =	ssettag $0x0;
	lr =	simm.s32 $0x1  }
0x2: {  	[smem:$0x3F9E] =	sst lr;
	_ =	strace $0xD0000000  }
0x3: {  	_ = 	snop  }
0x4: {  	_ = 	snop  }
0x5: {  	_ = 	snop  }
0x6: {  	_ = 	snop  }
0x7: {  	_ = 	snop  }
__scs_overlays_trampoline_lowered:
0x8: {  	[smem:$0x3FAD] =	sst s0  }
0x9: {  	[smem:$0x3FAE] =	sst s1  }
0xa: {  	[smem:$0x3FAF] =	sst s2  }
0xb: {  	[smem:$0x3FB0] =	sst s3  }
0xc: {  	[smem:$0x3FB1] =	sst s4  }
0xd: {  	[smem:$0x3FB2] =	sst s5  }
0xe: {  	[smem:$0x3FB3] =	sst s6  }
0xf: {  	[smem:$0x3FB4] =	sst s7  }
0x10: {  	[smem:$0x3FB5] =	sst s8  }
0x11: {  	[smem:$0x3FB6] =	sst s9;
	s0 =	simm.s32 @!p0 $0x0  }
0x12: {  	s1 =	sld [smem:$0x3F9C];
	s0 =	simm.s32 @p0 $0x1  }
0x13: {  	[smem:$0x3FB7] =	sst s0;
	s0 =	simm.s32 @!p1 $0x0  }
0x14: {  	s2 =	sld [smem:$0x3F9B];
	s0 =	simm.s32 @p1 $0x1  }
0x15: {  	[smem:$0x3FB8] =	sst s0;
	s0 =	simm.s32 @!p2 $0x0  }
0x16: {  	s3 =	sld [smem:$0x3FDB];
	s0 =	simm.s32 @p2 $0x1  }
0x17: {  	s4 =	simm.s32 $0x1BF5;
	[smem:$0x3FBA] =	sst s0  }
0x18: {  	s0 =	sld [smem:$0x3F9D];
	_ =	swait.ge [sflag:s4], $0x0  }
0x19: {  	s7 =	sld [smem:$0x3F9E]  }
0x1a: {  	s8 =	sadd.s32 $0xFFFFE003, lr  }
0x1b: {  	s9 =	sadd.s32 $0xFFFFFEF7, lr;
	s5 =	simm.s32 $0xFFFFFFFF;
	p2 =	slt.u32 s8, $0xFFFFF086  }
0x1c: {  	p1 =	slt.u32 s9, $0xF7A;
	s5 =	simm.s32 @!p2 $0x0  }
0x1d: {  	s5 =	simm.s32 @p1 $0x1;
	p0 =	seq.s32 s7, s2  }
0x1e: {  	s7 =	smul.u32 @!p0 $0xF7A, s2;
	p2 =	seq.s32 @!p0 s5, $0x0  }
0x1f: {  	s9 =	smul.u32 $0xF7A, s1;
	s8 =	simm.s32 @!p0 $0x1BF5;
	p2 =	por !p2, p0  }
0x20: {  	[sflag:s8] =	ssyncset.s32 @!p0 $0xFFFFF086;
	s6 =	sadd.s32 @!p0 s3, s7;
	s7 =	simm.s32 @!p0 $0x108  }
0x21: {  	s3 =	sadd.s32 s3, s9;
	s6 =	sadd.s32 @!p0 $0x88, s6;
	s7 =	simm.s32 @p2 $0x1082  }
0x22: {  	[simem:s7], [sflag:s8] =	dma.local @!p0 [hbm:s6], $0xF7A  }
0x23: {  	s9 =	sor.u32 $0xD0000000, s2;
	s6 =	simm.s32 $0x108;
	_ =	swait.ge @!p0 [sflag:s8], $0x0  }
0x24: {  	s3 =	sadd.s32 $0x88, s3;
	s6 =	simm.s32 @!p1 $0x1082;
	[sflag:s4] =	ssyncset.s32 $0xFFFFF086  }
0x25: {  	[simem:s6], [sflag:s4] =	dma.local [hbm:s3], $0xF7A  }
0x26: {  	[smem:$0x3F9E] =	sst s1;
	(tag) =	ssettag s2;
	_ =	strace s9  }
0x27: {  	s1 =	sld [smem:$0x3FAE]  }
0x28: {  	s2 =	sld [smem:$0x3FAF]  }
0x29: {  	s4 =	sld [smem:$0x3FB1]  }
0x2a: {  	p0 =	seq.s32 s5, $0x0;
	s5 =	sld [smem:$0x3FB2]  }
0x2b: {  	s6 =	sld [smem:$0x3FB3]  }
0x2c: {  	s7 =	sld [smem:$0x3FB4]  }
0x2d: {  	s3 =	simm.s32 $0x108;
	s8 =	sld [smem:$0x3FB5]  }
0x2e: {  	s3 =	simm.s32 @!p0 $0x1082;
	s9 =	sld [smem:$0x3FB6]  }
0x2f: {  	lr =	sadd.s32 s0, s3;
	s0 =	sld [smem:$0x3FAD]  }
0x30: {  	s3 =	sld [smem:$0x3FB0]  }
0x31: {  	[smem:$0x3FB9] =	sst s10  }
0x32: {  	s10 =	sld [smem:$0x3FB7];
	_ =	sdelay $0x3  }
0x33: {  	p0 =	seq.s32 s10, $0x1;
	s10 =	sld [smem:$0x3FB9];
	_ =	sdelay $0x3  }
0x34: {  	[smem:$0x3FB9] =	sst s10  }
0x35: {  	s10 =	sld [smem:$0x3FB8];
	_ =	sdelay $0x3  }
0x36: {  	p1 =	seq.s32 s10, $0x1;
	s10 =	sld [smem:$0x3FB9];
	_ =	sdelay $0x3  }
0x37: {  	[smem:$0x3FB9] =	sst s10  }
0x38: {  	s10 =	sld [smem:$0x3FBA]  }
0x39: {  	_ = 	snop;
	(pc) =	sbr.ind lr, $3  }
0x3a: {  	_ = 	snop  }
0x3b: {  	_ = 	snop  }
0x3c: {  	p2 =	seq.s32 s10, $0x1;
	s10 =	sld [smem:$0x3FB9]  }
0x3d: {  	_ =	shalt  }
0x3e: {  	_ =	shalt  }
0x3f: {  	_ =	shalt  }
0x40: {  	_ =	shalt  }
0x41: {  	_ =	shalt  }
0x42: {  	_ =	shalt  }
0x43: {  	_ =	shalt  }
0x44: {  	_ =	shalt  }
0x45: {  	_ =	shalt  }
0x46: {  	_ =	shalt  }
0x47: {  	_ =	shalt  }
0x48: {  	_ =	shalt  }
0x49: {  	_ =	shalt  }
0x4a: {  	_ =	shalt  }
0x4b: {  	_ =	shalt  }
0x4c: {  	_ =	shalt  }
0x4d: {  	_ =	shalt  }
0x4e: {  	_ =	shalt  }
0x4f: {  	_ =	shalt  }
0x50: {  	_ =	shalt  }
0x51: {  	_ =	shalt  }
0x52: {  	_ =	shalt  }
0x53: {  	_ =	shalt  }
0x54: {  	_ =	shalt  }
0x55: {  	_ =	shalt  }
0x56: {  	_ =	shalt  }
0x57: {  	_ =	shalt  }
0x58: {  	_ =	shalt  }
0x59: {  	_ =	shalt  }
0x5a: {  	_ =	shalt  }
0x5b: {  	_ =	shalt  }
0x5c: {  	_ =	shalt  }
0x5d: {  	_ =	shalt  }
0x5e: {  	_ =	shalt  }
0x5f: {  	_ =	shalt  }
0x60: {  	_ =	shalt  }
0x61: {  	_ =	shalt  }
0x62: {  	_ =	shalt  }
0x63: {  	_ =	shalt  }
0x64: {  	_ =	shalt  }
0x65: {  	_ =	shalt  }
0x66: {  	_ =	shalt  }
0x67: {  	_ =	shalt  }
0x68: {  	_ =	shalt  }
0x69: {  	_ =	shalt  }
0x6a: {  	_ =	shalt  }
0x6b: {  	_ =	shalt  }
0x6c: {  	_ =	shalt  }
0x6d: {  	_ =	shalt  }
0x6e: {  	_ =	shalt  }
0x6f: {  	_ =	shalt  }
0x70: {  	_ =	shalt  }
0x71: {  	_ =	shalt  }
0x72: {  	_ =	shalt  }
0x73: {  	_ =	shalt  }
0x74: {  	_ =	shalt  }
0x75: {  	_ =	shalt  }
0x76: {  	_ =	shalt  }
0x77: {  	_ =	shalt  }
0x78: {  	_ =	shalt  }
0x79: {  	_ =	shalt  }
0x7a: {  	_ =	shalt  }
0x7b: {  	_ =	shalt  }
0x7c: {  	_ =	shalt  }
0x7d: {  	_ =	shalt  }
0x7e: {  	_ =	shalt  }
0x7f: {  	_ =	shalt  }
0x80: {  	_ =	shalt  }
0x81: {  	_ =	shalt  }
0x82: {  	_ =	shalt  }
0x83: {  	_ =	shalt  }
0x84: {  	_ =	shalt  }
0x85: {  	_ =	shalt  }
0x86: {  	_ =	shalt  }
0x87: {  	_ =	shalt  }
.Lfunc_end0:
.L_simem_size_0:
called_computation.4_lowered:
.L_overlay_start_0:
0x88: {  	s2 =	sld [smem:$0x3FD9]  }
0x89: {  	s3 =	sld [smem:$0x3FFE];
	_ =	sdelay $0x1  }
0x8a: {  	s1 =	srdreg.scid  }
0x8b: {  	s0 =	sand.u32 $0x1, s1  }
0x8c: {  	s17 =	sshll.u32 s0, $0xA;
	s2 =	sadd.s32 s3, s2  }
0x8d: {  	s2 =	sadd.s32 s2, s17  }
0x8e: {  	[smem:$0x3FC5] =	sst s2  }
0x8f: {  	_ = 	snop  }
0x90: {  	(tm) =	ssettm $0x1  }
0x91: {  	s18 =	sld [smem:$0x3FFB];
	_ =	sdelay $0x3  }
0x92: {  	_ =	strace s18  }
0x93: {  	s2 =	sld [smem:$0x3FFC];
	_ =	sdelay $0x3  }
0x94: {  	_ =	strace s2  }
0x95: {  	s2 =	sld [smem:$0x3FFD];
	_ =	sdelay $0x3  }
0x96: {  	_ =	strace s2  }
0x97: {  	_ =	strace $0x8FFFFFFF  }
0x98: {  	s19 =	sld [smem:$0x3FDB];
	_ =	sdelay $0x1  }
0x99: {  	s20 =	simm.s32 $_scs_section_size  }
0x9a: {  	s4 =	simm.s32 $_size__tile_overlayer_lowered;
	s5 =	simm.s32 $_tile_overlayer_lowered  }
0x9b: {  	s6 =	simm.s32 $0x1BFF;
	s21 =	sshll.u32 s5, $0x1;
	s3 =	sadd.s32 s20, s19  }
0x9c: {  	s22 =	simm.s32 $0x0;
	s4 =	sshll.u32 s4, $0x1;
	s5 =	sadd.s32 s21, s3  }
0x9d: {  	[timem:s22], [sflag:s6] =	dma.local [hbm:s5], s4  }
0x9e: {  	_ =	swait.ge [sflag:s6], s4  }
0x9f: {  	s4 =	ssub.s32 $0x0, s4;
	[sflag:s6] =	ssyncset.done $0x0  }
0xa0: {  	[sflag:s6] =	ssyncadd.s32 s4;
	_ =	sdelay $0x1  }
0xa1: {  	s23 =	simm.s32 $0x1B8B  }
0xa2: {  	_ =	swait.ge [sflag:s23], $0x1  }
0xa3: {  	[sflag:s23] =	ssyncset.done $0x0  }
0xa4: {  	[sflag:s23] =	ssyncadd.s32 $0xFFFFFFFF  }
0xa5: {  	s4 =	sld [smem:$0x0]  }
0xa6: {  	s5 =	sand.u32 $0xFFFFFFFE, s1  }
0xa7: {  	p0 =	sne.s32 s1, s5  }
0xa8: {  	s5 =	sshll.u32 @p0 s5, $0xE  }
0xa9: {  	s5 =	sadd.s32 @p0 $0x11B8D, s5;
	s6 =	sshll.u32 @p0 s4, $0x11  }
0xaa: {  	s5 =	sor.u32 @p0 s6, s5  }
0xab: {  	[sflag:s5] =	ssyncadd.remote.s32 @p0 $0x1;
	_ =	sdelay $0x1  }
0xac: {  	s5 =	simm.s32 @p0 $0x1B8D  }
0xad: {  	_ =	swait.eq @p0 [sflag:s5], $0x1  }
0xae: {  	[sflag:s5] =	ssyncadd.s32 @p0 $0xFFFFFFFF  }
0xaf: {  	s6 =	sshll.u32 @!p0 s1, $0xE  }
0xb0: {  	s6 =	sor.u32 @!p0 $0x4000, s6;
	s5 =	simm.s32 @!p0 $0x1B8D  }
0xb1: {  	s4 =	sshll.u32 @!p0 s4, $0x11;
	s6 =	sadd.s32 @!p0 $0x11B8D, s6;
	_ =	swait.eq @!p0 [sflag:s5], $0x1  }
0xb2: {  	s4 =	sor.u32 @!p0 s4, s6;
	[sflag:s5] =	ssyncadd.s32 @!p0 $0xFFFFFFFF  }
0xb3: {  	s25 =	simm.s32 $0x1B8E;
	s24 =	sld [smem:$0x3FFE];
	[sflag:s4] =	ssyncadd.remote.s32 @!p0 $0x1  }
0xb4: {  	s26 =	simm.s32 $execute0_lowered;
	[smem:$0x3FD2] =	sst s25  }
0xb5: {  	s5 =	sshll.u32 s26, $0x1;
	_ =	strace $0x80000061;
	[dreg:$0x1] =	wrdreg $0xFFFFFFFF  }
0xb6: {  	s28 =	simm.s32 $_size_execute0_lowered;
	s3 =	sadd.s32 s3, s5;
	[dreg:$0x0] =	wrdreg $0x0  }
0xb7: {  	s5 =	sshll.u32 s28, $0x1;
	[dreg:$0x2] =	wrdreg s3  }
0xb8: {  	[dreg:$0x3] =	wrdreg s5  }
0xb9: {  	[dreg:$0x4] =	wrdreg $0xC0  }
0xba: {  	_ =	task [dreg:s22], $0x5FFFF  }
0xbb: {  	[dreg:$0x1] =	wrdreg $0xFFFFFFFF  }
0xbc: {  	[dreg:$0x0] =	wrdreg $0x60  }
0xbd: {  	[dreg:$0x2] =	wrdreg s24  }
0xbe: {  	[dreg:$0x3] =	wrdreg $0xA  }
0xbf: {  	_ =	task.clear_ibuf [dreg:s22], $0x4FFFF;
	_ =	strace $0x90000061  }
0xc0: {  	s29 =	simm.s32 $0xA;
	_ =	strace $0x80000063  }
0xc1: {  	_ =	swait.ge [sflag:s29], $0x1  }
0xc2: {  	[sflag:s29] =	ssyncadd.s32 $0xFFFFFFFF  }
0xc3: {  	_ =	strace $0x90000063  }
0xc4: {  	_ =	sfence  }
0xc5: {  	s30 =	sld [smem:$0x0];
	_ =	sdelay $0x2  }
0xc6: {  	s31 =	sshll.u32 s1, $0xD;
	s1 =	sshrl.u32 s1, $0x2  }
0xc7: {  	s4 =	sand.u32 $0x4000, s31;
	s1 =	sadd.s32 s1, s30  }
0xc8: {  	s0 =	sor.u32 s4, s0;
	s1 =	sshll.u32 s1, $0x11  }
0xc9: {  	s0 =	sor.u32 s1, s0  }
0xca: {  	s0 =	sadd.s32 $0x8F2B, s0  }
0xcb: {  	[sflag:s0] =	ssyncadd.remote.s32 $0x1  }
0xcc: {  	_ =	sfence.sel $0xFFFF  }
0xcd: {  	[dreg:$0x0] =	wrdreg $0xFFFFFFFF;
	(pc) =	sbr.abs _section_cstart, $3  }
0xce: {  	[dreg:$0x1] =	wrdreg $0xFFFFFFFF  }
0xcf: {  	_ =	task.clear_ibuf [dreg:s22], $0x2FFFF;
	_ =	strace $0x9FFFFFFF  }
0xd0: {  	(tm) =	ssettm $0x7FFFFFFF  }
0xd1: {  	_ =	shalt  }
tec
execute0_lowered:
.L_overlay_start_1:
0x0: {  	(tag) =	ssettag $0x1  }
0x1: {  	s8 =	rddreg [dreg:$0x0]  }
0x2: {  	s0 =	rddreg [dreg:$0x1];
	_ =	strace $0x80000062;
	s1 =	stileid.u32  }
0x3: {  	s3 =	srdreg.scid;
	s4 =	simm.s32 $0x1;
	s7 =	simm.s32 $0x1  }
0x4: {  	s9 =	simm.s32 $0x1;
	s10 =	simm.s32 $0x3;
	s13 =	simm.s32 $0x0  }
0x5: {  	s12 =	simm.s32 $0x0;
	s5 =	sand.u32 $0x1, s3;
	s6 =	sshll.u32 s1, $0x1  }
0x6: {  	s2 =	sadd.s32 $0x3D200, s8;
	s3 =	sadd.s32 $0x2800, s8;
	s5 =	sor.u32 s6, s5  }
.Ltmp0:
0x7: {  	[sflag:s4] =	ssyncpa.u1 $0x0;
	p0 =	slt.u32 s5, $0x13;
	(pc) =	sbr.rel .LBB2_1-.Ltmp0, $4  }
0x8: {  	s6 =	simm.s32 $0x2;
	s7 =	simm.s32 @!p0 $0x0;
	p0 =	sne.s32 s5, $0x12  }
0x9: {  	[sflag:s6] =	ssyncpa.u1 $0x0;
	s5 =	smul.u32 $0x1E0, s5;
	s9 =	simm.s32 @!p0 $0x0  }
0xa: {  	s8 =	sadd.s32 $0x1C00, s8;
	[sflag:s10] =	ssyncpa.u1 $0x0;
	s7 =	sadd.s32 s9, s7  }
0xb: {  	vm0 =	vmmov $0xffff;
	s10 =	simm.s32 $0x0;
	s11 =	smov.u32 s5;
	s9 =	sadd.s32 $0x1, s7  }
.LBB2_4:
0xc: {  	v2 =	vnsel vm1, $0x0, v2  }
0xd: {  	vm1 =	vgt.s32 v0, $0x0;
	v2 =	vmin.u32 v2, $0x62E07F  }
0xe: {  	v0 =	vnsel vm1, $0x0, v0  }
0xf: {  	v0 =	vmin.u32 v0, $0x62E07F  }
0x10: {  	[tilespmem:s18], [sflag:$0x1] =	stream.indirect_vreg.gather [hbm4b:s2+s10], $0x1, v1, vm0, $0x4038;
	[tilespmem:$0x780] =	vst v63  }
0x11: {  	(ifvalue) =	ssetifvalue $0x7FFFFFFF  }
0x12: {  	[tilespmem:s15], [sflag:$0x1] =	stream.indirect_vreg.gather [hbm4b:s2+s10], $0x1, v2, vm0, $0x4038;
	[tilespmem:$0x780] =	vst v63  }
0x13: {  	s29 =	sadd.s32 $0x10, s15;
	(ifvalue) =	ssetifvalue $0x7FFFFFFF  }
0x14: {  	[tilespmem:s29], [sflag:$0x1] =	stream.indirect_vreg.gather [hbm4b:s2+s10], $0x1, v0, vm0, $0x4038;
	[tilespmem:$0x780] =	vst v63  }
0x15: {  	_ =	swait.ge [sflag:s4], $0x1E0  }
0x16: {  	s30 =	sshrl.u32 s13, $0x3;
	[sflag:s4] =	ssyncset.done $0x0  }
0x17: {  	s31 =	sand.u32 $0x7, s13;
	s15 =	sadd.s32 s8, s30;
	[sflag:s4] =	ssyncadd.s32 $0xFFFFFE20  }
0x18: {  	[hbm4b:s15+s31] =	stream.linear.scatter [tilespmem:s14], [sflag:$0x3], $0x1E0, $0x38;
	[tilespmem:$0x780] =	vst v63  }
.LBB2_5:
0x19: {  	s15 =	sadd.s32 $0x3C00, s11  }
0x1a: {  	p1 =	sgt.s32 s15, $0x5DBF  }
0x1b: {  	s15 =	smov.u32 @p1 s5;
	p1 =	sne.s32 s12, s9  }
.Ltmp1:
0x1c: {  	p0 =	slt.u32 s12, $0x2;
	(pc) =	sbr.rel @!p1 .LBB2_6-.Ltmp1, $4  }
0x1d: {  	s14 =	simm.s32 @!p0 $0x3  }
0x1e: {  	_ =	swait.ge @!p0 [sflag:s14], $0x1E0  }
0x1f: {  	s16 =	sadd.s32 $0x1, s12;
	s13 =	smov.u32 s11;
	[sflag:s14] =	ssyncset.done @!p0 $0x0  }
0x20: {  	s12 =	smov.u32 s16;
	s11 =	smov.u32 s15;
	[sflag:s14] =	ssyncadd.s32 @!p0 $0xFFFFFE20  }
.LBB2_1:
0x21: {  	p0 =	sge.u32 s12, s7  }
0x22: {  	s14 =	sxor.u32 @!p0 $0x1, s12  }
0x23: {  	s14 =	smul.u32 @!p0 $0x780, s14  }
0x24: {  	s31 =	sadd.s32 $0xFFFFFFFF, s12;
	s15 =	sshrl.u32 @!p0 s11, $0x3  }
0x25: {  	s16 =	sand.u32 @!p0 $0x7, s11;
	s15 =	sadd.s32 @!p0 s3, s15;
	s14 =	sshra.s32 @!p0 s14, $0x2  }
0x26: {  	[tilespmem:s14], [sflag:$0x2] =	stream.linear.gather @!p0 [hbm4b:s15+s16], $0x1E0, $0x38;
	[tilespmem:$0x780] =	vst v63  }
0x27: {  	p0 =	sge.u32 s31, s7  }
.Ltmp2:
0x28: {  	_ = 	snop;
	(pc) =	sbr.rel @p0 .LBB2_5-.Ltmp2, $1  }
0x29: {  	_ =	sdelay $0x3  }
0x2a: {  	s14 =	sand.u32 $0x1, s12  }
0x2b: {  	_ =	swait.ge [sflag:s6], $0x1E0;
	p0 =	seq.s32 s14, $0x1;
	s14 =	simm.s32 $0x1E0  }
0x2c: {  	[sflag:s6] =	ssyncset.done $0x0;
	s14 =	simm.s32 @!p0 $0x0  }
0x2d: {  	[sflag:s6] =	ssyncadd.s32 $0xFFFFFE20;
	(ifvalue) =	ssetifvalue $0x7FFFFFFF;
	v0 =	vld.msk [tilespmem:s14+$0x0 ss:$0x1], $0xffff;
	_ =	sdelay $0x4  }
0x2e: {  	s15 =	sadd.s32 $0x10, s14;
	vm1 =	vgt.s32 v0, $0x0  }
0x2f: {  	v2 =	vld.msk [tilespmem:s15+$0x0 ss:$0x1], $0xffff;
	v1 =	vnsel vm1, $0x0, v0  }
0x30: {  	v1 =	vmin.u32 v1, $0x62E07F;
	_ =	sdelay $0x2  }
0x31: {  	s17 =	simm.s32 $0x20;
	s14 =	sadd.s32 $0x3C0, s14;
	s16 =	sadd.s32 $0x10, s15  }
0x32: {  	s15 =	sadd.s32 $0x10, s14;
	s18 =	smov.u32 s14;
	v0 =	vld.msk [tilespmem:s16+$0x0 ss:$0x1], $0xffff;
	vm1 =	vgt.s32 v2, $0x0;
	(ifvalue) =	ssetifvalue $0x7FFFFFFF  }
.LBB2_3:
0x33: {  	[tilespmem:s18], [sflag:$0x1] =	stream.indirect_vreg.gather [hbm4b:s2+s10], $0x1, v1, vm0, $0x4038;
	[tilespmem:$0x780] =	vst v63  }
0x34: {  	s17 =	sadd.s32 $0x10, s17  }
0x35: {  	v2 =	vnsel vm1, $0x0, v2;
	p0 =	slt.u32 s17, $0x1D0  }
.Ltmp3:
0x36: {  	s18 =	smov.u32 s15;
	v1 =	vmin.u32 v2, $0x62E07F;
	(pc) =	sbr.rel @p0 .LBB2_3-.Ltmp3, $3  }
0x37: {  	_ =	sdelay $0x1  }
0x38: {  	s16 =	sadd.s32 $0x10, s16  }
0x39: {  	vm1 =	vgt.s32 v0, $0x0;
	s15 =	sadd.s32 $0x10, s15;
	v2 =	vmov v0;
	(ifvalue) =	ssetifvalue $0x7FFFFFFF;
	v0 =	vld.msk [tilespmem:s16+$0x0 ss:$0x1], $0xffff  }
.Ltmp4:
0x3a: {  	_ = 	snop;
	(pc) =	sbr.rel .LBB2_4-.Ltmp4, $1  }
0x3b: {  	_ =	sdelay $0x3  }
.LBB2_6:
0x3c: {  	_ =	sfence.sel $0x180000  }
0x3d: {  	s2 =	simm.s32 $0x2;
	[bflag:$0x0] =	sbarrier.arrive $0xFFFF  }
0x3e: {  	s30 =	simm.s32 $0x3;
	[sflag:s2] =	ssyncpa.u1 $0x1  }
0x3f: {  	s31 =	simm.s32 $0x1;
	[sflag:s30] =	ssyncpa.u1 $0x1  }
0x40: {  	[sflag:s31] =	ssyncpa.u1 $0x1  }
0x41: {  	p0 =	sne.s32 s1, $0x0;
	_ =	strace $0x90000062  }
0x42: {  	s0 =	sadd.s32 @!p0 $0x100000, s0;
	[bflag:$0x2] =	sbarrier.arrive $0xFFFF  }
0x43: {  	[sflag:s0] =	ssyncadd.tile.s32 @!p0 $0x1;
	_ =	shalt  }
.Lfunc_end2:
_tile_overlayer_lowered:
.L_overlay_start_2:
0x44: {  	(tag) =	ssettag $0x2  }
0x45: {  	s0 =	rddreg [dreg:$0x0];
	s2 =	stileid.u32  }
0x46: {  	s1 =	rddreg [dreg:$0x1];
	p0 =	sne.s32 s2, $0x0  }
0x47: {  	s3 =	rddreg [dreg:$0x2];
	[bflag:$0x3] =	sbarrier.arrive $0xFFFF;
	s2 =	simm.s32 @!p0 $0x1C01  }
0x48: {  	[timem:s3], [sflag:s2] =	dma.local @!p0 [hbm:s0], s1  }
0x49: {  	s0 =	simm.s32 @!p0 $0x1  }
0x4a: {  	_ =	swait.ge @!p0 [sflag:s0], s1  }
0x4b: {  	s1 =	ssub.s32 @!p0 $0x0, s1;
	[sflag:s0] =	ssyncset.done @!p0 $0x0  }
0x4c: {  	[sflag:s0] =	ssyncadd.s32 @!p0 s1  }
0x4d: {  	[bflag:$0x3] =	sbarrier.arrive $0xFFFF  }
0x4e: {  	_ =	shalt  }

// kernel: gather_offload_async_start.5
scs
__scs_entry_jumppad:
0x0: {  	(pc) =	sbr.rel $0x88, $3  }
0x1: {  	(tag) =	ssettag $0x0;
	lr =	simm.s32 $0x1  }
0x2: {  	[smem:$0x3F9E] =	sst lr;
	_ =	strace $0xD0000000  }
0x3: {  	_ = 	snop  }
0x4: {  	_ = 	snop  }
0x5: {  	_ = 	snop  }
0x6: {  	_ = 	snop  }
0x7: {  	_ = 	snop  }
__scs_overlays_trampoline_lowered:
0x8: {  	[smem:$0x3FAD] =	sst s0  }
0x9: {  	[smem:$0x3FAE] =	sst s1  }
0xa: {  	[smem:$0x3FAF] =	sst s2  }
0xb: {  	[smem:$0x3FB0] =	sst s3  }
0xc: {  	[smem:$0x3FB1] =	sst s4  }
0xd: {  	[smem:$0x3FB2] =	sst s5  }
0xe: {  	[smem:$0x3FB3] =	sst s6  }
0xf: {  	[smem:$0x3FB4] =	sst s7  }
0x10: {  	[smem:$0x3FB5] =	sst s8  }
0x11: {  	[smem:$0x3FB6] =	sst s9;
	s0 =	simm.s32 @!p0 $0x0  }
0x12: {  	s1 =	sld [smem:$0x3F9C];
	s0 =	simm.s32 @p0 $0x1  }
0x13: {  	[smem:$0x3FB7] =	sst s0;
	s0 =	simm.s32 @!p1 $0x0  }
0x14: {  	s2 =	sld [smem:$0x3F9B];
	s0 =	simm.s32 @p1 $0x1  }
0x15: {  	[smem:$0x3FB8] =	sst s0;
	s0 =	simm.s32 @!p2 $0x0  }
0x16: {  	s3 =	sld [smem:$0x3FDB];
	s0 =	simm.s32 @p2 $0x1  }
0x17: {  	s4 =	simm.s32 $0x1BF5;
	[smem:$0x3FBA] =	sst s0  }
0x18: {  	s0 =	sld [smem:$0x3F9D];
	_ =	swait.ge [sflag:s4], $0x0  }
0x19: {  	s7 =	sld [smem:$0x3F9E]  }
0x1a: {  	s8 =	sadd.s32 $0xFFFFE003, lr  }
0x1b: {  	s9 =	sadd.s32 $0xFFFFFEF7, lr;
	s5 =	simm.s32 $0xFFFFFFFF;
	p2 =	slt.u32 s8, $0xFFFFF086  }
0x1c: {  	p1 =	slt.u32 s9, $0xF7A;
	s5 =	simm.s32 @!p2 $0x0  }
0x1d: {  	s5 =	simm.s32 @p1 $0x1;
	p0 =	seq.s32 s7, s2  }
0x1e: {  	s7 =	smul.u32 @!p0 $0xF7A, s2;
	p2 =	seq.s32 @!p0 s5, $0x0  }
0x1f: {  	s9 =	smul.u32 $0xF7A, s1;
	s8 =	simm.s32 @!p0 $0x1BF5;
	p2 =	por !p2, p0  }
0x20: {  	[sflag:s8] =	ssyncset.s32 @!p0 $0xFFFFF086;
	s6 =	sadd.s32 @!p0 s3, s7;
	s7 =	simm.s32 @!p0 $0x108  }
0x21: {  	s3 =	sadd.s32 s3, s9;
	s6 =	sadd.s32 @!p0 $0x88, s6;
	s7 =	simm.s32 @p2 $0x1082  }
0x22: {  	[simem:s7], [sflag:s8] =	dma.local @!p0 [hbm:s6], $0xF7A  }
0x23: {  	s9 =	sor.u32 $0xD0000000, s2;
	s6 =	simm.s32 $0x108;
	_ =	swait.ge @!p0 [sflag:s8], $0x0  }
0x24: {  	s3 =	sadd.s32 $0x88, s3;
	s6 =	simm.s32 @!p1 $0x1082;
	[sflag:s4] =	ssyncset.s32 $0xFFFFF086  }
0x25: {  	[simem:s6], [sflag:s4] =	dma.local [hbm:s3], $0xF7A  }
0x26: {  	[smem:$0x3F9E] =	sst s1;
	(tag) =	ssettag s2;
	_ =	strace s9  }
0x27: {  	s1 =	sld [smem:$0x3FAE]  }
0x28: {  	s2 =	sld [smem:$0x3FAF]  }
0x29: {  	s4 =	sld [smem:$0x3FB1]  }
0x2a: {  	p0 =	seq.s32 s5, $0x0;
	s5 =	sld [smem:$0x3FB2]  }
0x2b: {  	s6 =	sld [smem:$0x3FB3]  }
0x2c: {  	s7 =	sld [smem:$0x3FB4]  }
0x2d: {  	s3 =	simm.s32 $0x108;
	s8 =	sld [smem:$0x3FB5]  }
0x2e: {  	s3 =	simm.s32 @!p0 $0x1082;
	s9 =	sld [smem:$0x3FB6]  }
0x2f: {  	lr =	sadd.s32 s0, s3;
	s0 =	sld [smem:$0x3FAD]  }
0x30: {  	s3 =	sld [smem:$0x3FB0]  }
0x31: {  	[smem:$0x3FB9] =	sst s10  }
0x32: {  	s10 =	sld [smem:$0x3FB7];
	_ =	sdelay $0x3  }
0x33: {  	p0 =	seq.s32 s10, $0x1;
	s10 =	sld [smem:$0x3FB9];
	_ =	sdelay $0x3  }
0x34: {  	[smem:$0x3FB9] =	sst s10  }
0x35: {  	s10 =	sld [smem:$0x3FB8];
	_ =	sdelay $0x3  }
0x36: {  	p1 =	seq.s32 s10, $0x1;
	s10 =	sld [smem:$0x3FB9];
	_ =	sdelay $0x3  }
0x37: {  	[smem:$0x3FB9] =	sst s10  }
0x38: {  	s10 =	sld [smem:$0x3FBA]  }
0x39: {  	_ = 	snop;
	(pc) =	sbr.ind lr, $3  }
0x3a: {  	_ = 	snop  }
0x3b: {  	_ = 	snop  }
0x3c: {  	p2 =	seq.s32 s10, $0x1;
	s10 =	sld [smem:$0x3FB9]  }
0x3d: {  	_ =	shalt  }
0x3e: {  	_ =	shalt  }
0x3f: {  	_ =	shalt  }
0x40: {  	_ =	shalt  }
0x41: {  	_ =	shalt  }
0x42: {  	_ =	shalt  }
0x43: {  	_ =	shalt  }
0x44: {  	_ =	shalt  }
0x45: {  	_ =	shalt  }
0x46: {  	_ =	shalt  }
0x47: {  	_ =	shalt  }
0x48: {  	_ =	shalt  }
0x49: {  	_ =	shalt  }
0x4a: {  	_ =	shalt  }
0x4b: {  	_ =	shalt  }
0x4c: {  	_ =	shalt  }
0x4d: {  	_ =	shalt  }
0x4e: {  	_ =	shalt  }
0x4f: {  	_ =	shalt  }
0x50: {  	_ =	shalt  }
0x51: {  	_ =	shalt  }
0x52: {  	_ =	shalt  }
0x53: {  	_ =	shalt  }
0x54: {  	_ =	shalt  }
0x55: {  	_ =	shalt  }
0x56: {  	_ =	shalt  }
0x57: {  	_ =	shalt  }
0x58: {  	_ =	shalt  }
0x59: {  	_ =	shalt  }
0x5a: {  	_ =	shalt  }
0x5b: {  	_ =	shalt  }
0x5c: {  	_ =	shalt  }
0x5d: {  	_ =	shalt  }
0x5e: {  	_ =	shalt  }
0x5f: {  	_ =	shalt  }
0x60: {  	_ =	shalt  }
0x61: {  	_ =	shalt  }
0x62: {  	_ =	shalt  }
0x63: {  	_ =	shalt  }
0x64: {  	_ =	shalt  }
0x65: {  	_ =	shalt  }
0x66: {  	_ =	shalt  }
0x67: {  	_ =	shalt  }
0x68: {  	_ =	shalt  }
0x69: {  	_ =	shalt  }
0x6a: {  	_ =	shalt  }
0x6b: {  	_ =	shalt  }
0x6c: {  	_ =	shalt  }
0x6d: {  	_ =	shalt  }
0x6e: {  	_ =	shalt  }
0x6f: {  	_ =	shalt  }
0x70: {  	_ =	shalt  }
0x71: {  	_ =	shalt  }
0x72: {  	_ =	shalt  }
0x73: {  	_ =	shalt  }
0x74: {  	_ =	shalt  }
0x75: {  	_ =	shalt  }
0x76: {  	_ =	shalt  }
0x77: {  	_ =	shalt  }
0x78: {  	_ =	shalt  }
0x79: {  	_ =	shalt  }
0x7a: {  	_ =	shalt  }
0x7b: {  	_ =	shalt  }
0x7c: {  	_ =	shalt  }
0x7d: {  	_ =	shalt  }
0x7e: {  	_ =	shalt  }
0x7f: {  	_ =	shalt  }
0x80: {  	_ =	shalt  }
0x81: {  	_ =	shalt  }
0x82: {  	_ =	shalt  }
0x83: {  	_ =	shalt  }
0x84: {  	_ =	shalt  }
0x85: {  	_ =	shalt  }
0x86: {  	_ =	shalt  }
0x87: {  	_ =	shalt  }
.Lfunc_end0:
.L_simem_size_0:
called_computation.5_lowered:
.L_overlay_start_0:
0x88: {  	s2 =	sld [smem:$0x3FD9]  }
0x89: {  	s3 =	sld [smem:$0x3FFE];
	_ =	sdelay $0x1  }
0x8a: {  	s1 =	srdreg.scid  }
0x8b: {  	s0 =	sand.u32 $0x1, s1  }
0x8c: {  	s17 =	sshll.u32 s0, $0xA;
	s2 =	sadd.s32 s3, s2  }
0x8d: {  	s2 =	sadd.s32 s2, s17  }
0x8e: {  	[smem:$0x3FC5] =	sst s2  }
0x8f: {  	_ = 	snop  }
0x90: {  	(tm) =	ssettm $0x1  }
0x91: {  	s18 =	sld [smem:$0x3FFB];
	_ =	sdelay $0x3  }
0x92: {  	_ =	strace s18  }
0x93: {  	s2 =	sld [smem:$0x3FFC];
	_ =	sdelay $0x3  }
0x94: {  	_ =	strace s2  }
0x95: {  	s2 =	sld [smem:$0x3FFD];
	_ =	sdelay $0x3  }
0x96: {  	_ =	strace s2  }
0x97: {  	_ =	strace $0x8FFFFFFF  }
0x98: {  	s19 =	sld [smem:$0x3FDB];
	_ =	sdelay $0x1  }
0x99: {  	s20 =	simm.s32 $_scs_section_size  }
0x9a: {  	s4 =	simm.s32 $_size__tile_overlayer_lowered;
	s5 =	simm.s32 $_tile_overlayer_lowered  }
0x9b: {  	s6 =	simm.s32 $0x1BFF;
	s21 =	sshll.u32 s5, $0x1;
	s3 =	sadd.s32 s20, s19  }
0x9c: {  	s22 =	simm.s32 $0x0;
	s4 =	sshll.u32 s4, $0x1;
	s5 =	sadd.s32 s21, s3  }
0x9d: {  	[timem:s22], [sflag:s6] =	dma.local [hbm:s5], s4  }
0x9e: {  	_ =	swait.ge [sflag:s6], s4  }
0x9f: {  	s4 =	ssub.s32 $0x0, s4;
	[sflag:s6] =	ssyncset.done $0x0  }
0xa0: {  	[sflag:s6] =	ssyncadd.s32 s4;
	_ =	sdelay $0x1  }
0xa1: {  	s23 =	simm.s32 $0x1B8B  }
0xa2: {  	_ =	swait.ge [sflag:s23], $0x1  }
0xa3: {  	[sflag:s23] =	ssyncset.done $0x0  }
0xa4: {  	[sflag:s23] =	ssyncadd.s32 $0xFFFFFFFF  }
0xa5: {  	s4 =	sld [smem:$0x0]  }
0xa6: {  	s5 =	sand.u32 $0xFFFFFFFE, s1  }
0xa7: {  	p0 =	sne.s32 s1, s5  }
0xa8: {  	s5 =	sshll.u32 @p0 s5, $0xE  }
0xa9: {  	s5 =	sadd.s32 @p0 $0x11B8D, s5;
	s6 =	sshll.u32 @p0 s4, $0x11  }
0xaa: {  	s5 =	sor.u32 @p0 s6, s5  }
0xab: {  	[sflag:s5] =	ssyncadd.remote.s32 @p0 $0x1;
	_ =	sdelay $0x1  }
0xac: {  	s5 =	simm.s32 @p0 $0x1B8D  }
0xad: {  	_ =	swait.eq @p0 [sflag:s5], $0x1  }
0xae: {  	[sflag:s5] =	ssyncadd.s32 @p0 $0xFFFFFFFF  }
0xaf: {  	s6 =	sshll.u32 @!p0 s1, $0xE  }
0xb0: {  	s6 =	sor.u32 @!p0 $0x4000, s6;
	s5 =	simm.s32 @!p0 $0x1B8D  }
0xb1: {  	s4 =	sshll.u32 @!p0 s4, $0x11;
	s6 =	sadd.s32 @!p0 $0x11B8D, s6;
	_ =	swait.eq @!p0 [sflag:s5], $0x1  }
0xb2: {  	s4 =	sor.u32 @!p0 s4, s6;
	[sflag:s5] =	ssyncadd.s32 @!p0 $0xFFFFFFFF  }
0xb3: {  	s25 =	simm.s32 $0x1B8E;
	s24 =	sld [smem:$0x3FFE];
	[sflag:s4] =	ssyncadd.remote.s32 @!p0 $0x1  }
0xb4: {  	s26 =	simm.s32 $execute0_lowered;
	[smem:$0x3FD2] =	sst s25  }
0xb5: {  	s5 =	sshll.u32 s26, $0x1;
	_ =	strace $0x8000005E;
	[dreg:$0x1] =	wrdreg $0xFFFFFFFF  }
0xb6: {  	s28 =	simm.s32 $_size_execute0_lowered;
	s3 =	sadd.s32 s3, s5;
	[dreg:$0x0] =	wrdreg $0x0  }
0xb7: {  	s5 =	sshll.u32 s28, $0x1;
	[dreg:$0x2] =	wrdreg s3  }
0xb8: {  	[dreg:$0x3] =	wrdreg s5  }
0xb9: {  	[dreg:$0x4] =	wrdreg $0xC0  }
0xba: {  	_ =	task [dreg:s22], $0x5FFFF  }
0xbb: {  	[dreg:$0x1] =	wrdreg $0xFFFFFFFF  }
0xbc: {  	[dreg:$0x0] =	wrdreg $0x60  }
0xbd: {  	[dreg:$0x2] =	wrdreg s24  }
0xbe: {  	[dreg:$0x3] =	wrdreg $0x9  }
0xbf: {  	_ =	task.clear_ibuf [dreg:s22], $0x4FFFF;
	_ =	strace $0x9000005E  }
0xc0: {  	s29 =	simm.s32 $0x9;
	_ =	strace $0x80000060  }
0xc1: {  	_ =	swait.ge [sflag:s29], $0x1  }
0xc2: {  	[sflag:s29] =	ssyncadd.s32 $0xFFFFFFFF  }
0xc3: {  	_ =	strace $0x90000060  }
0xc4: {  	_ =	sfence  }
0xc5: {  	s30 =	sld [smem:$0x0];
	_ =	sdelay $0x2  }
0xc6: {  	s31 =	sshll.u32 s1, $0xD;
	s1 =	sshrl.u32 s1, $0x2  }
0xc7: {  	s4 =	sand.u32 $0x4000, s31;
	s1 =	sadd.s32 s1, s30  }
0xc8: {  	s0 =	sor.u32 s4, s0;
	s1 =	sshll.u32 s1, $0x11  }
0xc9: {  	s0 =	sor.u32 s1, s0  }
0xca: {  	s0 =	sadd.s32 $0x8F2B, s0  }
0xcb: {  	[sflag:s0] =	ssyncadd.remote.s32 $0x1  }
0xcc: {  	_ =	sfence.sel $0xFFFF  }
0xcd: {  	[dreg:$0x0] =	wrdreg $0xFFFFFFFF;
	(pc) =	sbr.abs _section_cstart, $3  }
0xce: {  	[dreg:$0x1] =	wrdreg $0xFFFFFFFF  }
0xcf: {  	_ =	task.clear_ibuf [dreg:s22], $0x2FFFF;
	_ =	strace $0x9FFFFFFF  }
0xd0: {  	(tm) =	ssettm $0x7FFFFFFF  }
0xd1: {  	_ =	shalt  }
tec
execute0_lowered:
.L_overlay_start_1:
0x0: {  	(tag) =	ssettag $0x1  }
0x1: {  	s8 =	rddreg [dreg:$0x0]  }
0x2: {  	s0 =	rddreg [dreg:$0x1];
	_ =	strace $0x8000005F;
	s1 =	stileid.u32  }
0x3: {  	s3 =	srdreg.scid;
	s4 =	simm.s32 $0x1;
	s7 =	simm.s32 $0x1  }
0x4: {  	s9 =	simm.s32 $0x1;
	s10 =	simm.s32 $0x3;
	s13 =	simm.s32 $0x0  }
0x5: {  	s12 =	simm.s32 $0x0;
	s5 =	sand.u32 $0x1, s3;
	s6 =	sshll.u32 s1, $0x1  }
0x6: {  	s2 =	sadd.s32 $0x3D200, s8;
	s3 =	sadd.s32 $0x3400, s8;
	s5 =	sor.u32 s6, s5  }
.Ltmp0:
0x7: {  	[sflag:s4] =	ssyncpa.u1 $0x0;
	p0 =	slt.u32 s5, $0x13;
	(pc) =	sbr.rel .LBB2_1-.Ltmp0, $4  }
0x8: {  	s6 =	simm.s32 $0x2;
	s7 =	simm.s32 @!p0 $0x0;
	p0 =	sne.s32 s5, $0x12  }
0x9: {  	[sflag:s6] =	ssyncpa.u1 $0x0;
	s5 =	smul.u32 $0x1E0, s5;
	s9 =	simm.s32 @!p0 $0x0  }
0xa: {  	s8 =	sadd.s32 $0x1000, s8;
	[sflag:s10] =	ssyncpa.u1 $0x0;
	s7 =	sadd.s32 s9, s7  }
0xb: {  	vm0 =	vmmov $0xffff;
	s10 =	simm.s32 $0x0;
	s11 =	smov.u32 s5;
	s9 =	sadd.s32 $0x1, s7  }
.LBB2_4:
0xc: {  	v2 =	vnsel vm1, $0x0, v2  }
0xd: {  	vm1 =	vgt.s32 v0, $0x0;
	v2 =	vmin.u32 v2, $0x62E07F  }
0xe: {  	v0 =	vnsel vm1, $0x0, v0  }
0xf: {  	v0 =	vmin.u32 v0, $0x62E07F  }
0x10: {  	[tilespmem:s18], [sflag:$0x1] =	stream.indirect_vreg.gather [hbm4b:s2+s10], $0x1, v1, vm0, $0x4038;
	[tilespmem:$0x780] =	vst v63  }
0x11: {  	(ifvalue) =	ssetifvalue $0x7FFFFFFF  }
0x12: {  	[tilespmem:s15], [sflag:$0x1] =	stream.indirect_vreg.gather [hbm4b:s2+s10], $0x1, v2, vm0, $0x4038;
	[tilespmem:$0x780] =	vst v63  }
0x13: {  	s29 =	sadd.s32 $0x10, s15;
	(ifvalue) =	ssetifvalue $0x7FFFFFFF  }
0x14: {  	[tilespmem:s29], [sflag:$0x1] =	stream.indirect_vreg.gather [hbm4b:s2+s10], $0x1, v0, vm0, $0x4038;
	[tilespmem:$0x780] =	vst v63  }
0x15: {  	_ =	swait.ge [sflag:s4], $0x1E0  }
0x16: {  	s30 =	sshrl.u32 s13, $0x3;
	[sflag:s4] =	ssyncset.done $0x0  }
0x17: {  	s31 =	sand.u32 $0x7, s13;
	s15 =	sadd.s32 s8, s30;
	[sflag:s4] =	ssyncadd.s32 $0xFFFFFE20  }
0x18: {  	[hbm4b:s15+s31] =	stream.linear.scatter [tilespmem:s14], [sflag:$0x3], $0x1E0, $0x38;
	[tilespmem:$0x780] =	vst v63  }
.LBB2_5:
0x19: {  	s15 =	sadd.s32 $0x3C00, s11  }
0x1a: {  	p1 =	sgt.s32 s15, $0x5DBF  }
0x1b: {  	s15 =	smov.u32 @p1 s5;
	p1 =	sne.s32 s12, s9  }
.Ltmp1:
0x1c: {  	p0 =	slt.u32 s12, $0x2;
	(pc) =	sbr.rel @!p1 .LBB2_6-.Ltmp1, $4  }
0x1d: {  	s14 =	simm.s32 @!p0 $0x3  }
0x1e: {  	_ =	swait.ge @!p0 [sflag:s14], $0x1E0  }
0x1f: {  	s16 =	sadd.s32 $0x1, s12;
	s13 =	smov.u32 s11;
	[sflag:s14] =	ssyncset.done @!p0 $0x0  }
0x20: {  	s12 =	smov.u32 s16;
	s11 =	smov.u32 s15;
	[sflag:s14] =	ssyncadd.s32 @!p0 $0xFFFFFE20  }
.LBB2_1:
0x21: {  	p0 =	sge.u32 s12, s7  }
0x22: {  	s14 =	sxor.u32 @!p0 $0x1, s12  }
0x23: {  	s14 =	smul.u32 @!p0 $0x780, s14  }
0x24: {  	s31 =	sadd.s32 $0xFFFFFFFF, s12;
	s15 =	sshrl.u32 @!p0 s11, $0x3  }
0x25: {  	s16 =	sand.u32 @!p0 $0x7, s11;
	s15 =	sadd.s32 @!p0 s3, s15;
	s14 =	sshra.s32 @!p0 s14, $0x2  }
0x26: {  	[tilespmem:s14], [sflag:$0x2] =	stream.linear.gather @!p0 [hbm4b:s15+s16], $0x1E0, $0x38;
	[tilespmem:$0x780] =	vst v63  }
0x27: {  	p0 =	sge.u32 s31, s7  }
.Ltmp2:
0x28: {  	_ = 	snop;
	(pc) =	sbr.rel @p0 .LBB2_5-.Ltmp2, $1  }
0x29: {  	_ =	sdelay $0x3  }
0x2a: {  	s14 =	sand.u32 $0x1, s12  }
0x2b: {  	_ =	swait.ge [sflag:s6], $0x1E0;
	p0 =	seq.s32 s14, $0x1;
	s14 =	simm.s32 $0x1E0  }
0x2c: {  	[sflag:s6] =	ssyncset.done $0x0;
	s14 =	simm.s32 @!p0 $0x0  }
0x2d: {  	[sflag:s6] =	ssyncadd.s32 $0xFFFFFE20;
	(ifvalue) =	ssetifvalue $0x7FFFFFFF;
	v0 =	vld.msk [tilespmem:s14+$0x0 ss:$0x1], $0xffff;
	_ =	sdelay $0x4  }
0x2e: {  	s15 =	sadd.s32 $0x10, s14;
	vm1 =	vgt.s32 v0, $0x0  }
0x2f: {  	v2 =	vld.msk [tilespmem:s15+$0x0 ss:$0x1], $0xffff;
	v1 =	vnsel vm1, $0x0, v0  }
0x30: {  	v1 =	vmin.u32 v1, $0x62E07F;
	_ =	sdelay $0x2  }
0x31: {  	s17 =	simm.s32 $0x20;
	s14 =	sadd.s32 $0x3C0, s14;
	s16 =	sadd.s32 $0x10, s15  }
0x32: {  	s15 =	sadd.s32 $0x10, s14;
	s18 =	smov.u32 s14;
	v0 =	vld.msk [tilespmem:s16+$0x0 ss:$0x1], $0xffff;
	vm1 =	vgt.s32 v2, $0x0;
	(ifvalue) =	ssetifvalue $0x7FFFFFFF  }
.LBB2_3:
0x33: {  	[tilespmem:s18], [sflag:$0x1] =	stream.indirect_vreg.gather [hbm4b:s2+s10], $0x1, v1, vm0, $0x4038;
	[tilespmem:$0x780] =	vst v63  }
0x34: {  	s17 =	sadd.s32 $0x10, s17  }
0x35: {  	v2 =	vnsel vm1, $0x0, v2;
	p0 =	slt.u32 s17, $0x1D0  }
.Ltmp3:
0x36: {  	s18 =	smov.u32 s15;
	v1 =	vmin.u32 v2, $0x62E07F;
	(pc) =	sbr.rel @p0 .LBB2_3-.Ltmp3, $3  }
0x37: {  	_ =	sdelay $0x1  }
0x38: {  	s16 =	sadd.s32 $0x10, s16  }
0x39: {  	vm1 =	vgt.s32 v0, $0x0;
	s15 =	sadd.s32 $0x10, s15;
	v2 =	vmov v0;
	(ifvalue) =	ssetifvalue $0x7FFFFFFF;
	v0 =	vld.msk [tilespmem:s16+$0x0 ss:$0x1], $0xffff  }
.Ltmp4:
0x3a: {  	_ = 	snop;
	(pc) =	sbr.rel .LBB2_4-.Ltmp4, $1  }
0x3b: {  	_ =	sdelay $0x3  }
.LBB2_6:
0x3c: {  	_ =	sfence.sel $0x180000  }
0x3d: {  	s2 =	simm.s32 $0x2;
	[bflag:$0x0] =	sbarrier.arrive $0xFFFF  }
0x3e: {  	s30 =	simm.s32 $0x3;
	[sflag:s2] =	ssyncpa.u1 $0x1  }
0x3f: {  	s31 =	simm.s32 $0x1;
	[sflag:s30] =	ssyncpa.u1 $0x1  }
0x40: {  	[sflag:s31] =	ssyncpa.u1 $0x1  }
0x41: {  	p0 =	sne.s32 s1, $0x0;
	_ =	strace $0x9000005F  }
0x42: {  	s0 =	sadd.s32 @!p0 $0x100000, s0;
	[bflag:$0x2] =	sbarrier.arrive $0xFFFF  }
0x43: {  	[sflag:s0] =	ssyncadd.tile.s32 @!p0 $0x1;
	_ =	shalt  }
.Lfunc_end2:
_tile_overlayer_lowered:
.L_overlay_start_2:
0x44: {  	(tag) =	ssettag $0x2  }
0x45: {  	s0 =	rddreg [dreg:$0x0];
	s2 =	stileid.u32  }
0x46: {  	s1 =	rddreg [dreg:$0x1];
	p0 =	sne.s32 s2, $0x0  }
0x47: {  	s3 =	rddreg [dreg:$0x2];
	[bflag:$0x3] =	sbarrier.arrive $0xFFFF;
	s2 =	simm.s32 @!p0 $0x1C01  }
0x48: {  	[timem:s3], [sflag:s2] =	dma.local @!p0 [hbm:s0], s1  }
0x49: {  	s0 =	simm.s32 @!p0 $0x1  }
0x4a: {  	_ =	swait.ge @!p0 [sflag:s0], s1  }
0x4b: {  	s1 =	ssub.s32 @!p0 $0x0, s1;
	[sflag:s0] =	ssyncset.done @!p0 $0x0  }
0x4c: {  	[sflag:s0] =	ssyncadd.s32 @!p0 s1  }
0x4d: {  	[bflag:$0x3] =	sbarrier.arrive $0xFFFF  }
0x4e: {  	_ =	shalt  }

// kernel: gather_offload_async_start.6
scs
__scs_entry_jumppad:
0x0: {  	(pc) =	sbr.rel $0x88, $3  }
0x1: {  	(tag) =	ssettag $0x0;
	lr =	simm.s32 $0x1  }
0x2: {  	[smem:$0x3F9E] =	sst lr;
	_ =	strace $0xD0000000  }
0x3: {  	_ = 	snop  }
0x4: {  	_ = 	snop  }
0x5: {  	_ = 	snop  }
0x6: {  	_ = 	snop  }
0x7: {  	_ = 	snop  }
__scs_overlays_trampoline_lowered:
0x8: {  	[smem:$0x3FAD] =	sst s0  }
0x9: {  	[smem:$0x3FAE] =	sst s1  }
0xa: {  	[smem:$0x3FAF] =	sst s2  }
0xb: {  	[smem:$0x3FB0] =	sst s3  }
0xc: {  	[smem:$0x3FB1] =	sst s4  }
0xd: {  	[smem:$0x3FB2] =	sst s5  }
0xe: {  	[smem:$0x3FB3] =	sst s6  }
0xf: {  	[smem:$0x3FB4] =	sst s7  }
0x10: {  	[smem:$0x3FB5] =	sst s8  }
0x11: {  	[smem:$0x3FB6] =	sst s9;
	s0 =	simm.s32 @!p0 $0x0  }
0x12: {  	s1 =	sld [smem:$0x3F9C];
	s0 =	simm.s32 @p0 $0x1  }
0x13: {  	[smem:$0x3FB7] =	sst s0;
	s0 =	simm.s32 @!p1 $0x0  }
0x14: {  	s2 =	sld [smem:$0x3F9B];
	s0 =	simm.s32 @p1 $0x1  }
0x15: {  	[smem:$0x3FB8] =	sst s0;
	s0 =	simm.s32 @!p2 $0x0  }
0x16: {  	s3 =	sld [smem:$0x3FDB];
	s0 =	simm.s32 @p2 $0x1  }
0x17: {  	s4 =	simm.s32 $0x1BF5;
	[smem:$0x3FBA] =	sst s0  }
0x18: {  	s0 =	sld [smem:$0x3F9D];
	_ =	swait.ge [sflag:s4], $0x0  }
0x19: {  	s7 =	sld [smem:$0x3F9E]  }
0x1a: {  	s8 =	sadd.s32 $0xFFFFE003, lr  }
0x1b: {  	s9 =	sadd.s32 $0xFFFFFEF7, lr;
	s5 =	simm.s32 $0xFFFFFFFF;
	p2 =	slt.u32 s8, $0xFFFFF086  }
0x1c: {  	p1 =	slt.u32 s9, $0xF7A;
	s5 =	simm.s32 @!p2 $0x0  }
0x1d: {  	s5 =	simm.s32 @p1 $0x1;
	p0 =	seq.s32 s7, s2  }
0x1e: {  	s7 =	smul.u32 @!p0 $0xF7A, s2;
	p2 =	seq.s32 @!p0 s5, $0x0  }
0x1f: {  	s9 =	smul.u32 $0xF7A, s1;
	s8 =	simm.s32 @!p0 $0x1BF5;
	p2 =	por !p2, p0  }
0x20: {  	[sflag:s8] =	ssyncset.s32 @!p0 $0xFFFFF086;
	s6 =	sadd.s32 @!p0 s3, s7;
	s7 =	simm.s32 @!p0 $0x108  }
0x21: {  	s3 =	sadd.s32 s3, s9;
	s6 =	sadd.s32 @!p0 $0x88, s6;
	s7 =	simm.s32 @p2 $0x1082  }
0x22: {  	[simem:s7], [sflag:s8] =	dma.local @!p0 [hbm:s6], $0xF7A  }
0x23: {  	s9 =	sor.u32 $0xD0000000, s2;
	s6 =	simm.s32 $0x108;
	_ =	swait.ge @!p0 [sflag:s8], $0x0  }
0x24: {  	s3 =	sadd.s32 $0x88, s3;
	s6 =	simm.s32 @!p1 $0x1082;
	[sflag:s4] =	ssyncset.s32 $0xFFFFF086  }
0x25: {  	[simem:s6], [sflag:s4] =	dma.local [hbm:s3], $0xF7A  }
0x26: {  	[smem:$0x3F9E] =	sst s1;
	(tag) =	ssettag s2;
	_ =	strace s9  }
0x27: {  	s1 =	sld [smem:$0x3FAE]  }
0x28: {  	s2 =	sld [smem:$0x3FAF]  }
0x29: {  	s4 =	sld [smem:$0x3FB1]  }
0x2a: {  	p0 =	seq.s32 s5, $0x0;
	s5 =	sld [smem:$0x3FB2]  }
0x2b: {  	s6 =	sld [smem:$0x3FB3]  }
0x2c: {  	s7 =	sld [smem:$0x3FB4]  }
0x2d: {  	s3 =	simm.s32 $0x108;
	s8 =	sld [smem:$0x3FB5]  }
0x2e: {  	s3 =	simm.s32 @!p0 $0x1082;
	s9 =	sld [smem:$0x3FB6]  }
0x2f: {  	lr =	sadd.s32 s0, s3;
	s0 =	sld [smem:$0x3FAD]  }
0x30: {  	s3 =	sld [smem:$0x3FB0]  }
0x31: {  	[smem:$0x3FB9] =	sst s10  }
0x32: {  	s10 =	sld [smem:$0x3FB7];
	_ =	sdelay $0x3  }
0x33: {  	p0 =	seq.s32 s10, $0x1;
	s10 =	sld [smem:$0x3FB9];
	_ =	sdelay $0x3  }
0x34: {  	[smem:$0x3FB9] =	sst s10  }
0x35: {  	s10 =	sld [smem:$0x3FB8];
	_ =	sdelay $0x3  }
0x36: {  	p1 =	seq.s32 s10, $0x1;
	s10 =	sld [smem:$0x3FB9];
	_ =	sdelay $0x3  }
0x37: {  	[smem:$0x3FB9] =	sst s10  }
0x38: {  	s10 =	sld [smem:$0x3FBA]  }
0x39: {  	_ = 	snop;
	(pc) =	sbr.ind lr, $3  }
0x3a: {  	_ = 	snop  }
0x3b: {  	_ = 	snop  }
0x3c: {  	p2 =	seq.s32 s10, $0x1;
	s10 =	sld [smem:$0x3FB9]  }
0x3d: {  	_ =	shalt  }
0x3e: {  	_ =	shalt  }
0x3f: {  	_ =	shalt  }
0x40: {  	_ =	shalt  }
0x41: {  	_ =	shalt  }
0x42: {  	_ =	shalt  }
0x43: {  	_ =	shalt  }
0x44: {  	_ =	shalt  }
0x45: {  	_ =	shalt  }
0x46: {  	_ =	shalt  }
0x47: {  	_ =	shalt  }
0x48: {  	_ =	shalt  }
0x49: {  	_ =	shalt  }
0x4a: {  	_ =	shalt  }
0x4b: {  	_ =	shalt  }
0x4c: {  	_ =	shalt  }
0x4d: {  	_ =	shalt  }
0x4e: {  	_ =	shalt  }
0x4f: {  	_ =	shalt  }
0x50: {  	_ =	shalt  }
0x51: {  	_ =	shalt  }
0x52: {  	_ =	shalt  }
0x53: {  	_ =	shalt  }
0x54: {  	_ =	shalt  }
0x55: {  	_ =	shalt  }
0x56: {  	_ =	shalt  }
0x57: {  	_ =	shalt  }
0x58: {  	_ =	shalt  }
0x59: {  	_ =	shalt  }
0x5a: {  	_ =	shalt  }
0x5b: {  	_ =	shalt  }
0x5c: {  	_ =	shalt  }
0x5d: {  	_ =	shalt  }
0x5e: {  	_ =	shalt  }
0x5f: {  	_ =	shalt  }
0x60: {  	_ =	shalt  }
0x61: {  	_ =	shalt  }
0x62: {  	_ =	shalt  }
0x63: {  	_ =	shalt  }
0x64: {  	_ =	shalt  }
0x65: {  	_ =	shalt  }
0x66: {  	_ =	shalt  }
0x67: {  	_ =	shalt  }
0x68: {  	_ =	shalt  }
0x69: {  	_ =	shalt  }
0x6a: {  	_ =	shalt  }
0x6b: {  	_ =	shalt  }
0x6c: {  	_ =	shalt  }
0x6d: {  	_ =	shalt  }
0x6e: {  	_ =	shalt  }
0x6f: {  	_ =	shalt  }
0x70: {  	_ =	shalt  }
0x71: {  	_ =	shalt  }
0x72: {  	_ =	shalt  }
0x73: {  	_ =	shalt  }
0x74: {  	_ =	shalt  }
0x75: {  	_ =	shalt  }
0x76: {  	_ =	shalt  }
0x77: {  	_ =	shalt  }
0x78: {  	_ =	shalt  }
0x79: {  	_ =	shalt  }
0x7a: {  	_ =	shalt  }
0x7b: {  	_ =	shalt  }
0x7c: {  	_ =	shalt  }
0x7d: {  	_ =	shalt  }
0x7e: {  	_ =	shalt  }
0x7f: {  	_ =	shalt  }
0x80: {  	_ =	shalt  }
0x81: {  	_ =	shalt  }
0x82: {  	_ =	shalt  }
0x83: {  	_ =	shalt  }
0x84: {  	_ =	shalt  }
0x85: {  	_ =	shalt  }
0x86: {  	_ =	shalt  }
0x87: {  	_ =	shalt  }
.Lfunc_end0:
.L_simem_size_0:
called_computation.6_lowered:
.L_overlay_start_0:
0x88: {  	s2 =	sld [smem:$0x3FD9]  }
0x89: {  	s3 =	sld [smem:$0x3FFE];
	_ =	sdelay $0x1  }
0x8a: {  	s1 =	srdreg.scid  }
0x8b: {  	s0 =	sand.u32 $0x1, s1  }
0x8c: {  	s17 =	sshll.u32 s0, $0xA;
	s2 =	sadd.s32 s3, s2  }
0x8d: {  	s2 =	sadd.s32 s2, s17  }
0x8e: {  	[smem:$0x3FC5] =	sst s2  }
0x8f: {  	_ = 	snop  }
0x90: {  	(tm) =	ssettm $0x1  }
0x91: {  	s18 =	sld [smem:$0x3FFB];
	_ =	sdelay $0x3  }
0x92: {  	_ =	strace s18  }
0x93: {  	s2 =	sld [smem:$0x3FFC];
	_ =	sdelay $0x3  }
0x94: {  	_ =	strace s2  }
0x95: {  	s2 =	sld [smem:$0x3FFD];
	_ =	sdelay $0x3  }
0x96: {  	_ =	strace s2  }
0x97: {  	_ =	strace $0x8FFFFFFF  }
0x98: {  	s19 =	sld [smem:$0x3FDB];
	_ =	sdelay $0x1  }
0x99: {  	s20 =	simm.s32 $_scs_section_size  }
0x9a: {  	s4 =	simm.s32 $_size__tile_overlayer_lowered;
	s5 =	simm.s32 $_tile_overlayer_lowered  }
0x9b: {  	s6 =	simm.s32 $0x1BFF;
	s21 =	sshll.u32 s5, $0x1;
	s3 =	sadd.s32 s20, s19  }
0x9c: {  	s22 =	simm.s32 $0x0;
	s4 =	sshll.u32 s4, $0x1;
	s5 =	sadd.s32 s21, s3  }
0x9d: {  	[timem:s22], [sflag:s6] =	dma.local [hbm:s5], s4  }
0x9e: {  	_ =	swait.ge [sflag:s6], s4  }
0x9f: {  	s4 =	ssub.s32 $0x0, s4;
	[sflag:s6] =	ssyncset.done $0x0  }
0xa0: {  	[sflag:s6] =	ssyncadd.s32 s4;
	_ =	sdelay $0x1  }
0xa1: {  	s23 =	simm.s32 $0x1B8B  }
0xa2: {  	_ =	swait.ge [sflag:s23], $0x1  }
0xa3: {  	[sflag:s23] =	ssyncset.done $0x0  }
0xa4: {  	[sflag:s23] =	ssyncadd.s32 $0xFFFFFFFF  }
0xa5: {  	s4 =	sld [smem:$0x0]  }
0xa6: {  	s5 =	sand.u32 $0xFFFFFFFE, s1  }
0xa7: {  	p0 =	sne.s32 s1, s5  }
0xa8: {  	s5 =	sshll.u32 @p0 s5, $0xE  }
0xa9: {  	s5 =	sadd.s32 @p0 $0x11B8D, s5;
	s6 =	sshll.u32 @p0 s4, $0x11  }
0xaa: {  	s5 =	sor.u32 @p0 s6, s5  }
0xab: {  	[sflag:s5] =	ssyncadd.remote.s32 @p0 $0x1;
	_ =	sdelay $0x1  }
0xac: {  	s5 =	simm.s32 @p0 $0x1B8D  }
0xad: {  	_ =	swait.eq @p0 [sflag:s5], $0x1  }
0xae: {  	[sflag:s5] =	ssyncadd.s32 @p0 $0xFFFFFFFF  }
0xaf: {  	s6 =	sshll.u32 @!p0 s1, $0xE  }
0xb0: {  	s6 =	sor.u32 @!p0 $0x4000, s6;
	s5 =	simm.s32 @!p0 $0x1B8D  }
0xb1: {  	s4 =	sshll.u32 @!p0 s4, $0x11;
	s6 =	sadd.s32 @!p0 $0x11B8D, s6;
	_ =	swait.eq @!p0 [sflag:s5], $0x1  }
0xb2: {  	s4 =	sor.u32 @!p0 s4, s6;
	[sflag:s5] =	ssyncadd.s32 @!p0 $0xFFFFFFFF  }
0xb3: {  	s25 =	simm.s32 $0x1B8E;
	s24 =	sld [smem:$0x3FFE];
	[sflag:s4] =	ssyncadd.remote.s32 @!p0 $0x1  }
0xb4: {  	s26 =	simm.s32 $execute0_lowered;
	[smem:$0x3FD2] =	sst s25  }
0xb5: {  	s5 =	sshll.u32 s26, $0x1;
	_ =	strace $0x8000005B;
	[dreg:$0x1] =	wrdreg $0xFFFFFFFF  }
0xb6: {  	s28 =	simm.s32 $_size_execute0_lowered;
	s3 =	sadd.s32 s3, s5;
	[dreg:$0x0] =	wrdreg $0x0  }
0xb7: {  	s5 =	sshll.u32 s28, $0x1;
	[dreg:$0x2] =	wrdreg s3  }
0xb8: {  	[dreg:$0x3] =	wrdreg s5  }
0xb9: {  	[dreg:$0x4] =	wrdreg $0xC0  }
0xba: {  	_ =	task [dreg:s22], $0x5FFFF  }
0xbb: {  	[dreg:$0x1] =	wrdreg $0xFFFFFFFF  }
0xbc: {  	[dreg:$0x0] =	wrdreg $0x60  }
0xbd: {  	[dreg:$0x2] =	wrdreg s24  }
0xbe: {  	[dreg:$0x3] =	wrdreg $0xA  }
0xbf: {  	_ =	task.clear_ibuf [dreg:s22], $0x4FFFF;
	_ =	strace $0x9000005B  }
0xc0: {  	s29 =	simm.s32 $0xA;
	_ =	strace $0x8000005D  }
0xc1: {  	_ =	swait.ge [sflag:s29], $0x1  }
0xc2: {  	[sflag:s29] =	ssyncadd.s32 $0xFFFFFFFF  }
0xc3: {  	_ =	strace $0x9000005D  }
0xc4: {  	_ =	sfence  }
0xc5: {  	s30 =	sld [smem:$0x0];
	_ =	sdelay $0x2  }
0xc6: {  	s31 =	sshll.u32 s1, $0xD;
	s1 =	sshrl.u32 s1, $0x2  }
0xc7: {  	s4 =	sand.u32 $0x4000, s31;
	s1 =	sadd.s32 s1, s30  }
0xc8: {  	s0 =	sor.u32 s4, s0;
	s1 =	sshll.u32 s1, $0x11  }
0xc9: {  	s0 =	sor.u32 s1, s0  }
0xca: {  	s0 =	sadd.s32 $0x8F2B, s0  }
0xcb: {  	[sflag:s0] =	ssyncadd.remote.s32 $0x1  }
0xcc: {  	_ =	sfence.sel $0xFFFF  }
0xcd: {  	[dreg:$0x0] =	wrdreg $0xFFFFFFFF;
	(pc) =	sbr.abs _section_cstart, $3  }
0xce: {  	[dreg:$0x1] =	wrdreg $0xFFFFFFFF  }
0xcf: {  	_ =	task.clear_ibuf [dreg:s22], $0x2FFFF;
	_ =	strace $0x9FFFFFFF  }
0xd0: {  	(tm) =	ssettm $0x7FFFFFFF  }
0xd1: {  	_ =	shalt  }
tec
execute0_lowered:
.L_overlay_start_1:
0x0: {  	(tag) =	ssettag $0x1  }
0x1: {  	s8 =	rddreg [dreg:$0x0]  }
0x2: {  	s0 =	rddreg [dreg:$0x1];
	_ =	strace $0x8000005C;
	s1 =	stileid.u32  }
0x3: {  	s3 =	srdreg.scid;
	s4 =	simm.s32 $0x1;
	s7 =	simm.s32 $0x1  }
0x4: {  	s9 =	simm.s32 $0x1;
	s10 =	simm.s32 $0x3;
	s13 =	simm.s32 $0x0  }
0x5: {  	s12 =	simm.s32 $0x0;
	s5 =	sand.u32 $0x1, s3;
	s6 =	sshll.u32 s1, $0x1  }
0x6: {  	s2 =	sadd.s32 $0x3D200, s8;
	s3 =	sadd.s32 $0x1C00, s8;
	s5 =	sor.u32 s6, s5  }
.Ltmp0:
0x7: {  	[sflag:s4] =	ssyncpa.u1 $0x0;
	p0 =	slt.u32 s5, $0x13;
	(pc) =	sbr.rel .LBB2_1-.Ltmp0, $4  }
0x8: {  	s6 =	simm.s32 $0x2;
	s7 =	simm.s32 @!p0 $0x0;
	p0 =	sne.s32 s5, $0x12  }
0x9: {  	[sflag:s6] =	ssyncpa.u1 $0x0;
	s5 =	smul.u32 $0x1E0, s5;
	s9 =	simm.s32 @!p0 $0x0  }
0xa: {  	s8 =	sadd.s32 $0x4000, s8;
	[sflag:s10] =	ssyncpa.u1 $0x0;
	s7 =	sadd.s32 s9, s7  }
0xb: {  	vm0 =	vmmov $0xffff;
	s10 =	simm.s32 $0x0;
	s11 =	smov.u32 s5;
	s9 =	sadd.s32 $0x1, s7  }
.LBB2_4:
0xc: {  	v2 =	vnsel vm1, $0x0, v2  }
0xd: {  	vm1 =	vgt.s32 v0, $0x0;
	v2 =	vmin.u32 v2, $0x62E07F  }
0xe: {  	v0 =	vnsel vm1, $0x0, v0  }
0xf: {  	v0 =	vmin.u32 v0, $0x62E07F  }
0x10: {  	[tilespmem:s18], [sflag:$0x1] =	stream.indirect_vreg.gather [hbm4b:s2+s10], $0x1, v1, vm0, $0x4038;
	[tilespmem:$0x780] =	vst v63  }
0x11: {  	(ifvalue) =	ssetifvalue $0x7FFFFFFF  }
0x12: {  	[tilespmem:s15], [sflag:$0x1] =	stream.indirect_vreg.gather [hbm4b:s2+s10], $0x1, v2, vm0, $0x4038;
	[tilespmem:$0x780] =	vst v63  }
0x13: {  	s29 =	sadd.s32 $0x10, s15;
	(ifvalue) =	ssetifvalue $0x7FFFFFFF  }
0x14: {  	[tilespmem:s29], [sflag:$0x1] =	stream.indirect_vreg.gather [hbm4b:s2+s10], $0x1, v0, vm0, $0x4038;
	[tilespmem:$0x780] =	vst v63  }
0x15: {  	_ =	swait.ge [sflag:s4], $0x1E0  }
0x16: {  	s30 =	sshrl.u32 s13, $0x3;
	[sflag:s4] =	ssyncset.done $0x0  }
0x17: {  	s31 =	sand.u32 $0x7, s13;
	s15 =	sadd.s32 s8, s30;
	[sflag:s4] =	ssyncadd.s32 $0xFFFFFE20  }
0x18: {  	[hbm4b:s15+s31] =	stream.linear.scatter [tilespmem:s14], [sflag:$0x3], $0x1E0, $0x38;
	[tilespmem:$0x780] =	vst v63  }
.LBB2_5:
0x19: {  	s15 =	sadd.s32 $0x3C00, s11  }
0x1a: {  	p1 =	sgt.s32 s15, $0x5DBF  }
0x1b: {  	s15 =	smov.u32 @p1 s5;
	p1 =	sne.s32 s12, s9  }
.Ltmp1:
0x1c: {  	p0 =	slt.u32 s12, $0x2;
	(pc) =	sbr.rel @!p1 .LBB2_6-.Ltmp1, $4  }
0x1d: {  	s14 =	simm.s32 @!p0 $0x3  }
0x1e: {  	_ =	swait.ge @!p0 [sflag:s14], $0x1E0  }
0x1f: {  	s16 =	sadd.s32 $0x1, s12;
	s13 =	smov.u32 s11;
	[sflag:s14] =	ssyncset.done @!p0 $0x0  }
0x20: {  	s12 =	smov.u32 s16;
	s11 =	smov.u32 s15;
	[sflag:s14] =	ssyncadd.s32 @!p0 $0xFFFFFE20  }
.LBB2_1:
0x21: {  	p0 =	sge.u32 s12, s7  }
0x22: {  	s14 =	sxor.u32 @!p0 $0x1, s12  }
0x23: {  	s14 =	smul.u32 @!p0 $0x780, s14  }
0x24: {  	s31 =	sadd.s32 $0xFFFFFFFF, s12;
	s15 =	sshrl.u32 @!p0 s11, $0x3  }
0x25: {  	s16 =	sand.u32 @!p0 $0x7, s11;
	s15 =	sadd.s32 @!p0 s3, s15;
	s14 =	sshra.s32 @!p0 s14, $0x2  }
0x26: {  	[tilespmem:s14], [sflag:$0x2] =	stream.linear.gather @!p0 [hbm4b:s15+s16], $0x1E0, $0x38;
	[tilespmem:$0x780] =	vst v63  }
0x27: {  	p0 =	sge.u32 s31, s7  }
.Ltmp2:
0x28: {  	_ = 	snop;
	(pc) =	sbr.rel @p0 .LBB2_5-.Ltmp2, $1  }
0x29: {  	_ =	sdelay $0x3  }
0x2a: {  	s14 =	sand.u32 $0x1, s12  }
0x2b: {  	_ =	swait.ge [sflag:s6], $0x1E0;
	p0 =	seq.s32 s14, $0x1;
	s14 =	simm.s32 $0x1E0  }
0x2c: {  	[sflag:s6] =	ssyncset.done $0x0;
	s14 =	simm.s32 @!p0 $0x0  }
0x2d: {  	[sflag:s6] =	ssyncadd.s32 $0xFFFFFE20;
	(ifvalue) =	ssetifvalue $0x7FFFFFFF;
	v0 =	vld.msk [tilespmem:s14+$0x0 ss:$0x1], $0xffff;
	_ =	sdelay $0x4  }
0x2e: {  	s15 =	sadd.s32 $0x10, s14;
	vm1 =	vgt.s32 v0, $0x0  }
0x2f: {  	v2 =	vld.msk [tilespmem:s15+$0x0 ss:$0x1], $0xffff;
	v1 =	vnsel vm1, $0x0, v0  }
0x30: {  	v1 =	vmin.u32 v1, $0x62E07F;
	_ =	sdelay $0x2  }
0x31: {  	s17 =	simm.s32 $0x20;
	s14 =	sadd.s32 $0x3C0, s14;
	s16 =	sadd.s32 $0x10, s15  }
0x32: {  	s15 =	sadd.s32 $0x10, s14;
	s18 =	smov.u32 s14;
	v0 =	vld.msk [tilespmem:s16+$0x0 ss:$0x1], $0xffff;
	vm1 =	vgt.s32 v2, $0x0;
	(ifvalue) =	ssetifvalue $0x7FFFFFFF  }
.LBB2_3:
0x33: {  	[tilespmem:s18], [sflag:$0x1] =	stream.indirect_vreg.gather [hbm4b:s2+s10], $0x1, v1, vm0, $0x4038;
	[tilespmem:$0x780] =	vst v63  }
0x34: {  	s17 =	sadd.s32 $0x10, s17  }
0x35: {  	v2 =	vnsel vm1, $0x0, v2;
	p0 =	slt.u32 s17, $0x1D0  }
.Ltmp3:
0x36: {  	s18 =	smov.u32 s15;
	v1 =	vmin.u32 v2, $0x62E07F;
	(pc) =	sbr.rel @p0 .LBB2_3-.Ltmp3, $3  }
0x37: {  	_ =	sdelay $0x1  }
0x38: {  	s16 =	sadd.s32 $0x10, s16  }
0x39: {  	vm1 =	vgt.s32 v0, $0x0;
	s15 =	sadd.s32 $0x10, s15;
	v2 =	vmov v0;
	(ifvalue) =	ssetifvalue $0x7FFFFFFF;
	v0 =	vld.msk [tilespmem:s16+$0x0 ss:$0x1], $0xffff  }
.Ltmp4:
0x3a: {  	_ = 	snop;
	(pc) =	sbr.rel .LBB2_4-.Ltmp4, $1  }
0x3b: {  	_ =	sdelay $0x3  }
.LBB2_6:
0x3c: {  	_ =	sfence.sel $0x180000  }
0x3d: {  	s2 =	simm.s32 $0x2;
	[bflag:$0x0] =	sbarrier.arrive $0xFFFF  }
0x3e: {  	s30 =	simm.s32 $0x3;
	[sflag:s2] =	ssyncpa.u1 $0x1  }
0x3f: {  	s31 =	simm.s32 $0x1;
	[sflag:s30] =	ssyncpa.u1 $0x1  }
0x40: {  	[sflag:s31] =	ssyncpa.u1 $0x1  }
0x41: {  	p0 =	sne.s32 s1, $0x0;
	_ =	strace $0x9000005C  }
0x42: {  	s0 =	sadd.s32 @!p0 $0x100000, s0;
	[bflag:$0x2] =	sbarrier.arrive $0xFFFF  }
0x43: {  	[sflag:s0] =	ssyncadd.tile.s32 @!p0 $0x1;
	_ =	shalt  }
.Lfunc_end2:
_tile_overlayer_lowered:
.L_overlay_start_2:
0x44: {  	(tag) =	ssettag $0x2  }
0x45: {  	s0 =	rddreg [dreg:$0x0];
	s2 =	stileid.u32  }
0x46: {  	s1 =	rddreg [dreg:$0x1];
	p0 =	sne.s32 s2, $0x0  }
0x47: {  	s3 =	rddreg [dreg:$0x2];
	[bflag:$0x3] =	sbarrier.arrive $0xFFFF;
	s2 =	simm.s32 @!p0 $0x1C01  }
0x48: {  	[timem:s3], [sflag:s2] =	dma.local @!p0 [hbm:s0], s1  }
0x49: {  	s0 =	simm.s32 @!p0 $0x1  }
0x4a: {  	_ =	swait.ge @!p0 [sflag:s0], s1  }
0x4b: {  	s1 =	ssub.s32 @!p0 $0x0, s1;
	[sflag:s0] =	ssyncset.done @!p0 $0x0  }
0x4c: {  	[sflag:s0] =	ssyncadd.s32 @!p0 s1  }
0x4d: {  	[bflag:$0x3] =	sbarrier.arrive $0xFFFF  }
0x4e: {  	_ =	shalt  }

// kernel: gather_offload_async_start.7
scs
__scs_entry_jumppad:
0x0: {  	(pc) =	sbr.rel $0x88, $3  }
0x1: {  	(tag) =	ssettag $0x0;
	lr =	simm.s32 $0x1  }
0x2: {  	[smem:$0x3F9E] =	sst lr;
	_ =	strace $0xD0000000  }
0x3: {  	_ = 	snop  }
0x4: {  	_ = 	snop  }
0x5: {  	_ = 	snop  }
0x6: {  	_ = 	snop  }
0x7: {  	_ = 	snop  }
__scs_overlays_trampoline_lowered:
0x8: {  	[smem:$0x3FAD] =	sst s0  }
0x9: {  	[smem:$0x3FAE] =	sst s1  }
0xa: {  	[smem:$0x3FAF] =	sst s2  }
0xb: {  	[smem:$0x3FB0] =	sst s3  }
0xc: {  	[smem:$0x3FB1] =	sst s4  }
0xd: {  	[smem:$0x3FB2] =	sst s5  }
0xe: {  	[smem:$0x3FB3] =	sst s6  }
0xf: {  	[smem:$0x3FB4] =	sst s7  }
0x10: {  	[smem:$0x3FB5] =	sst s8  }
0x11: {  	[smem:$0x3FB6] =	sst s9;
	s0 =	simm.s32 @!p0 $0x0  }
0x12: {  	s1 =	sld [smem:$0x3F9C];
	s0 =	simm.s32 @p0 $0x1  }
0x13: {  	[smem:$0x3FB7] =	sst s0;
	s0 =	simm.s32 @!p1 $0x0  }
0x14: {  	s2 =	sld [smem:$0x3F9B];
	s0 =	simm.s32 @p1 $0x1  }
0x15: {  	[smem:$0x3FB8] =	sst s0;
	s0 =	simm.s32 @!p2 $0x0  }
0x16: {  	s3 =	sld [smem:$0x3FDB];
	s0 =	simm.s32 @p2 $0x1  }
0x17: {  	s4 =	simm.s32 $0x1BF5;
	[smem:$0x3FBA] =	sst s0  }
0x18: {  	s0 =	sld [smem:$0x3F9D];
	_ =	swait.ge [sflag:s4], $0x0  }
0x19: {  	s7 =	sld [smem:$0x3F9E]  }
0x1a: {  	s8 =	sadd.s32 $0xFFFFE003, lr  }
0x1b: {  	s9 =	sadd.s32 $0xFFFFFEF7, lr;
	s5 =	simm.s32 $0xFFFFFFFF;
	p2 =	slt.u32 s8, $0xFFFFF086  }
0x1c: {  	p1 =	slt.u32 s9, $0xF7A;
	s5 =	simm.s32 @!p2 $0x0  }
0x1d: {  	s5 =	simm.s32 @p1 $0x1;
	p0 =	seq.s32 s7, s2  }
0x1e: {  	s7 =	smul.u32 @!p0 $0xF7A, s2;
	p2 =	seq.s32 @!p0 s5, $0x0  }
0x1f: {  	s9 =	smul.u32 $0xF7A, s1;
	s8 =	simm.s32 @!p0 $0x1BF5;
	p2 =	por !p2, p0  }
0x20: {  	[sflag:s8] =	ssyncset.s32 @!p0 $0xFFFFF086;
	s6 =	sadd.s32 @!p0 s3, s7;
	s7 =	simm.s32 @!p0 $0x108  }
0x21: {  	s3 =	sadd.s32 s3, s9;
	s6 =	sadd.s32 @!p0 $0x88, s6;
	s7 =	simm.s32 @p2 $0x1082  }
0x22: {  	[simem:s7], [sflag:s8] =	dma.local @!p0 [hbm:s6], $0xF7A  }
0x23: {  	s9 =	sor.u32 $0xD0000000, s2;
	s6 =	simm.s32 $0x108;
	_ =	swait.ge @!p0 [sflag:s8], $0x0  }
0x24: {  	s3 =	sadd.s32 $0x88, s3;
	s6 =	simm.s32 @!p1 $0x1082;
	[sflag:s4] =	ssyncset.s32 $0xFFFFF086  }
0x25: {  	[simem:s6], [sflag:s4] =	dma.local [hbm:s3], $0xF7A  }
0x26: {  	[smem:$0x3F9E] =	sst s1;
	(tag) =	ssettag s2;
	_ =	strace s9  }
0x27: {  	s1 =	sld [smem:$0x3FAE]  }
0x28: {  	s2 =	sld [smem:$0x3FAF]  }
0x29: {  	s4 =	sld [smem:$0x3FB1]  }
0x2a: {  	p0 =	seq.s32 s5, $0x0;
	s5 =	sld [smem:$0x3FB2]  }
0x2b: {  	s6 =	sld [smem:$0x3FB3]  }
0x2c: {  	s7 =	sld [smem:$0x3FB4]  }
0x2d: {  	s3 =	simm.s32 $0x108;
	s8 =	sld [smem:$0x3FB5]  }
0x2e: {  	s3 =	simm.s32 @!p0 $0x1082;
	s9 =	sld [smem:$0x3FB6]  }
0x2f: {  	lr =	sadd.s32 s0, s3;
	s0 =	sld [smem:$0x3FAD]  }
0x30: {  	s3 =	sld [smem:$0x3FB0]  }
0x31: {  	[smem:$0x3FB9] =	sst s10  }
0x32: {  	s10 =	sld [smem:$0x3FB7];
	_ =	sdelay $0x3  }
0x33: {  	p0 =	seq.s32 s10, $0x1;
	s10 =	sld [smem:$0x3FB9];
	_ =	sdelay $0x3  }
0x34: {  	[smem:$0x3FB9] =	sst s10  }
0x35: {  	s10 =	sld [smem:$0x3FB8];
	_ =	sdelay $0x3  }
0x36: {  	p1 =	seq.s32 s10, $0x1;
	s10 =	sld [smem:$0x3FB9];
	_ =	sdelay $0x3  }
0x37: {  	[smem:$0x3FB9] =	sst s10  }
0x38: {  	s10 =	sld [smem:$0x3FBA]  }
0x39: {  	_ = 	snop;
	(pc) =	sbr.ind lr, $3  }
0x3a: {  	_ = 	snop  }
0x3b: {  	_ = 	snop  }
0x3c: {  	p2 =	seq.s32 s10, $0x1;
	s10 =	sld [smem:$0x3FB9]  }
0x3d: {  	_ =	shalt  }
0x3e: {  	_ =	shalt  }
0x3f: {  	_ =	shalt  }
0x40: {  	_ =	shalt  }
0x41: {  	_ =	shalt  }
0x42: {  	_ =	shalt  }
0x43: {  	_ =	shalt  }
0x44: {  	_ =	shalt  }
0x45: {  	_ =	shalt  }
0x46: {  	_ =	shalt  }
0x47: {  	_ =	shalt  }
0x48: {  	_ =	shalt  }
0x49: {  	_ =	shalt  }
0x4a: {  	_ =	shalt  }
0x4b: {  	_ =	shalt  }
0x4c: {  	_ =	shalt  }
0x4d: {  	_ =	shalt  }
0x4e: {  	_ =	shalt  }
0x4f: {  	_ =	shalt  }
0x50: {  	_ =	shalt  }
0x51: {  	_ =	shalt  }
0x52: {  	_ =	shalt  }
0x53: {  	_ =	shalt  }
0x54: {  	_ =	shalt  }
0x55: {  	_ =	shalt  }
0x56: {  	_ =	shalt  }
0x57: {  	_ =	shalt  }
0x58: {  	_ =	shalt  }
0x59: {  	_ =	shalt  }
0x5a: {  	_ =	shalt  }
0x5b: {  	_ =	shalt  }
0x5c: {  	_ =	shalt  }
0x5d: {  	_ =	shalt  }
0x5e: {  	_ =	shalt  }
0x5f: {  	_ =	shalt  }
0x60: {  	_ =	shalt  }
0x61: {  	_ =	shalt  }
0x62: {  	_ =	shalt  }
0x63: {  	_ =	shalt  }
0x64: {  	_ =	shalt  }
0x65: {  	_ =	shalt  }
0x66: {  	_ =	shalt  }
0x67: {  	_ =	shalt  }
0x68: {  	_ =	shalt  }
0x69: {  	_ =	shalt  }
0x6a: {  	_ =	shalt  }
0x6b: {  	_ =	shalt  }
0x6c: {  	_ =	shalt  }
0x6d: {  	_ =	shalt  }
0x6e: {  	_ =	shalt  }
0x6f: {  	_ =	shalt  }
0x70: {  	_ =	shalt  }
0x71: {  	_ =	shalt  }
0x72: {  	_ =	shalt  }
0x73: {  	_ =	shalt  }
0x74: {  	_ =	shalt  }
0x75: {  	_ =	shalt  }
0x76: {  	_ =	shalt  }
0x77: {  	_ =	shalt  }
0x78: {  	_ =	shalt  }
0x79: {  	_ =	shalt  }
0x7a: {  	_ =	shalt  }
0x7b: {  	_ =	shalt  }
0x7c: {  	_ =	shalt  }
0x7d: {  	_ =	shalt  }
0x7e: {  	_ =	shalt  }
0x7f: {  	_ =	shalt  }
0x80: {  	_ =	shalt  }
0x81: {  	_ =	shalt  }
0x82: {  	_ =	shalt  }
0x83: {  	_ =	shalt  }
0x84: {  	_ =	shalt  }
0x85: {  	_ =	shalt  }
0x86: {  	_ =	shalt  }
0x87: {  	_ =	shalt  }
.Lfunc_end0:
.L_simem_size_0:
called_computation.7_lowered:
.L_overlay_start_0:
0x88: {  	s2 =	sld [smem:$0x3FD9]  }
0x89: {  	s3 =	sld [smem:$0x3FFE];
	_ =	sdelay $0x1  }
0x8a: {  	s1 =	srdreg.scid  }
0x8b: {  	s0 =	sand.u32 $0x1, s1  }
0x8c: {  	s17 =	sshll.u32 s0, $0xA;
	s2 =	sadd.s32 s3, s2  }
0x8d: {  	s2 =	sadd.s32 s2, s17  }
0x8e: {  	[smem:$0x3FC5] =	sst s2  }
0x8f: {  	_ = 	snop  }
0x90: {  	(tm) =	ssettm $0x1  }
0x91: {  	s18 =	sld [smem:$0x3FFB];
	_ =	sdelay $0x3  }
0x92: {  	_ =	strace s18  }
0x93: {  	s2 =	sld [smem:$0x3FFC];
	_ =	sdelay $0x3  }
0x94: {  	_ =	strace s2  }
0x95: {  	s2 =	sld [smem:$0x3FFD];
	_ =	sdelay $0x3  }
0x96: {  	_ =	strace s2  }
0x97: {  	_ =	strace $0x8FFFFFFF  }
0x98: {  	s19 =	sld [smem:$0x3FDB];
	_ =	sdelay $0x1  }
0x99: {  	s20 =	simm.s32 $_scs_section_size  }
0x9a: {  	s4 =	simm.s32 $_size__tile_overlayer_lowered;
	s5 =	simm.s32 $_tile_overlayer_lowered  }
0x9b: {  	s6 =	simm.s32 $0x1BFF;
	s21 =	sshll.u32 s5, $0x1;
	s3 =	sadd.s32 s20, s19  }
0x9c: {  	s22 =	simm.s32 $0x0;
	s4 =	sshll.u32 s4, $0x1;
	s5 =	sadd.s32 s21, s3  }
0x9d: {  	[timem:s22], [sflag:s6] =	dma.local [hbm:s5], s4  }
0x9e: {  	_ =	swait.ge [sflag:s6], s4  }
0x9f: {  	s4 =	ssub.s32 $0x0, s4;
	[sflag:s6] =	ssyncset.done $0x0  }
0xa0: {  	[sflag:s6] =	ssyncadd.s32 s4;
	_ =	sdelay $0x1  }
0xa1: {  	s23 =	simm.s32 $0x1B8B  }
0xa2: {  	_ =	swait.ge [sflag:s23], $0x1  }
0xa3: {  	[sflag:s23] =	ssyncset.done $0x0  }
0xa4: {  	[sflag:s23] =	ssyncadd.s32 $0xFFFFFFFF  }
0xa5: {  	s4 =	sld [smem:$0x0]  }
0xa6: {  	s5 =	sand.u32 $0xFFFFFFFE, s1  }
0xa7: {  	p0 =	sne.s32 s1, s5  }
0xa8: {  	s5 =	sshll.u32 @p0 s5, $0xE  }
0xa9: {  	s5 =	sadd.s32 @p0 $0x11B8D, s5;
	s6 =	sshll.u32 @p0 s4, $0x11  }
0xaa: {  	s5 =	sor.u32 @p0 s6, s5  }
0xab: {  	[sflag:s5] =	ssyncadd.remote.s32 @p0 $0x1;
	_ =	sdelay $0x1  }
0xac: {  	s5 =	simm.s32 @p0 $0x1B8D  }
0xad: {  	_ =	swait.eq @p0 [sflag:s5], $0x1  }
0xae: {  	[sflag:s5] =	ssyncadd.s32 @p0 $0xFFFFFFFF  }
0xaf: {  	s6 =	sshll.u32 @!p0 s1, $0xE  }
0xb0: {  	s6 =	sor.u32 @!p0 $0x4000, s6;
	s5 =	simm.s32 @!p0 $0x1B8D  }
0xb1: {  	s4 =	sshll.u32 @!p0 s4, $0x11;
	s6 =	sadd.s32 @!p0 $0x11B8D, s6;
	_ =	swait.eq @!p0 [sflag:s5], $0x1  }
0xb2: {  	s4 =	sor.u32 @!p0 s4, s6;
	[sflag:s5] =	ssyncadd.s32 @!p0 $0xFFFFFFFF  }
0xb3: {  	s25 =	simm.s32 $0x1B8E;
	s24 =	sld [smem:$0x3FFE];
	[sflag:s4] =	ssyncadd.remote.s32 @!p0 $0x1  }
0xb4: {  	s26 =	simm.s32 $execute0_lowered;
	[smem:$0x3FD2] =	sst s25  }
0xb5: {  	s5 =	sshll.u32 s26, $0x1;
	_ =	strace $0x80000058;
	[dreg:$0x1] =	wrdreg $0xFFFFFFFF  }
0xb6: {  	s28 =	simm.s32 $_size_execute0_lowered;
	s3 =	sadd.s32 s3, s5;
	[dreg:$0x0] =	wrdreg $0x0  }
0xb7: {  	s5 =	sshll.u32 s28, $0x1;
	[dreg:$0x2] =	wrdreg s3  }
0xb8: {  	[dreg:$0x3] =	wrdreg s5  }
0xb9: {  	[dreg:$0x4] =	wrdreg $0xC0  }
0xba: {  	_ =	task [dreg:s22], $0x5FFFF  }
0xbb: {  	[dreg:$0x1] =	wrdreg $0xFFFFFFFF  }
0xbc: {  	[dreg:$0x0] =	wrdreg $0x60  }
0xbd: {  	[dreg:$0x2] =	wrdreg s24  }
0xbe: {  	[dreg:$0x3] =	wrdreg $0xB  }
0xbf: {  	_ =	task.clear_ibuf [dreg:s22], $0x4FFFF;
	_ =	strace $0x90000058  }
0xc0: {  	s29 =	simm.s32 $0xB;
	_ =	strace $0x8000005A  }
0xc1: {  	_ =	swait.ge [sflag:s29], $0x1  }
0xc2: {  	[sflag:s29] =	ssyncadd.s32 $0xFFFFFFFF  }
0xc3: {  	_ =	strace $0x9000005A  }
0xc4: {  	_ =	sfence  }
0xc5: {  	s30 =	sld [smem:$0x0];
	_ =	sdelay $0x2  }
0xc6: {  	s31 =	sshll.u32 s1, $0xD;
	s1 =	sshrl.u32 s1, $0x2  }
0xc7: {  	s4 =	sand.u32 $0x4000, s31;
	s1 =	sadd.s32 s1, s30  }
0xc8: {  	s0 =	sor.u32 s4, s0;
	s1 =	sshll.u32 s1, $0x11  }
0xc9: {  	s0 =	sor.u32 s1, s0  }
0xca: {  	s0 =	sadd.s32 $0x8F2B, s0  }
0xcb: {  	[sflag:s0] =	ssyncadd.remote.s32 $0x1  }
0xcc: {  	_ =	sfence.sel $0xFFFF  }
0xcd: {  	[dreg:$0x0] =	wrdreg $0xFFFFFFFF;
	(pc) =	sbr.abs _section_cstart, $3  }
0xce: {  	[dreg:$0x1] =	wrdreg $0xFFFFFFFF  }
0xcf: {  	_ =	task.clear_ibuf [dreg:s22], $0x2FFFF;
	_ =	strace $0x9FFFFFFF  }
0xd0: {  	(tm) =	ssettm $0x7FFFFFFF  }
0xd1: {  	_ =	shalt  }
tec
execute0_lowered:
.L_overlay_start_1:
0x0: {  	(tag) =	ssettag $0x1  }
0x1: {  	s8 =	rddreg [dreg:$0x0]  }
0x2: {  	s0 =	rddreg [dreg:$0x1];
	_ =	strace $0x80000059;
	s1 =	stileid.u32  }
0x3: {  	s3 =	srdreg.scid;
	s4 =	simm.s32 $0x1;
	s7 =	simm.s32 $0x1  }
0x4: {  	s9 =	simm.s32 $0x1;
	s10 =	simm.s32 $0x3;
	s13 =	simm.s32 $0x0  }
0x5: {  	s12 =	simm.s32 $0x0;
	s5 =	sand.u32 $0x1, s3;
	s6 =	sshll.u32 s1, $0x1  }
0x6: {  	s2 =	sadd.s32 $0x3D200, s8;
	s3 =	sadd.s32 $0x1000, s8;
	s5 =	sor.u32 s6, s5  }
.Ltmp0:
0x7: {  	[sflag:s4] =	ssyncpa.u1 $0x0;
	p0 =	slt.u32 s5, $0x13;
	(pc) =	sbr.rel .LBB2_1-.Ltmp0, $4  }
0x8: {  	s6 =	simm.s32 $0x2;
	s7 =	simm.s32 @!p0 $0x0;
	p0 =	sne.s32 s5, $0x12  }
0x9: {  	[sflag:s6] =	ssyncpa.u1 $0x0;
	s5 =	smul.u32 $0x1E0, s5;
	s9 =	simm.s32 @!p0 $0x0  }
0xa: {  	s8 =	sadd.s32 $0x4C00, s8;
	[sflag:s10] =	ssyncpa.u1 $0x0;
	s7 =	sadd.s32 s9, s7  }
0xb: {  	vm0 =	vmmov $0xffff;
	s10 =	simm.s32 $0x0;
	s11 =	smov.u32 s5;
	s9 =	sadd.s32 $0x1, s7  }
.LBB2_4:
0xc: {  	v2 =	vnsel vm1, $0x0, v2  }
0xd: {  	vm1 =	vgt.s32 v0, $0x0;
	v2 =	vmin.u32 v2, $0x62E07F  }
0xe: {  	v0 =	vnsel vm1, $0x0, v0  }
0xf: {  	v0 =	vmin.u32 v0, $0x62E07F  }
0x10: {  	[tilespmem:s18], [sflag:$0x1] =	stream.indirect_vreg.gather [hbm4b:s2+s10], $0x1, v1, vm0, $0x4038;
	[tilespmem:$0x780] =	vst v63  }
0x11: {  	(ifvalue) =	ssetifvalue $0x7FFFFFFF  }
0x12: {  	[tilespmem:s15], [sflag:$0x1] =	stream.indirect_vreg.gather [hbm4b:s2+s10], $0x1, v2, vm0, $0x4038;
	[tilespmem:$0x780] =	vst v63  }
0x13: {  	s29 =	sadd.s32 $0x10, s15;
	(ifvalue) =	ssetifvalue $0x7FFFFFFF  }
0x14: {  	[tilespmem:s29], [sflag:$0x1] =	stream.indirect_vreg.gather [hbm4b:s2+s10], $0x1, v0, vm0, $0x4038;
	[tilespmem:$0x780] =	vst v63  }
0x15: {  	_ =	swait.ge [sflag:s4], $0x1E0  }
0x16: {  	s30 =	sshrl.u32 s13, $0x3;
	[sflag:s4] =	ssyncset.done $0x0  }
0x17: {  	s31 =	sand.u32 $0x7, s13;
	s15 =	sadd.s32 s8, s30;
	[sflag:s4] =	ssyncadd.s32 $0xFFFFFE20  }
0x18: {  	[hbm4b:s15+s31] =	stream.linear.scatter [tilespmem:s14], [sflag:$0x3], $0x1E0, $0x38;
	[tilespmem:$0x780] =	vst v63  }
.LBB2_5:
0x19: {  	s15 =	sadd.s32 $0x3C00, s11  }
0x1a: {  	p1 =	sgt.s32 s15, $0x5DBF  }
0x1b: {  	s15 =	smov.u32 @p1 s5;
	p1 =	sne.s32 s12, s9  }
.Ltmp1:
0x1c: {  	p0 =	slt.u32 s12, $0x2;
	(pc) =	sbr.rel @!p1 .LBB2_6-.Ltmp1, $4  }
0x1d: {  	s14 =	simm.s32 @!p0 $0x3  }
0x1e: {  	_ =	swait.ge @!p0 [sflag:s14], $0x1E0  }
0x1f: {  	s16 =	sadd.s32 $0x1, s12;
	s13 =	smov.u32 s11;
	[sflag:s14] =	ssyncset.done @!p0 $0x0  }
0x20: {  	s12 =	smov.u32 s16;
	s11 =	smov.u32 s15;
	[sflag:s14] =	ssyncadd.s32 @!p0 $0xFFFFFE20  }
.LBB2_1:
0x21: {  	p0 =	sge.u32 s12, s7  }
0x22: {  	s14 =	sxor.u32 @!p0 $0x1, s12  }
0x23: {  	s14 =	smul.u32 @!p0 $0x780, s14  }
0x24: {  	s31 =	sadd.s32 $0xFFFFFFFF, s12;
	s15 =	sshrl.u32 @!p0 s11, $0x3  }
0x25: {  	s16 =	sand.u32 @!p0 $0x7, s11;
	s15 =	sadd.s32 @!p0 s3, s15;
	s14 =	sshra.s32 @!p0 s14, $0x2  }
0x26: {  	[tilespmem:s14], [sflag:$0x2] =	stream.linear.gather @!p0 [hbm4b:s15+s16], $0x1E0, $0x38;
	[tilespmem:$0x780] =	vst v63  }
0x27: {  	p0 =	sge.u32 s31, s7  }
.Ltmp2:
0x28: {  	_ = 	snop;
	(pc) =	sbr.rel @p0 .LBB2_5-.Ltmp2, $1  }
0x29: {  	_ =	sdelay $0x3  }
0x2a: {  	s14 =	sand.u32 $0x1, s12  }
0x2b: {  	_ =	swait.ge [sflag:s6], $0x1E0;
	p0 =	seq.s32 s14, $0x1;
	s14 =	simm.s32 $0x1E0  }
0x2c: {  	[sflag:s6] =	ssyncset.done $0x0;
	s14 =	simm.s32 @!p0 $0x0  }
0x2d: {  	[sflag:s6] =	ssyncadd.s32 $0xFFFFFE20;
	(ifvalue) =	ssetifvalue $0x7FFFFFFF;
	v0 =	vld.msk [tilespmem:s14+$0x0 ss:$0x1], $0xffff;
	_ =	sdelay $0x4  }
0x2e: {  	s15 =	sadd.s32 $0x10, s14;
	vm1 =	vgt.s32 v0, $0x0  }
0x2f: {  	v2 =	vld.msk [tilespmem:s15+$0x0 ss:$0x1], $0xffff;
	v1 =	vnsel vm1, $0x0, v0  }
0x30: {  	v1 =	vmin.u32 v1, $0x62E07F;
	_ =	sdelay $0x2  }
0x31: {  	s17 =	simm.s32 $0x20;
	s14 =	sadd.s32 $0x3C0, s14;
	s16 =	sadd.s32 $0x10, s15  }
0x32: {  	s15 =	sadd.s32 $0x10, s14;
	s18 =	smov.u32 s14;
	v0 =	vld.msk [tilespmem:s16+$0x0 ss:$0x1], $0xffff;
	vm1 =	vgt.s32 v2, $0x0;
	(ifvalue) =	ssetifvalue $0x7FFFFFFF  }
.LBB2_3:
0x33: {  	[tilespmem:s18], [sflag:$0x1] =	stream.indirect_vreg.gather [hbm4b:s2+s10], $0x1, v1, vm0, $0x4038;
	[tilespmem:$0x780] =	vst v63  }
0x34: {  	s17 =	sadd.s32 $0x10, s17  }
0x35: {  	v2 =	vnsel vm1, $0x0, v2;
	p0 =	slt.u32 s17, $0x1D0  }
.Ltmp3:
0x36: {  	s18 =	smov.u32 s15;
	v1 =	vmin.u32 v2, $0x62E07F;
	(pc) =	sbr.rel @p0 .LBB2_3-.Ltmp3, $3  }
0x37: {  	_ =	sdelay $0x1  }
0x38: {  	s16 =	sadd.s32 $0x10, s16  }
0x39: {  	vm1 =	vgt.s32 v0, $0x0;
	s15 =	sadd.s32 $0x10, s15;
	v2 =	vmov v0;
	(ifvalue) =	ssetifvalue $0x7FFFFFFF;
	v0 =	vld.msk [tilespmem:s16+$0x0 ss:$0x1], $0xffff  }
.Ltmp4:
0x3a: {  	_ = 	snop;
	(pc) =	sbr.rel .LBB2_4-.Ltmp4, $1  }
0x3b: {  	_ =	sdelay $0x3  }
.LBB2_6:
0x3c: {  	_ =	sfence.sel $0x180000  }
0x3d: {  	s2 =	simm.s32 $0x2;
	[bflag:$0x0] =	sbarrier.arrive $0xFFFF  }
0x3e: {  	s30 =	simm.s32 $0x3;
	[sflag:s2] =	ssyncpa.u1 $0x1  }
0x3f: {  	s31 =	simm.s32 $0x1;
	[sflag:s30] =	ssyncpa.u1 $0x1  }
0x40: {  	[sflag:s31] =	ssyncpa.u1 $0x1  }
0x41: {  	p0 =	sne.s32 s1, $0x0;
	_ =	strace $0x90000059  }
0x42: {  	s0 =	sadd.s32 @!p0 $0x100000, s0;
	[bflag:$0x2] =	sbarrier.arrive $0xFFFF  }
0x43: {  	[sflag:s0] =	ssyncadd.tile.s32 @!p0 $0x1;
	_ =	shalt  }
.Lfunc_end2:
_tile_overlayer_lowered:
.L_overlay_start_2:
0x44: {  	(tag) =	ssettag $0x2  }
0x45: {  	s0 =	rddreg [dreg:$0x0];
	s2 =	stileid.u32  }
0x46: {  	s1 =	rddreg [dreg:$0x1];
	p0 =	sne.s32 s2, $0x0  }
0x47: {  	s3 =	rddreg [dreg:$0x2];
	[bflag:$0x3] =	sbarrier.arrive $0xFFFF;
	s2 =	simm.s32 @!p0 $0x1C01  }
0x48: {  	[timem:s3], [sflag:s2] =	dma.local @!p0 [hbm:s0], s1  }
0x49: {  	s0 =	simm.s32 @!p0 $0x1  }
0x4a: {  	_ =	swait.ge @!p0 [sflag:s0], s1  }
0x4b: {  	s1 =	ssub.s32 @!p0 $0x0, s1;
	[sflag:s0] =	ssyncset.done @!p0 $0x0  }
0x4c: {  	[sflag:s0] =	ssyncadd.s32 @!p0 s1  }
0x4d: {  	[bflag:$0x3] =	sbarrier.arrive $0xFFFF  }
0x4e: {  	_ =	shalt  }

// kernel: gather_offload_async_start.8
scs
__scs_entry_jumppad:
0x0: {  	(pc) =	sbr.rel $0x88, $3  }
0x1: {  	(tag) =	ssettag $0x0;
	lr =	simm.s32 $0x1  }
0x2: {  	[smem:$0x3F9E] =	sst lr;
	_ =	strace $0xD0000000  }
0x3: {  	_ = 	snop  }
0x4: {  	_ = 	snop  }
0x5: {  	_ = 	snop  }
0x6: {  	_ = 	snop  }
0x7: {  	_ = 	snop  }
__scs_overlays_trampoline_lowered:
0x8: {  	[smem:$0x3FAD] =	sst s0  }
0x9: {  	[smem:$0x3FAE] =	sst s1  }
0xa: {  	[smem:$0x3FAF] =	sst s2  }
0xb: {  	[smem:$0x3FB0] =	sst s3  }
0xc: {  	[smem:$0x3FB1] =	sst s4  }
0xd: {  	[smem:$0x3FB2] =	sst s5  }
0xe: {  	[smem:$0x3FB3] =	sst s6  }
0xf: {  	[smem:$0x3FB4] =	sst s7  }
0x10: {  	[smem:$0x3FB5] =	sst s8  }
0x11: {  	[smem:$0x3FB6] =	sst s9;
	s0 =	simm.s32 @!p0 $0x0  }
0x12: {  	s1 =	sld [smem:$0x3F9C];
	s0 =	simm.s32 @p0 $0x1  }
0x13: {  	[smem:$0x3FB7] =	sst s0;
	s0 =	simm.s32 @!p1 $0x0  }
0x14: {  	s2 =	sld [smem:$0x3F9B];
	s0 =	simm.s32 @p1 $0x1  }
0x15: {  	[smem:$0x3FB8] =	sst s0;
	s0 =	simm.s32 @!p2 $0x0  }
0x16: {  	s3 =	sld [smem:$0x3FDB];
	s0 =	simm.s32 @p2 $0x1  }
0x17: {  	s4 =	simm.s32 $0x1BF5;
	[smem:$0x3FBA] =	sst s0  }
0x18: {  	s0 =	sld [smem:$0x3F9D];
	_ =	swait.ge [sflag:s4], $0x0  }
0x19: {  	s7 =	sld [smem:$0x3F9E]  }
0x1a: {  	s8 =	sadd.s32 $0xFFFFE003, lr  }
0x1b: {  	s9 =	sadd.s32 $0xFFFFFEF7, lr;
	s5 =	simm.s32 $0xFFFFFFFF;
	p2 =	slt.u32 s8, $0xFFFFF086  }
0x1c: {  	p1 =	slt.u32 s9, $0xF7A;
	s5 =	simm.s32 @!p2 $0x0  }
0x1d: {  	s5 =	simm.s32 @p1 $0x1;
	p0 =	seq.s32 s7, s2  }
0x1e: {  	s7 =	smul.u32 @!p0 $0xF7A, s2;
	p2 =	seq.s32 @!p0 s5, $0x0  }
0x1f: {  	s9 =	smul.u32 $0xF7A, s1;
	s8 =	simm.s32 @!p0 $0x1BF5;
	p2 =	por !p2, p0  }
0x20: {  	[sflag:s8] =	ssyncset.s32 @!p0 $0xFFFFF086;
	s6 =	sadd.s32 @!p0 s3, s7;
	s7 =	simm.s32 @!p0 $0x108  }
0x21: {  	s3 =	sadd.s32 s3, s9;
	s6 =	sadd.s32 @!p0 $0x88, s6;
	s7 =	simm.s32 @p2 $0x1082  }
0x22: {  	[simem:s7], [sflag:s8] =	dma.local @!p0 [hbm:s6], $0xF7A  }
0x23: {  	s9 =	sor.u32 $0xD0000000, s2;
	s6 =	simm.s32 $0x108;
	_ =	swait.ge @!p0 [sflag:s8], $0x0  }
0x24: {  	s3 =	sadd.s32 $0x88, s3;
	s6 =	simm.s32 @!p1 $0x1082;
	[sflag:s4] =	ssyncset.s32 $0xFFFFF086  }
0x25: {  	[simem:s6], [sflag:s4] =	dma.local [hbm:s3], $0xF7A  }
0x26: {  	[smem:$0x3F9E] =	sst s1;
	(tag) =	ssettag s2;
	_ =	strace s9  }
0x27: {  	s1 =	sld [smem:$0x3FAE]  }
0x28: {  	s2 =	sld [smem:$0x3FAF]  }
0x29: {  	s4 =	sld [smem:$0x3FB1]  }
0x2a: {  	p0 =	seq.s32 s5, $0x0;
	s5 =	sld [smem:$0x3FB2]  }
0x2b: {  	s6 =	sld [smem:$0x3FB3]  }
0x2c: {  	s7 =	sld [smem:$0x3FB4]  }
0x2d: {  	s3 =	simm.s32 $0x108;
	s8 =	sld [smem:$0x3FB5]  }
0x2e: {  	s3 =	simm.s32 @!p0 $0x1082;
	s9 =	sld [smem:$0x3FB6]  }
0x2f: {  	lr =	sadd.s32 s0, s3;
	s0 =	sld [smem:$0x3FAD]  }
0x30: {  	s3 =	sld [smem:$0x3FB0]  }
0x31: {  	[smem:$0x3FB9] =	sst s10  }
0x32: {  	s10 =	sld [smem:$0x3FB7];
	_ =	sdelay $0x3  }
0x33: {  	p0 =	seq.s32 s10, $0x1;
	s10 =	sld [smem:$0x3FB9];
	_ =	sdelay $0x3  }
0x34: {  	[smem:$0x3FB9] =	sst s10  }
0x35: {  	s10 =	sld [smem:$0x3FB8];
	_ =	sdelay $0x3  }
0x36: {  	p1 =	seq.s32 s10, $0x1;
	s10 =	sld [smem:$0x3FB9];
	_ =	sdelay $0x3  }
0x37: {  	[smem:$0x3FB9] =	sst s10  }
0x38: {  	s10 =	sld [smem:$0x3FBA]  }
0x39: {  	_ = 	snop;
	(pc) =	sbr.ind lr, $3  }
0x3a: {  	_ = 	snop  }
0x3b: {  	_ = 	snop  }
0x3c: {  	p2 =	seq.s32 s10, $0x1;
	s10 =	sld [smem:$0x3FB9]  }
0x3d: {  	_ =	shalt  }
0x3e: {  	_ =	shalt  }
0x3f: {  	_ =	shalt  }
0x40: {  	_ =	shalt  }
0x41: {  	_ =	shalt  }
0x42: {  	_ =	shalt  }
0x43: {  	_ =	shalt  }
0x44: {  	_ =	shalt  }
0x45: {  	_ =	shalt  }
0x46: {  	_ =	shalt  }
0x47: {  	_ =	shalt  }
0x48: {  	_ =	shalt  }
0x49: {  	_ =	shalt  }
0x4a: {  	_ =	shalt  }
0x4b: {  	_ =	shalt  }
0x4c: {  	_ =	shalt  }
0x4d: {  	_ =	shalt  }
0x4e: {  	_ =	shalt  }
0x4f: {  	_ =	shalt  }
0x50: {  	_ =	shalt  }
0x51: {  	_ =	shalt  }
0x52: {  	_ =	shalt  }
0x53: {  	_ =	shalt  }
0x54: {  	_ =	shalt  }
0x55: {  	_ =	shalt  }
0x56: {  	_ =	shalt  }
0x57: {  	_ =	shalt  }
0x58: {  	_ =	shalt  }
0x59: {  	_ =	shalt  }
0x5a: {  	_ =	shalt  }
0x5b: {  	_ =	shalt  }
0x5c: {  	_ =	shalt  }
0x5d: {  	_ =	shalt  }
0x5e: {  	_ =	shalt  }
0x5f: {  	_ =	shalt  }
0x60: {  	_ =	shalt  }
0x61: {  	_ =	shalt  }
0x62: {  	_ =	shalt  }
0x63: {  	_ =	shalt  }
0x64: {  	_ =	shalt  }
0x65: {  	_ =	shalt  }
0x66: {  	_ =	shalt  }
0x67: {  	_ =	shalt  }
0x68: {  	_ =	shalt  }
0x69: {  	_ =	shalt  }
0x6a: {  	_ =	shalt  }
0x6b: {  	_ =	shalt  }
0x6c: {  	_ =	shalt  }
0x6d: {  	_ =	shalt  }
0x6e: {  	_ =	shalt  }
0x6f: {  	_ =	shalt  }
0x70: {  	_ =	shalt  }
0x71: {  	_ =	shalt  }
0x72: {  	_ =	shalt  }
0x73: {  	_ =	shalt  }
0x74: {  	_ =	shalt  }
0x75: {  	_ =	shalt  }
0x76: {  	_ =	shalt  }
0x77: {  	_ =	shalt  }
0x78: {  	_ =	shalt  }
0x79: {  	_ =	shalt  }
0x7a: {  	_ =	shalt  }
0x7b: {  	_ =	shalt  }
0x7c: {  	_ =	shalt  }
0x7d: {  	_ =	shalt  }
0x7e: {  	_ =	shalt  }
0x7f: {  	_ =	shalt  }
0x80: {  	_ =	shalt  }
0x81: {  	_ =	shalt  }
0x82: {  	_ =	shalt  }
0x83: {  	_ =	shalt  }
0x84: {  	_ =	shalt  }
0x85: {  	_ =	shalt  }
0x86: {  	_ =	shalt  }
0x87: {  	_ =	shalt  }
.Lfunc_end0:
.L_simem_size_0:
called_computation.8_lowered:
.L_overlay_start_0:
0x88: {  	s2 =	sld [smem:$0x3FD9]  }
0x89: {  	s3 =	sld [smem:$0x3FFE];
	_ =	sdelay $0x1  }
0x8a: {  	s1 =	srdreg.scid  }
0x8b: {  	s0 =	sand.u32 $0x1, s1  }
0x8c: {  	s16 =	sshll.u32 s0, $0xA;
	s2 =	sadd.s32 s3, s2  }
0x8d: {  	s2 =	sadd.s32 s2, s16  }
0x8e: {  	[smem:$0x3FC5] =	sst s2  }
0x8f: {  	_ = 	snop  }
0x90: {  	(tm) =	ssettm $0x1  }
0x91: {  	s17 =	sld [smem:$0x3FFB];
	_ =	sdelay $0x3  }
0x92: {  	_ =	strace s17  }
0x93: {  	s2 =	sld [smem:$0x3FFC];
	_ =	sdelay $0x3  }
0x94: {  	_ =	strace s2  }
0x95: {  	s2 =	sld [smem:$0x3FFD];
	_ =	sdelay $0x3  }
0x96: {  	_ =	strace s2  }
0x97: {  	_ =	strace $0x8FFFFFFF  }
0x98: {  	s18 =	sld [smem:$0x3FDB];
	_ =	sdelay $0x1  }
0x99: {  	s19 =	simm.s32 $_scs_section_size  }
0x9a: {  	s4 =	simm.s32 $_size__tile_overlayer_lowered;
	s5 =	simm.s32 $_tile_overlayer_lowered  }
0x9b: {  	s22 =	simm.s32 $0x1BFF;
	s21 =	sshll.u32 s5, $0x1;
	s2 =	sadd.s32 s19, s18  }
0x9c: {  	s6 =	simm.s32 $0x0;
	s20 =	sshll.u32 s4, $0x1;
	s4 =	sadd.s32 s21, s2  }
0x9d: {  	[timem:s6], [sflag:s22] =	dma.local [hbm:s4], s20  }
0x9e: {  	_ =	swait.ge [sflag:s22], s20  }
0x9f: {  	s3 =	ssub.s32 $0x0, s20;
	[sflag:s22] =	ssyncset.done $0x0  }
0xa0: {  	[sflag:s22] =	ssyncadd.s32 s3;
	_ =	sdelay $0x1  }
0xa1: {  	s23 =	simm.s32 $0x1B8B  }
0xa2: {  	_ =	swait.ge [sflag:s23], $0x1  }
0xa3: {  	[sflag:s23] =	ssyncset.done $0x0  }
0xa4: {  	s25 =	simm.s32 $0x1B8E;
	s24 =	sld [smem:$0x3FFE];
	[sflag:s23] =	ssyncadd.s32 $0xFFFFFFFF  }
0xa5: {  	s26 =	simm.s32 $execute0_lowered;
	[smem:$0x3FD2] =	sst s25  }
0xa6: {  	s4 =	sshll.u32 s26, $0x1;
	_ =	strace $0x80000049;
	[dreg:$0x1] =	wrdreg $0xFFFFFFFF  }
0xa7: {  	s28 =	simm.s32 $_size_execute0_lowered;
	s2 =	sadd.s32 s2, s4;
	[dreg:$0x0] =	wrdreg $0x0  }
0xa8: {  	s4 =	sshll.u32 s28, $0x1;
	[dreg:$0x2] =	wrdreg s2  }
0xa9: {  	[dreg:$0x3] =	wrdreg s4  }
0xaa: {  	[dreg:$0x4] =	wrdreg $0xC0  }
0xab: {  	_ =	task [dreg:s6], $0x5FFFF  }
0xac: {  	[dreg:$0x1] =	wrdreg $0xFFFFFFFF  }
0xad: {  	[dreg:$0x0] =	wrdreg $0x60  }
0xae: {  	[dreg:$0x2] =	wrdreg s24  }
0xaf: {  	[dreg:$0x3] =	wrdreg $0x9  }
0xb0: {  	_ =	task.clear_ibuf [dreg:s6], $0x4FFFF;
	_ =	strace $0x90000049  }
0xb1: {  	s29 =	simm.s32 $0x9;
	_ =	strace $0x8000004B  }
0xb2: {  	_ =	swait.ge [sflag:s29], $0x1  }
0xb3: {  	[sflag:s29] =	ssyncadd.s32 $0xFFFFFFFF  }
0xb4: {  	_ =	strace $0x9000004B  }
0xb5: {  	_ =	sfence  }
0xb6: {  	s30 =	sld [smem:$0x0];
	_ =	sdelay $0x2  }
0xb7: {  	s31 =	sshll.u32 s1, $0xD;
	s1 =	sshrl.u32 s1, $0x2  }
0xb8: {  	s3 =	sand.u32 $0x4000, s31;
	s1 =	sadd.s32 s1, s30  }
0xb9: {  	s0 =	sor.u32 s3, s0;
	s1 =	sshll.u32 s1, $0x11  }
0xba: {  	s0 =	sor.u32 s1, s0  }
0xbb: {  	s0 =	sadd.s32 $0x8F2B, s0  }
0xbc: {  	[sflag:s0] =	ssyncadd.remote.s32 $0x1  }
0xbd: {  	_ =	sfence.sel $0xFFFF  }
0xbe: {  	[dreg:$0x0] =	wrdreg $0xFFFFFFFF;
	(pc) =	sbr.abs _section_cstart, $3  }
0xbf: {  	[dreg:$0x1] =	wrdreg $0xFFFFFFFF  }
0xc0: {  	_ =	task.clear_ibuf [dreg:s6], $0x2FFFF;
	_ =	strace $0x9FFFFFFF  }
0xc1: {  	(tm) =	ssettm $0x7FFFFFFF  }
tec
execute0_lowered:
.L_overlay_start_1:
0x0: {  	(tag) =	ssettag $0x1  }
0x1: {  	s8 =	rddreg [dreg:$0x0]  }
0x2: {  	s0 =	rddreg [dreg:$0x1];
	_ =	strace $0x8000004A;
	s1 =	stileid.u32  }
0x3: {  	s3 =	srdreg.scid;
	s4 =	simm.s32 $0x1;
	s7 =	simm.s32 $0x1  }
0x4: {  	s9 =	simm.s32 $0x1;
	s10 =	simm.s32 $0x3;
	s13 =	simm.s32 $0x0  }
0x5: {  	s12 =	simm.s32 $0x0;
	s5 =	sand.u32 $0x1, s3;
	s6 =	sshll.u32 s1, $0x1  }
0x6: {  	s2 =	sadd.s32 $0x39E00, s8;
	s3 =	sadd.s32 $0x1000, s8;
	s5 =	sor.u32 s6, s5  }
.Ltmp0:
0x7: {  	[sflag:s4] =	ssyncpa.u1 $0x0;
	p0 =	slt.u32 s5, $0x13;
	(pc) =	sbr.rel .LBB2_1-.Ltmp0, $4  }
0x8: {  	s6 =	simm.s32 $0x2;
	s7 =	simm.s32 @!p0 $0x0;
	p0 =	sne.s32 s5, $0x12  }
0x9: {  	[sflag:s6] =	ssyncpa.u1 $0x0;
	s5 =	smul.u32 $0x1E0, s5;
	s9 =	simm.s32 @!p0 $0x0  }
0xa: {  	s8 =	sadd.s32 $0x1C00, s8;
	[sflag:s10] =	ssyncpa.u1 $0x0;
	s7 =	sadd.s32 s9, s7  }
0xb: {  	vm0 =	vmmov $0xffff;
	s10 =	simm.s32 $0x0;
	s11 =	smov.u32 s5;
	s9 =	sadd.s32 $0x1, s7  }
.LBB2_4:
0xc: {  	vm1 =	veq.s32 v0, $0x80000000;
	v63 =	vand.u32 $0x7F, v0;
	v2 =	vand.u32 $0x3FF, v2  }
0xd: {  	v0 =	vsel vm1, $0xFFFFFFFF, v63;
	v2 =	vsel vm1, $0xFFFFFFFF, v2  }
0xe: {  	v3 =	vshll.u32 v0, $0xA;
	v4 =	vshll.u32 v2, $0x3  }
0xf: {  	v0 =	vshll.u32 v0, $0x7;
	v3 =	vand.u32 $0xFFFFE000, v3;
	v4 =	vand.u32 $0xFFFFFC00, v4  }
0x10: {  	v0 =	vand.u32 $0x380, v0;
	v3 =	vadd.s32 v3, v4  }
0x11: {  	v2 =	vand.u32 $0x7F, v2;
	v0 =	vor.u32 v0, v3  }
0x12: {  	v0 =	vor.u32 v2, v0;
	_ =	sdelay $0x1  }
0x13: {  	(ifvalue) =	ssetifvalue $0x7FFFFFFF;
	s15 =	sadd.s32 $0x10, s15  }
0x14: {  	[tilespmem:s15], [sflag:$0x1] =	stream.indirect_vreg.gather [hbm4b:s2+s10], $0x1, v1, vm0, $0x4038;
	[tilespmem:$0x780] =	vst v63  }
0x15: {  	(ifvalue) =	ssetifvalue $0x7FFFFFFF;
	s15 =	sadd.s32 $0x10, s15  }
0x16: {  	[tilespmem:s15], [sflag:$0x1] =	stream.indirect_vreg.gather [hbm4b:s2+s10], $0x1, v0, vm0, $0x4038;
	[tilespmem:$0x780] =	vst v63  }
0x17: {  	_ =	swait.ge [sflag:s4], $0x1E0  }
0x18: {  	s30 =	sshrl.u32 s13, $0x3;
	[sflag:s4] =	ssyncset.done $0x0  }
0x19: {  	s31 =	sand.u32 $0x7, s13;
	s15 =	sadd.s32 s8, s30;
	[sflag:s4] =	ssyncadd.s32 $0xFFFFFE20  }
0x1a: {  	[hbm4b:s15+s31] =	stream.linear.scatter [tilespmem:s14], [sflag:$0x3], $0x1E0, $0x38;
	[tilespmem:$0x780] =	vst v63  }
.LBB2_5:
0x1b: {  	s15 =	sadd.s32 $0x3C00, s11  }
0x1c: {  	p1 =	sgt.s32 s15, $0x5DBF  }
0x1d: {  	s15 =	smov.u32 @p1 s5;
	p1 =	sne.s32 s12, s9  }
.Ltmp1:
0x1e: {  	p0 =	slt.u32 s12, $0x2;
	(pc) =	sbr.rel @!p1 .LBB2_6-.Ltmp1, $4  }
0x1f: {  	s14 =	simm.s32 @!p0 $0x3  }
0x20: {  	_ =	swait.ge @!p0 [sflag:s14], $0x1E0  }
0x21: {  	s16 =	sadd.s32 $0x1, s12;
	s13 =	smov.u32 s11;
	[sflag:s14] =	ssyncset.done @!p0 $0x0  }
0x22: {  	s12 =	smov.u32 s16;
	s11 =	smov.u32 s15;
	[sflag:s14] =	ssyncadd.s32 @!p0 $0xFFFFFE20  }
.LBB2_1:
0x23: {  	p0 =	sge.u32 s12, s7  }
0x24: {  	s14 =	sxor.u32 @!p0 $0x1, s12  }
0x25: {  	s14 =	smul.u32 @!p0 $0x780, s14  }
0x26: {  	s31 =	sadd.s32 $0xFFFFFFFF, s12;
	s15 =	sshrl.u32 @!p0 s11, $0x3  }
0x27: {  	s16 =	sand.u32 @!p0 $0x7, s11;
	s15 =	sadd.s32 @!p0 s3, s15;
	s14 =	sshra.s32 @!p0 s14, $0x2  }
0x28: {  	[tilespmem:s14], [sflag:$0x2] =	stream.linear.gather @!p0 [hbm4b:s15+s16], $0x1E0, $0x38;
	[tilespmem:$0x780] =	vst v63  }
0x29: {  	p0 =	sge.u32 s31, s7  }
.Ltmp2:
0x2a: {  	_ = 	snop;
	(pc) =	sbr.rel @p0 .LBB2_5-.Ltmp2, $1  }
0x2b: {  	_ =	sdelay $0x3  }
0x2c: {  	s14 =	sand.u32 $0x1, s12  }
0x2d: {  	_ =	swait.ge [sflag:s6], $0x1E0;
	p0 =	seq.s32 s14, $0x1;
	s14 =	simm.s32 $0x1E0  }
0x2e: {  	[sflag:s6] =	ssyncset.done $0x0;
	s14 =	simm.s32 @!p0 $0x0  }
0x2f: {  	[sflag:s6] =	ssyncadd.s32 $0xFFFFFE20;
	(ifvalue) =	ssetifvalue $0x7FFFFFFF;
	v0 =	vld.msk [tilespmem:s14+$0x0 ss:$0x1], $0xffff;
	_ =	sdelay $0x3  }
0x30: {  	s15 =	sadd.s32 $0x10, s14  }
0x31: {  	v2 =	vld.msk [tilespmem:s15+$0x0 ss:$0x1], $0xffff;
	v1 =	vshrl.u32 v0, $0x7  }
0x32: {  	vm1 =	veq.s32 v0, $0x80000000;
	v0 =	vand.u32 $0x7F, v0;
	v1 =	vand.u32 $0x3FF, v1  }
0x33: {  	v0 =	vsel vm1, $0xFFFFFFFF, v0;
	v1 =	vsel vm1, $0xFFFFFFFF, v1  }
0x34: {  	v3 =	vshll.u32 v0, $0xA;
	v4 =	vshll.u32 v1, $0x3  }
0x35: {  	v0 =	vshll.u32 v0, $0x7;
	v3 =	vand.u32 $0xFFFFE000, v3;
	v4 =	vand.u32 $0xFFFFFC00, v4  }
0x36: {  	vm1 =	veq.s32 v2, $0x80000000;
	v0 =	vand.u32 $0x380, v0;
	v3 =	vadd.s32 v3, v4  }
0x37: {  	v1 =	vand.u32 $0x7F, v1;
	v0 =	vor.u32 v0, v3;
	v3 =	vshrl.u32 v2, $0x7  }
0x38: {  	s15 =	sadd.s32 $0x10, s15;
	v2 =	vand.u32 $0x7F, v2;
	v1 =	vor.u32 v1, v0;
	v3 =	vand.u32 $0x3FF, v3  }
0x39: {  	v0 =	vld.msk [tilespmem:s15+$0x0 ss:$0x1], $0xffff;
	v2 =	vsel vm1, $0xFFFFFFFF, v2;
	v3 =	vsel vm1, $0xFFFFFFFF, v3  }
0x3a: {  	v63 =	vshll.u32 v2, $0xA;
	v5 =	vshll.u32 v3, $0x3  }
0x3b: {  	v2 =	vshll.u32 v2, $0x7;
	v4 =	vand.u32 $0xFFFFE000, v63;
	v5 =	vand.u32 $0xFFFFFC00, v5  }
0x3c: {  	s14 =	sadd.s32 $0x3C0, s14;
	(ifvalue) =	ssetifvalue $0x7FFFFFFF;
	v2 =	vand.u32 $0x380, v2;
	v4 =	vadd.s32 v4, v5  }
0x3d: {  	[tilespmem:s14], [sflag:$0x1] =	stream.indirect_vreg.gather [hbm4b:s2+s10], $0x1, v1, vm0, $0x4038;
	v1 =	vand.u32 $0x7F, v3;
	v3 =	vor.u32 v2, v4;
	[tilespmem:$0x780] =	vst v63  }
0x3e: {  	s16 =	simm.s32 $0x20;
	s17 =	sadd.s32 $0x10, s15;
	s15 =	smov.u32 s14;
	v2 =	vshrl.u32 v0, $0x7;
	v1 =	vor.u32 v1, v3  }
.LBB2_3:
0x3f: {  	s16 =	sadd.s32 $0x10, s16;
	vm1 =	veq.s32 v0, $0x80000000;
	v3 =	vand.u32 $0x7F, v0;
	v0 =	vld.msk [tilespmem:s17+$0x0 ss:$0x1], $0xffff;
	v2 =	vand.u32 $0x3FF, v2  }
0x40: {  	p0 =	slt.u32 s16, $0x1D0;
	v3 =	vsel vm1, $0xFFFFFFFF, v3;
	v2 =	vsel vm1, $0xFFFFFFFF, v2  }
.Ltmp3:
0x41: {  	v4 =	vshll.u32 v3, $0xA;
	v5 =	vshll.u32 v2, $0x3;
	(pc) =	sbr.rel @p0 .LBB2_3-.Ltmp3, $4  }
0x42: {  	s15 =	sadd.s32 $0x10, s15;
	v3 =	vshll.u32 v3, $0x7;
	v4 =	vand.u32 $0xFFFFE000, v4;
	v5 =	vand.u32 $0xFFFFFC00, v5;
	(ifvalue) =	ssetifvalue $0x7FFFFFFF  }
0x43: {  	v3 =	vand.u32 $0x380, v3;
	v4 =	vadd.s32 v4, v5;
	[tilespmem:s15], [sflag:$0x1] =	stream.indirect_vreg.gather [hbm4b:s2+s10], $0x1, v1, vm0, $0x4038;
	[tilespmem:$0x780] =	vst v63  }
0x44: {  	v1 =	vand.u32 $0x7F, v2;
	v3 =	vor.u32 v3, v4  }
0x45: {  	s17 =	sadd.s32 $0x10, s17;
	v2 =	vshrl.u32 v0, $0x7;
	v1 =	vor.u32 v1, v3  }
.Ltmp4:
0x46: {  	_ = 	snop;
	(pc) =	sbr.rel .LBB2_4-.Ltmp4, $1  }
0x47: {  	_ =	sdelay $0x3  }
.LBB2_6:
0x48: {  	_ =	sfence.sel $0x180000  }
0x49: {  	s2 =	simm.s32 $0x2;
	[bflag:$0x0] =	sbarrier.arrive $0xFFFF  }
0x4a: {  	s30 =	simm.s32 $0x3;
	[sflag:s2] =	ssyncpa.u1 $0x1  }
0x4b: {  	s31 =	simm.s32 $0x1;
	[sflag:s30] =	ssyncpa.u1 $0x1  }
0x4c: {  	[sflag:s31] =	ssyncpa.u1 $0x1  }
0x4d: {  	p0 =	sne.s32 s1, $0x0;
	_ =	strace $0x9000004A  }
0x4e: {  	s0 =	sadd.s32 @!p0 $0x100000, s0;
	[bflag:$0x2] =	sbarrier.arrive $0xFFFF  }
0x4f: {  	[sflag:s0] =	ssyncadd.tile.s32 @!p0 $0x1;
	_ =	shalt  }
.Lfunc_end2:
_tile_overlayer_lowered:
.L_overlay_start_2:
0x50: {  	(tag) =	ssettag $0x2  }
0x51: {  	s0 =	rddreg [dreg:$0x0];
	s2 =	stileid.u32  }
0x52: {  	s1 =	rddreg [dreg:$0x1];
	p0 =	sne.s32 s2, $0x0  }
0x53: {  	s3 =	rddreg [dreg:$0x2];
	[bflag:$0x3] =	sbarrier.arrive $0xFFFF;
	s2 =	simm.s32 @!p0 $0x1C01  }
0x54: {  	[timem:s3], [sflag:s2] =	dma.local @!p0 [hbm:s0], s1  }
0x55: {  	s0 =	simm.s32 @!p0 $0x1  }
0x56: {  	_ =	swait.ge @!p0 [sflag:s0], s1  }
0x57: {  	s1 =	ssub.s32 @!p0 $0x0, s1;
	[sflag:s0] =	ssyncset.done @!p0 $0x0  }
0x58: {  	[sflag:s0] =	ssyncadd.s32 @!p0 s1  }
0x59: {  	[bflag:$0x3] =	sbarrier.arrive $0xFFFF  }
0x5a: {  	_ =	shalt  }

// kernel: gather_offload_async_start
scs
__scs_entry_jumppad:
0x0: {  	(pc) =	sbr.rel $0x88, $3  }
0x1: {  	(tag) =	ssettag $0x0;
	lr =	simm.s32 $0x1  }
0x2: {  	[smem:$0x3F9E] =	sst lr;
	_ =	strace $0xD0000000  }
0x3: {  	_ = 	snop  }
0x4: {  	_ = 	snop  }
0x5: {  	_ = 	snop  }
0x6: {  	_ = 	snop  }
0x7: {  	_ = 	snop  }
__scs_overlays_trampoline_lowered:
0x8: {  	[smem:$0x3FAD] =	sst s0  }
0x9: {  	[smem:$0x3FAE] =	sst s1  }
0xa: {  	[smem:$0x3FAF] =	sst s2  }
0xb: {  	[smem:$0x3FB0] =	sst s3  }
0xc: {  	[smem:$0x3FB1] =	sst s4  }
0xd: {  	[smem:$0x3FB2] =	sst s5  }
0xe: {  	[smem:$0x3FB3] =	sst s6  }
0xf: {  	[smem:$0x3FB4] =	sst s7  }
0x10: {  	[smem:$0x3FB5] =	sst s8  }
0x11: {  	[smem:$0x3FB6] =	sst s9;
	s0 =	simm.s32 @!p0 $0x0  }
0x12: {  	s1 =	sld [smem:$0x3F9C];
	s0 =	simm.s32 @p0 $0x1  }
0x13: {  	[smem:$0x3FB7] =	sst s0;
	s0 =	simm.s32 @!p1 $0x0  }
0x14: {  	s2 =	sld [smem:$0x3F9B];
	s0 =	simm.s32 @p1 $0x1  }
0x15: {  	[smem:$0x3FB8] =	sst s0;
	s0 =	simm.s32 @!p2 $0x0  }
0x16: {  	s3 =	sld [smem:$0x3FDB];
	s0 =	simm.s32 @p2 $0x1  }
0x17: {  	s4 =	simm.s32 $0x1BF5;
	[smem:$0x3FBA] =	sst s0  }
0x18: {  	s0 =	sld [smem:$0x3F9D];
	_ =	swait.ge [sflag:s4], $0x0  }
0x19: {  	s7 =	sld [smem:$0x3F9E]  }
0x1a: {  	s8 =	sadd.s32 $0xFFFFE003, lr  }
0x1b: {  	s9 =	sadd.s32 $0xFFFFFEF7, lr;
	s5 =	simm.s32 $0xFFFFFFFF;
	p2 =	slt.u32 s8, $0xFFFFF086  }
0x1c: {  	p1 =	slt.u32 s9, $0xF7A;
	s5 =	simm.s32 @!p2 $0x0  }
0x1d: {  	s5 =	simm.s32 @p1 $0x1;
	p0 =	seq.s32 s7, s2  }
0x1e: {  	s7 =	smul.u32 @!p0 $0xF7A, s2;
	p2 =	seq.s32 @!p0 s5, $0x0  }
0x1f: {  	s9 =	smul.u32 $0xF7A, s1;
	s8 =	simm.s32 @!p0 $0x1BF5;
	p2 =	por !p2, p0  }
0x20: {  	[sflag:s8] =	ssyncset.s32 @!p0 $0xFFFFF086;
	s6 =	sadd.s32 @!p0 s3, s7;
	s7 =	simm.s32 @!p0 $0x108  }
0x21: {  	s3 =	sadd.s32 s3, s9;
	s6 =	sadd.s32 @!p0 $0x88, s6;
	s7 =	simm.s32 @p2 $0x1082  }
0x22: {  	[simem:s7], [sflag:s8] =	dma.local @!p0 [hbm:s6], $0xF7A  }
0x23: {  	s9 =	sor.u32 $0xD0000000, s2;
	s6 =	simm.s32 $0x108;
	_ =	swait.ge @!p0 [sflag:s8], $0x0  }
0x24: {  	s3 =	sadd.s32 $0x88, s3;
	s6 =	simm.s32 @!p1 $0x1082;
	[sflag:s4] =	ssyncset.s32 $0xFFFFF086  }
0x25: {  	[simem:s6], [sflag:s4] =	dma.local [hbm:s3], $0xF7A  }
0x26: {  	[smem:$0x3F9E] =	sst s1;
	(tag) =	ssettag s2;
	_ =	strace s9  }
0x27: {  	s1 =	sld [smem:$0x3FAE]  }
0x28: {  	s2 =	sld [smem:$0x3FAF]  }
0x29: {  	s4 =	sld [smem:$0x3FB1]  }
0x2a: {  	p0 =	seq.s32 s5, $0x0;
	s5 =	sld [smem:$0x3FB2]  }
0x2b: {  	s6 =	sld [smem:$0x3FB3]  }
0x2c: {  	s7 =	sld [smem:$0x3FB4]  }
0x2d: {  	s3 =	simm.s32 $0x108;
	s8 =	sld [smem:$0x3FB5]  }
0x2e: {  	s3 =	simm.s32 @!p0 $0x1082;
	s9 =	sld [smem:$0x3FB6]  }
0x2f: {  	lr =	sadd.s32 s0, s3;
	s0 =	sld [smem:$0x3FAD]  }
0x30: {  	s3 =	sld [smem:$0x3FB0]  }
0x31: {  	[smem:$0x3FB9] =	sst s10  }
0x32: {  	s10 =	sld [smem:$0x3FB7];
	_ =	sdelay $0x3  }
0x33: {  	p0 =	seq.s32 s10, $0x1;
	s10 =	sld [smem:$0x3FB9];
	_ =	sdelay $0x3  }
0x34: {  	[smem:$0x3FB9] =	sst s10  }
0x35: {  	s10 =	sld [smem:$0x3FB8];
	_ =	sdelay $0x3  }
0x36: {  	p1 =	seq.s32 s10, $0x1;
	s10 =	sld [smem:$0x3FB9];
	_ =	sdelay $0x3  }
0x37: {  	[smem:$0x3FB9] =	sst s10  }
0x38: {  	s10 =	sld [smem:$0x3FBA]  }
0x39: {  	_ = 	snop;
	(pc) =	sbr.ind lr, $3  }
0x3a: {  	_ = 	snop  }
0x3b: {  	_ = 	snop  }
0x3c: {  	p2 =	seq.s32 s10, $0x1;
	s10 =	sld [smem:$0x3FB9]  }
0x3d: {  	_ =	shalt  }
0x3e: {  	_ =	shalt  }
0x3f: {  	_ =	shalt  }
0x40: {  	_ =	shalt  }
0x41: {  	_ =	shalt  }
0x42: {  	_ =	shalt  }
0x43: {  	_ =	shalt  }
0x44: {  	_ =	shalt  }
0x45: {  	_ =	shalt  }
0x46: {  	_ =	shalt  }
0x47: {  	_ =	shalt  }
0x48: {  	_ =	shalt  }
0x49: {  	_ =	shalt  }
0x4a: {  	_ =	shalt  }
0x4b: {  	_ =	shalt  }
0x4c: {  	_ =	shalt  }
0x4d: {  	_ =	shalt  }
0x4e: {  	_ =	shalt  }
0x4f: {  	_ =	shalt  }
0x50: {  	_ =	shalt  }
0x51: {  	_ =	shalt  }
0x52: {  	_ =	shalt  }
0x53: {  	_ =	shalt  }
0x54: {  	_ =	shalt  }
0x55: {  	_ =	shalt  }
0x56: {  	_ =	shalt  }
0x57: {  	_ =	shalt  }
0x58: {  	_ =	shalt  }
0x59: {  	_ =	shalt  }
0x5a: {  	_ =	shalt  }
0x5b: {  	_ =	shalt  }
0x5c: {  	_ =	shalt  }
0x5d: {  	_ =	shalt  }
0x5e: {  	_ =	shalt  }
0x5f: {  	_ =	shalt  }
0x60: {  	_ =	shalt  }
0x61: {  	_ =	shalt  }
0x62: {  	_ =	shalt  }
0x63: {  	_ =	shalt  }
0x64: {  	_ =	shalt  }
0x65: {  	_ =	shalt  }
0x66: {  	_ =	shalt  }
0x67: {  	_ =	shalt  }
0x68: {  	_ =	shalt  }
0x69: {  	_ =	shalt  }
0x6a: {  	_ =	shalt  }
0x6b: {  	_ =	shalt  }
0x6c: {  	_ =	shalt  }
0x6d: {  	_ =	shalt  }
0x6e: {  	_ =	shalt  }
0x6f: {  	_ =	shalt  }
0x70: {  	_ =	shalt  }
0x71: {  	_ =	shalt  }
0x72: {  	_ =	shalt  }
0x73: {  	_ =	shalt  }
0x74: {  	_ =	shalt  }
0x75: {  	_ =	shalt  }
0x76: {  	_ =	shalt  }
0x77: {  	_ =	shalt  }
0x78: {  	_ =	shalt  }
0x79: {  	_ =	shalt  }
0x7a: {  	_ =	shalt  }
0x7b: {  	_ =	shalt  }
0x7c: {  	_ =	shalt  }
0x7d: {  	_ =	shalt  }
0x7e: {  	_ =	shalt  }
0x7f: {  	_ =	shalt  }
0x80: {  	_ =	shalt  }
0x81: {  	_ =	shalt  }
0x82: {  	_ =	shalt  }
0x83: {  	_ =	shalt  }
0x84: {  	_ =	shalt  }
0x85: {  	_ =	shalt  }
0x86: {  	_ =	shalt  }
0x87: {  	_ =	shalt  }
.Lfunc_end0:
.L_simem_size_0:
called_computation_lowered:
.L_overlay_start_0:
0x88: {  	s2 =	sld [smem:$0x3FD9]  }
0x89: {  	s3 =	sld [smem:$0x3FFE];
	_ =	sdelay $0x1  }
0x8a: {  	s1 =	srdreg.scid  }
0x8b: {  	s0 =	sand.u32 $0x1, s1  }
0x8c: {  	s17 =	sshll.u32 s0, $0xA;
	s2 =	sadd.s32 s3, s2  }
0x8d: {  	s2 =	sadd.s32 s2, s17  }
0x8e: {  	[smem:$0x3FC5] =	sst s2  }
0x8f: {  	_ = 	snop  }
0x90: {  	(tm) =	ssettm $0x1  }
0x91: {  	s18 =	sld [smem:$0x3FFB];
	_ =	sdelay $0x3  }
0x92: {  	_ =	strace s18  }
0x93: {  	s2 =	sld [smem:$0x3FFC];
	_ =	sdelay $0x3  }
0x94: {  	_ =	strace s2  }
0x95: {  	s2 =	sld [smem:$0x3FFD];
	_ =	sdelay $0x3  }
0x96: {  	_ =	strace s2  }
0x97: {  	_ =	strace $0x8FFFFFFF  }
0x98: {  	s19 =	sld [smem:$0x3FDB];
	_ =	sdelay $0x1  }
0x99: {  	s20 =	simm.s32 $_scs_section_size  }
0x9a: {  	s4 =	simm.s32 $_size__tile_overlayer_lowered;
	s5 =	simm.s32 $_tile_overlayer_lowered  }
0x9b: {  	s6 =	simm.s32 $0x1BFF;
	s21 =	sshll.u32 s5, $0x1;
	s3 =	sadd.s32 s20, s19  }
0x9c: {  	s22 =	simm.s32 $0x0;
	s4 =	sshll.u32 s4, $0x1;
	s5 =	sadd.s32 s21, s3  }
0x9d: {  	[timem:s22], [sflag:s6] =	dma.local [hbm:s5], s4  }
0x9e: {  	_ =	swait.ge [sflag:s6], s4  }
0x9f: {  	s4 =	ssub.s32 $0x0, s4;
	[sflag:s6] =	ssyncset.done $0x0  }
0xa0: {  	[sflag:s6] =	ssyncadd.s32 s4;
	_ =	sdelay $0x1  }
0xa1: {  	s23 =	simm.s32 $0x1B8B  }
0xa2: {  	_ =	swait.ge [sflag:s23], $0x1  }
0xa3: {  	[sflag:s23] =	ssyncset.done $0x0  }
0xa4: {  	[sflag:s23] =	ssyncadd.s32 $0xFFFFFFFF  }
0xa5: {  	s4 =	sld [smem:$0x0]  }
0xa6: {  	s5 =	sand.u32 $0xFFFFFFFE, s1  }
0xa7: {  	p0 =	sne.s32 s1, s5  }
0xa8: {  	s5 =	sshll.u32 @p0 s5, $0xE  }
0xa9: {  	s5 =	sadd.s32 @p0 $0x11B8D, s5;
	s6 =	sshll.u32 @p0 s4, $0x11  }
0xaa: {  	s5 =	sor.u32 @p0 s6, s5  }
0xab: {  	[sflag:s5] =	ssyncadd.remote.s32 @p0 $0x1;
	_ =	sdelay $0x1  }
0xac: {  	s5 =	simm.s32 @p0 $0x1B8D  }
0xad: {  	_ =	swait.eq @p0 [sflag:s5], $0x1  }
0xae: {  	[sflag:s5] =	ssyncadd.s32 @p0 $0xFFFFFFFF  }
0xaf: {  	s6 =	sshll.u32 @!p0 s1, $0xE  }
0xb0: {  	s6 =	sor.u32 @!p0 $0x4000, s6;
	s5 =	simm.s32 @!p0 $0x1B8D  }
0xb1: {  	s4 =	sshll.u32 @!p0 s4, $0x11;
	s6 =	sadd.s32 @!p0 $0x11B8D, s6;
	_ =	swait.eq @!p0 [sflag:s5], $0x1  }
0xb2: {  	s4 =	sor.u32 @!p0 s4, s6;
	[sflag:s5] =	ssyncadd.s32 @!p0 $0xFFFFFFFF  }
0xb3: {  	s25 =	simm.s32 $0x1B8E;
	s24 =	sld [smem:$0x3FFE];
	[sflag:s4] =	ssyncadd.remote.s32 @!p0 $0x1  }
0xb4: {  	s26 =	simm.s32 $execute0_lowered;
	[smem:$0x3FD2] =	sst s25  }
0xb5: {  	s5 =	sshll.u32 s26, $0x1;
	_ =	strace $0x80000055;
	[dreg:$0x1] =	wrdreg $0xFFFFFFFF  }
0xb6: {  	s28 =	simm.s32 $_size_execute0_lowered;
	s3 =	sadd.s32 s3, s5;
	[dreg:$0x0] =	wrdreg $0x0  }
0xb7: {  	s5 =	sshll.u32 s28, $0x1;
	[dreg:$0x2] =	wrdreg s3  }
0xb8: {  	[dreg:$0x3] =	wrdreg s5  }
0xb9: {  	[dreg:$0x4] =	wrdreg $0xC0  }
0xba: {  	_ =	task [dreg:s22], $0x5FFFF  }
0xbb: {  	[dreg:$0x1] =	wrdreg $0xFFFFFFFF  }
0xbc: {  	[dreg:$0x0] =	wrdreg $0x60  }
0xbd: {  	[dreg:$0x2] =	wrdreg s24  }
0xbe: {  	[dreg:$0x3] =	wrdreg $0x9  }
0xbf: {  	_ =	task.clear_ibuf [dreg:s22], $0x4FFFF;
	_ =	strace $0x90000055  }
0xc0: {  	s29 =	simm.s32 $0x9;
	_ =	strace $0x80000057  }
0xc1: {  	_ =	swait.ge [sflag:s29], $0x1  }
0xc2: {  	[sflag:s29] =	ssyncadd.s32 $0xFFFFFFFF  }
0xc3: {  	_ =	strace $0x90000057  }
0xc4: {  	_ =	sfence  }
0xc5: {  	s30 =	sld [smem:$0x0];
	_ =	sdelay $0x2  }
0xc6: {  	s31 =	sshll.u32 s1, $0xD;
	s1 =	sshrl.u32 s1, $0x2  }
0xc7: {  	s4 =	sand.u32 $0x4000, s31;
	s1 =	sadd.s32 s1, s30  }
0xc8: {  	s0 =	sor.u32 s4, s0;
	s1 =	sshll.u32 s1, $0x11  }
0xc9: {  	s0 =	sor.u32 s1, s0  }
0xca: {  	s0 =	sadd.s32 $0x8F2B, s0  }
0xcb: {  	[sflag:s0] =	ssyncadd.remote.s32 $0x1  }
0xcc: {  	_ =	sfence.sel $0xFFFF  }
0xcd: {  	[dreg:$0x0] =	wrdreg $0xFFFFFFFF;
	(pc) =	sbr.abs _section_cstart, $3  }
0xce: {  	[dreg:$0x1] =	wrdreg $0xFFFFFFFF  }
0xcf: {  	_ =	task.clear_ibuf [dreg:s22], $0x2FFFF;
	_ =	strace $0x9FFFFFFF  }
0xd0: {  	(tm) =	ssettm $0x7FFFFFFF  }
0xd1: {  	_ =	shalt  }
tec
execute0_lowered:
.L_overlay_start_1:
0x0: {  	(tag) =	ssettag $0x1  }
0x1: {  	s8 =	rddreg [dreg:$0x0]  }
0x2: {  	s0 =	rddreg [dreg:$0x1];
	_ =	strace $0x80000056;
	s1 =	stileid.u32  }
0x3: {  	s3 =	srdreg.scid;
	s4 =	simm.s32 $0x1;
	s7 =	simm.s32 $0x1  }
0x4: {  	s9 =	simm.s32 $0x1;
	s10 =	simm.s32 $0x3;
	s13 =	simm.s32 $0x0  }
0x5: {  	s12 =	simm.s32 $0x0;
	s5 =	sand.u32 $0x1, s3;
	s6 =	sshll.u32 s1, $0x1  }
0x6: {  	s2 =	sadd.s32 $0x104E00, s8;
	s3 =	sadd.s32 $0x4000, s8;
	s5 =	sor.u32 s6, s5  }
.Ltmp0:
0x7: {  	[sflag:s4] =	ssyncpa.u1 $0x0;
	p0 =	slt.u32 s5, $0x13;
	(pc) =	sbr.rel .LBB2_1-.Ltmp0, $4  }
0x8: {  	s6 =	simm.s32 $0x2;
	s7 =	simm.s32 @!p0 $0x0;
	p0 =	sne.s32 s5, $0x12  }
0x9: {  	[sflag:s6] =	ssyncpa.u1 $0x0;
	s5 =	smul.u32 $0x1E0, s5;
	s9 =	simm.s32 @!p0 $0x0  }
0xa: {  	s8 =	sadd.s32 $0x5800, s8;
	[sflag:s10] =	ssyncpa.u1 $0x0;
	s7 =	sadd.s32 s9, s7  }
0xb: {  	vm0 =	vmmov $0xffff;
	s10 =	simm.s32 $0x0;
	s11 =	smov.u32 s5;
	s9 =	sadd.s32 $0x1, s7  }
.LBB2_4:
0xc: {  	v2 =	vnsel vm1, $0x0, v2  }
0xd: {  	vm1 =	vgt.s32 v0, $0x0;
	v2 =	vmin.u32 v2, $0x4E1F  }
0xe: {  	v0 =	vnsel vm1, $0x0, v0  }
0xf: {  	v0 =	vmin.u32 v0, $0x4E1F  }
0x10: {  	[tilespmem:s18], [sflag:$0x1] =	stream.indirect_vreg.gather [hbm4b:s2+s10], $0x1, v1, vm0, $0x4038;
	[tilespmem:$0x780] =	vst v63  }
0x11: {  	(ifvalue) =	ssetifvalue $0x7FFFFFFF  }
0x12: {  	[tilespmem:s15], [sflag:$0x1] =	stream.indirect_vreg.gather [hbm4b:s2+s10], $0x1, v2, vm0, $0x4038;
	[tilespmem:$0x780] =	vst v63  }
0x13: {  	s29 =	sadd.s32 $0x10, s15;
	(ifvalue) =	ssetifvalue $0x7FFFFFFF  }
0x14: {  	[tilespmem:s29], [sflag:$0x1] =	stream.indirect_vreg.gather [hbm4b:s2+s10], $0x1, v0, vm0, $0x4038;
	[tilespmem:$0x780] =	vst v63  }
0x15: {  	_ =	swait.ge [sflag:s4], $0x1E0  }
0x16: {  	s30 =	sshrl.u32 s13, $0x3;
	[sflag:s4] =	ssyncset.done $0x0  }
0x17: {  	s31 =	sand.u32 $0x7, s13;
	s15 =	sadd.s32 s8, s30;
	[sflag:s4] =	ssyncadd.s32 $0xFFFFFE20  }
0x18: {  	[hbm4b:s15+s31] =	stream.linear.scatter [tilespmem:s14], [sflag:$0x3], $0x1E0, $0x38;
	[tilespmem:$0x780] =	vst v63  }
.LBB2_5:
0x19: {  	s15 =	sadd.s32 $0x3C00, s11  }
0x1a: {  	p1 =	sgt.s32 s15, $0x5DBF  }
0x1b: {  	s15 =	smov.u32 @p1 s5;
	p1 =	sne.s32 s12, s9  }
.Ltmp1:
0x1c: {  	p0 =	slt.u32 s12, $0x2;
	(pc) =	sbr.rel @!p1 .LBB2_6-.Ltmp1, $4  }
0x1d: {  	s14 =	simm.s32 @!p0 $0x3  }
0x1e: {  	_ =	swait.ge @!p0 [sflag:s14], $0x1E0  }
0x1f: {  	s16 =	sadd.s32 $0x1, s12;
	s13 =	smov.u32 s11;
	[sflag:s14] =	ssyncset.done @!p0 $0x0  }
0x20: {  	s12 =	smov.u32 s16;
	s11 =	smov.u32 s15;
	[sflag:s14] =	ssyncadd.s32 @!p0 $0xFFFFFE20  }
.LBB2_1:
0x21: {  	p0 =	sge.u32 s12, s7  }
0x22: {  	s14 =	sxor.u32 @!p0 $0x1, s12  }
0x23: {  	s14 =	smul.u32 @!p0 $0x780, s14  }
0x24: {  	s31 =	sadd.s32 $0xFFFFFFFF, s12;
	s15 =	sshrl.u32 @!p0 s11, $0x3  }
0x25: {  	s16 =	sand.u32 @!p0 $0x7, s11;
	s15 =	sadd.s32 @!p0 s3, s15;
	s14 =	sshra.s32 @!p0 s14, $0x2  }
0x26: {  	[tilespmem:s14], [sflag:$0x2] =	stream.linear.gather @!p0 [hbm4b:s15+s16], $0x1E0, $0x38;
	[tilespmem:$0x780] =	vst v63  }
0x27: {  	p0 =	sge.u32 s31, s7  }
.Ltmp2:
0x28: {  	_ = 	snop;
	(pc) =	sbr.rel @p0 .LBB2_5-.Ltmp2, $1  }
0x29: {  	_ =	sdelay $0x3  }
0x2a: {  	s14 =	sand.u32 $0x1, s12  }
0x2b: {  	_ =	swait.ge [sflag:s6], $0x1E0;
	p0 =	seq.s32 s14, $0x1;
	s14 =	simm.s32 $0x1E0  }
0x2c: {  	[sflag:s6] =	ssyncset.done $0x0;
	s14 =	simm.s32 @!p0 $0x0  }
0x2d: {  	[sflag:s6] =	ssyncadd.s32 $0xFFFFFE20;
	(ifvalue) =	ssetifvalue $0x7FFFFFFF;
	v0 =	vld.msk [tilespmem:s14+$0x0 ss:$0x1], $0xffff;
	_ =	sdelay $0x4  }
0x2e: {  	s15 =	sadd.s32 $0x10, s14;
	vm1 =	vgt.s32 v0, $0x0  }
0x2f: {  	v2 =	vld.msk [tilespmem:s15+$0x0 ss:$0x1], $0xffff;
	v1 =	vnsel vm1, $0x0, v0  }
0x30: {  	v1 =	vmin.u32 v1, $0x4E1F;
	_ =	sdelay $0x2  }
0x31: {  	s17 =	simm.s32 $0x20;
	s14 =	sadd.s32 $0x3C0, s14;
	s16 =	sadd.s32 $0x10, s15  }
0x32: {  	s15 =	sadd.s32 $0x10, s14;
	s18 =	smov.u32 s14;
	v0 =	vld.msk [tilespmem:s16+$0x0 ss:$0x1], $0xffff;
	vm1 =	vgt.s32 v2, $0x0;
	(ifvalue) =	ssetifvalue $0x7FFFFFFF  }
.LBB2_3:
0x33: {  	[tilespmem:s18], [sflag:$0x1] =	stream.indirect_vreg.gather [hbm4b:s2+s10], $0x1, v1, vm0, $0x4038;
	[tilespmem:$0x780] =	vst v63  }
0x34: {  	s17 =	sadd.s32 $0x10, s17  }
0x35: {  	v2 =	vnsel vm1, $0x0, v2;
	p0 =	slt.u32 s17, $0x1D0  }
.Ltmp3:
0x36: {  	s18 =	smov.u32 s15;
	v1 =	vmin.u32 v2, $0x4E1F;
	(pc) =	sbr.rel @p0 .LBB2_3-.Ltmp3, $3  }
0x37: {  	_ =	sdelay $0x1  }
0x38: {  	s16 =	sadd.s32 $0x10, s16  }
0x39: {  	vm1 =	vgt.s32 v0, $0x0;
	s15 =	sadd.s32 $0x10, s15;
	v2 =	vmov v0;
	(ifvalue) =	ssetifvalue $0x7FFFFFFF;
	v0 =	vld.msk [tilespmem:s16+$0x0 ss:$0x1], $0xffff  }
.Ltmp4:
0x3a: {  	_ = 	snop;
	(pc) =	sbr.rel .LBB2_4-.Ltmp4, $1  }
0x3b: {  	_ =	sdelay $0x3  }
.LBB2_6:
0x3c: {  	_ =	sfence.sel $0x180000  }
0x3d: {  	s2 =	simm.s32 $0x2;
	[bflag:$0x0] =	sbarrier.arrive $0xFFFF  }
0x3e: {  	s30 =	simm.s32 $0x3;
	[sflag:s2] =	ssyncpa.u1 $0x1  }
0x3f: {  	s31 =	simm.s32 $0x1;
	[sflag:s30] =	ssyncpa.u1 $0x1  }
0x40: {  	[sflag:s31] =	ssyncpa.u1 $0x1  }
0x41: {  	p0 =	sne.s32 s1, $0x0;
	_ =	strace $0x90000056  }
0x42: {  	s0 =	sadd.s32 @!p0 $0x100000, s0;
	[bflag:$0x2] =	sbarrier.arrive $0xFFFF  }
0x43: {  	[sflag:s0] =	ssyncadd.tile.s32 @!p0 $0x1;
	_ =	shalt  }
.Lfunc_end2:
_tile_overlayer_lowered:
.L_overlay_start_2:
0x44: {  	(tag) =	ssettag $0x2  }
0x45: {  	s0 =	rddreg [dreg:$0x0];
	s2 =	stileid.u32  }
0x46: {  	s1 =	rddreg [dreg:$0x1];
	p0 =	sne.s32 s2, $0x0  }
0x47: {  	s3 =	rddreg [dreg:$0x2];
	[bflag:$0x3] =	sbarrier.arrive $0xFFFF;
	s2 =	simm.s32 @!p0 $0x1C01  }
0x48: {  	[timem:s3], [sflag:s2] =	dma.local @!p0 [hbm:s0], s1  }
0x49: {  	s0 =	simm.s32 @!p0 $0x1  }
0x4a: {  	_ =	swait.ge @!p0 [sflag:s0], s1  }
0x4b: {  	s1 =	ssub.s32 @!p0 $0x0, s1;
	[sflag:s0] =	ssyncset.done @!p0 $0x0  }
0x4c: {  	[sflag:s0] =	ssyncadd.s32 @!p0 s1  }
0x4d: {  	[bflag:$0x3] =	sbarrier.arrive $0xFFFF  }
0x4e: {  	_ =	shalt  }

// kernel: kernel.6.cloned.1.call-start
scs
__scs_entry_jumppad:
0x0: {  	(pc) =	sbr.rel $0x88, $3  }
0x1: {  	(tag) =	ssettag $0x0;
	lr =	simm.s32 $0x1  }
0x2: {  	[smem:$0x3F9E] =	sst lr;
	_ =	strace $0xD0000000  }
0x3: {  	_ = 	snop  }
0x4: {  	_ = 	snop  }
0x5: {  	_ = 	snop  }
0x6: {  	_ = 	snop  }
0x7: {  	_ = 	snop  }
__scs_overlays_trampoline_lowered:
0x8: {  	[smem:$0x3FAD] =	sst s0  }
0x9: {  	[smem:$0x3FAE] =	sst s1  }
0xa: {  	[smem:$0x3FAF] =	sst s2  }
0xb: {  	[smem:$0x3FB0] =	sst s3  }
0xc: {  	[smem:$0x3FB1] =	sst s4  }
0xd: {  	[smem:$0x3FB2] =	sst s5  }
0xe: {  	[smem:$0x3FB3] =	sst s6  }
0xf: {  	[smem:$0x3FB4] =	sst s7  }
0x10: {  	[smem:$0x3FB5] =	sst s8  }
0x11: {  	[smem:$0x3FB6] =	sst s9;
	s0 =	simm.s32 @!p0 $0x0  }
0x12: {  	s1 =	sld [smem:$0x3F9C];
	s0 =	simm.s32 @p0 $0x1  }
0x13: {  	[smem:$0x3FB7] =	sst s0;
	s0 =	simm.s32 @!p1 $0x0  }
0x14: {  	s2 =	sld [smem:$0x3F9B];
	s0 =	simm.s32 @p1 $0x1  }
0x15: {  	[smem:$0x3FB8] =	sst s0;
	s0 =	simm.s32 @!p2 $0x0  }
0x16: {  	s3 =	sld [smem:$0x3FDB];
	s0 =	simm.s32 @p2 $0x1  }
0x17: {  	s4 =	simm.s32 $0x1BF5;
	[smem:$0x3FBA] =	sst s0  }
0x18: {  	s0 =	sld [smem:$0x3F9D];
	_ =	swait.ge [sflag:s4], $0x0  }
0x19: {  	s7 =	sld [smem:$0x3F9E]  }
0x1a: {  	s8 =	sadd.s32 $0xFFFFE003, lr  }
0x1b: {  	s9 =	sadd.s32 $0xFFFFFEF7, lr;
	s5 =	simm.s32 $0xFFFFFFFF;
	p2 =	slt.u32 s8, $0xFFFFF086  }
0x1c: {  	p1 =	slt.u32 s9, $0xF7A;
	s5 =	simm.s32 @!p2 $0x0  }
0x1d: {  	s5 =	simm.s32 @p1 $0x1;
	p0 =	seq.s32 s7, s2  }
0x1e: {  	s7 =	smul.u32 @!p0 $0xF7A, s2;
	p2 =	seq.s32 @!p0 s5, $0x0  }
0x1f: {  	s9 =	smul.u32 $0xF7A, s1;
	s8 =	simm.s32 @!p0 $0x1BF5;
	p2 =	por !p2, p0  }
0x20: {  	[sflag:s8] =	ssyncset.s32 @!p0 $0xFFFFF086;
	s6 =	sadd.s32 @!p0 s3, s7;
	s7 =	simm.s32 @!p0 $0x108  }
0x21: {  	s3 =	sadd.s32 s3, s9;
	s6 =	sadd.s32 @!p0 $0x88, s6;
	s7 =	simm.s32 @p2 $0x1082  }
0x22: {  	[simem:s7], [sflag:s8] =	dma.local @!p0 [hbm:s6], $0xF7A  }
0x23: {  	s9 =	sor.u32 $0xD0000000, s2;
	s6 =	simm.s32 $0x108;
	_ =	swait.ge @!p0 [sflag:s8], $0x0  }
0x24: {  	s3 =	sadd.s32 $0x88, s3;
	s6 =	simm.s32 @!p1 $0x1082;
	[sflag:s4] =	ssyncset.s32 $0xFFFFF086  }
0x25: {  	[simem:s6], [sflag:s4] =	dma.local [hbm:s3], $0xF7A  }
0x26: {  	[smem:$0x3F9E] =	sst s1;
	(tag) =	ssettag s2;
	_ =	strace s9  }
0x27: {  	s1 =	sld [smem:$0x3FAE]  }
0x28: {  	s2 =	sld [smem:$0x3FAF]  }
0x29: {  	s4 =	sld [smem:$0x3FB1]  }
0x2a: {  	p0 =	seq.s32 s5, $0x0;
	s5 =	sld [smem:$0x3FB2]  }
0x2b: {  	s6 =	sld [smem:$0x3FB3]  }
0x2c: {  	s7 =	sld [smem:$0x3FB4]  }
0x2d: {  	s3 =	simm.s32 $0x108;
	s8 =	sld [smem:$0x3FB5]  }
0x2e: {  	s3 =	simm.s32 @!p0 $0x1082;
	s9 =	sld [smem:$0x3FB6]  }
0x2f: {  	lr =	sadd.s32 s0, s3;
	s0 =	sld [smem:$0x3FAD]  }
0x30: {  	s3 =	sld [smem:$0x3FB0]  }
0x31: {  	[smem:$0x3FB9] =	sst s10  }
0x32: {  	s10 =	sld [smem:$0x3FB7];
	_ =	sdelay $0x3  }
0x33: {  	p0 =	seq.s32 s10, $0x1;
	s10 =	sld [smem:$0x3FB9];
	_ =	sdelay $0x3  }
0x34: {  	[smem:$0x3FB9] =	sst s10  }
0x35: {  	s10 =	sld [smem:$0x3FB8];
	_ =	sdelay $0x3  }
0x36: {  	p1 =	seq.s32 s10, $0x1;
	s10 =	sld [smem:$0x3FB9];
	_ =	sdelay $0x3  }
0x37: {  	[smem:$0x3FB9] =	sst s10  }
0x38: {  	s10 =	sld [smem:$0x3FBA]  }
0x39: {  	_ = 	snop;
	(pc) =	sbr.ind lr, $3  }
0x3a: {  	_ = 	snop  }
0x3b: {  	_ = 	snop  }
0x3c: {  	p2 =	seq.s32 s10, $0x1;
	s10 =	sld [smem:$0x3FB9]  }
0x3d: {  	_ =	shalt  }
0x3e: {  	_ =	shalt  }
0x3f: {  	_ =	shalt  }
0x40: {  	_ =	shalt  }
0x41: {  	_ =	shalt  }
0x42: {  	_ =	shalt  }
0x43: {  	_ =	shalt  }
0x44: {  	_ =	shalt  }
0x45: {  	_ =	shalt  }
0x46: {  	_ =	shalt  }
0x47: {  	_ =	shalt  }
0x48: {  	_ =	shalt  }
0x49: {  	_ =	shalt  }
0x4a: {  	_ =	shalt  }
0x4b: {  	_ =	shalt  }
0x4c: {  	_ =	shalt  }
0x4d: {  	_ =	shalt  }
0x4e: {  	_ =	shalt  }
0x4f: {  	_ =	shalt  }
0x50: {  	_ =	shalt  }
0x51: {  	_ =	shalt  }
0x52: {  	_ =	shalt  }
0x53: {  	_ =	shalt  }
0x54: {  	_ =	shalt  }
0x55: {  	_ =	shalt  }
0x56: {  	_ =	shalt  }
0x57: {  	_ =	shalt  }
0x58: {  	_ =	shalt  }
0x59: {  	_ =	shalt  }
0x5a: {  	_ =	shalt  }
0x5b: {  	_ =	shalt  }
0x5c: {  	_ =	shalt  }
0x5d: {  	_ =	shalt  }
0x5e: {  	_ =	shalt  }
0x5f: {  	_ =	shalt  }
0x60: {  	_ =	shalt  }
0x61: {  	_ =	shalt  }
0x62: {  	_ =	shalt  }
0x63: {  	_ =	shalt  }
0x64: {  	_ =	shalt  }
0x65: {  	_ =	shalt  }
0x66: {  	_ =	shalt  }
0x67: {  	_ =	shalt  }
0x68: {  	_ =	shalt  }
0x69: {  	_ =	shalt  }
0x6a: {  	_ =	shalt  }
0x6b: {  	_ =	shalt  }
0x6c: {  	_ =	shalt  }
0x6d: {  	_ =	shalt  }
0x6e: {  	_ =	shalt  }
0x6f: {  	_ =	shalt  }
0x70: {  	_ =	shalt  }
0x71: {  	_ =	shalt  }
0x72: {  	_ =	shalt  }
0x73: {  	_ =	shalt  }
0x74: {  	_ =	shalt  }
0x75: {  	_ =	shalt  }
0x76: {  	_ =	shalt  }
0x77: {  	_ =	shalt  }
0x78: {  	_ =	shalt  }
0x79: {  	_ =	shalt  }
0x7a: {  	_ =	shalt  }
0x7b: {  	_ =	shalt  }
0x7c: {  	_ =	shalt  }
0x7d: {  	_ =	shalt  }
0x7e: {  	_ =	shalt  }
0x7f: {  	_ =	shalt  }
0x80: {  	_ =	shalt  }
0x81: {  	_ =	shalt  }
0x82: {  	_ =	shalt  }
0x83: {  	_ =	shalt  }
0x84: {  	_ =	shalt  }
0x85: {  	_ =	shalt  }
0x86: {  	_ =	shalt  }
0x87: {  	_ =	shalt  }
.Lfunc_end0:
.L_simem_size_0:
called_computation.9_lowered:
.L_overlay_start_0:
0x88: {  	s2 =	sld [smem:$0x3FD9]  }
0x89: {  	s3 =	sld [smem:$0x3FFE];
	_ =	sdelay $0x1  }
0x8a: {  	s1 =	srdreg.scid  }
0x8b: {  	s0 =	sand.u32 $0x1, s1  }
0x8c: {  	s16 =	sshll.u32 s0, $0xA;
	s2 =	sadd.s32 s3, s2  }
0x8d: {  	s2 =	sadd.s32 s2, s16  }
0x8e: {  	[smem:$0x3FC5] =	sst s2  }
0x8f: {  	_ = 	snop  }
0x90: {  	(tm) =	ssettm $0x1  }
0x91: {  	s17 =	sld [smem:$0x3FFB];
	_ =	sdelay $0x3  }
0x92: {  	_ =	strace s17  }
0x93: {  	s2 =	sld [smem:$0x3FFC];
	_ =	sdelay $0x3  }
0x94: {  	_ =	strace s2  }
0x95: {  	s2 =	sld [smem:$0x3FFD];
	_ =	sdelay $0x3  }
0x96: {  	_ =	strace s2  }
0x97: {  	_ =	strace $0x8FFFFFFF  }
0x98: {  	s18 =	sld [smem:$0x3FDB];
	_ =	sdelay $0x1  }
0x99: {  	s19 =	simm.s32 $_scs_section_size  }
0x9a: {  	s4 =	simm.s32 $_size__tile_overlayer_lowered;
	s5 =	simm.s32 $_tile_overlayer_lowered  }
0x9b: {  	s22 =	simm.s32 $0x1BFF;
	s21 =	sshll.u32 s5, $0x1;
	s2 =	sadd.s32 s19, s18  }
0x9c: {  	s6 =	simm.s32 $0x0;
	s20 =	sshll.u32 s4, $0x1;
	s4 =	sadd.s32 s21, s2  }
0x9d: {  	[timem:s6], [sflag:s22] =	dma.local [hbm:s4], s20  }
0x9e: {  	_ =	swait.ge [sflag:s22], s20  }
0x9f: {  	s3 =	ssub.s32 $0x0, s20;
	[sflag:s22] =	ssyncset.done $0x0  }
0xa0: {  	[sflag:s22] =	ssyncadd.s32 s3;
	_ =	sdelay $0x1  }
0xa1: {  	s23 =	simm.s32 $0x1B8B  }
0xa2: {  	_ =	swait.ge [sflag:s23], $0x1  }
0xa3: {  	[sflag:s23] =	ssyncset.done $0x0  }
0xa4: {  	s25 =	simm.s32 $0x1B8E;
	s24 =	sld [smem:$0x3FFE];
	[sflag:s23] =	ssyncadd.s32 $0xFFFFFFFF  }
0xa5: {  	s26 =	simm.s32 $execute0_lowered;
	[smem:$0x3FD2] =	sst s25  }
0xa6: {  	s4 =	sshll.u32 s26, $0x1;
	_ =	strace $0x80000046;
	[dreg:$0x1] =	wrdreg $0xFFFFFFFF  }
0xa7: {  	s28 =	simm.s32 $_size_execute0_lowered;
	s2 =	sadd.s32 s2, s4;
	[dreg:$0x0] =	wrdreg $0x0  }
0xa8: {  	s4 =	sshll.u32 s28, $0x1;
	[dreg:$0x2] =	wrdreg s2  }
0xa9: {  	[dreg:$0x3] =	wrdreg s4  }
0xaa: {  	[dreg:$0x4] =	wrdreg $0xC0  }
0xab: {  	_ =	task [dreg:s6], $0x5FFFF  }
0xac: {  	[dreg:$0x1] =	wrdreg $0xFFFFFFFF  }
0xad: {  	[dreg:$0x0] =	wrdreg $0x60  }
0xae: {  	[dreg:$0x2] =	wrdreg s24  }
0xaf: {  	[dreg:$0x3] =	wrdreg $0x9  }
0xb0: {  	_ =	task.clear_ibuf [dreg:s6], $0x4FFFF;
	_ =	strace $0x90000046  }
0xb1: {  	s29 =	simm.s32 $0x9;
	_ =	strace $0x80000048  }
0xb2: {  	_ =	swait.ge [sflag:s29], $0x1  }
0xb3: {  	[sflag:s29] =	ssyncadd.s32 $0xFFFFFFFF  }
0xb4: {  	_ =	strace $0x90000048  }
0xb5: {  	_ =	sfence  }
0xb6: {  	s30 =	sld [smem:$0x0];
	_ =	sdelay $0x2  }
0xb7: {  	s31 =	sshll.u32 s1, $0xD;
	s1 =	sshrl.u32 s1, $0x2  }
0xb8: {  	s3 =	sand.u32 $0x4000, s31;
	s1 =	sadd.s32 s1, s30  }
0xb9: {  	s0 =	sor.u32 s3, s0;
	s1 =	sshll.u32 s1, $0x11  }
0xba: {  	s0 =	sor.u32 s1, s0  }
0xbb: {  	s0 =	sadd.s32 $0x8F2B, s0  }
0xbc: {  	[sflag:s0] =	ssyncadd.remote.s32 $0x1  }
0xbd: {  	_ =	sfence.sel $0xFFFF  }
0xbe: {  	[dreg:$0x0] =	wrdreg $0xFFFFFFFF;
	(pc) =	sbr.abs _section_cstart, $3  }
0xbf: {  	[dreg:$0x1] =	wrdreg $0xFFFFFFFF  }
0xc0: {  	_ =	task.clear_ibuf [dreg:s6], $0x2FFFF;
	_ =	strace $0x9FFFFFFF  }
0xc1: {  	(tm) =	ssettm $0x7FFFFFFF  }
tec
execute0_lowered:
.L_overlay_start_1:
0x0: {  	(tag) =	ssettag $0x1  }
0x1: {  	s12 =	rddreg [dreg:$0x0]  }
0x2: {  	s0 =	rddreg [dreg:$0x1];
	s1 =	simm.s32 $0x0;
	s3 =	srdreg.scid  }
0x3: {  	s2 =	stileid.u32;
	s21 =	simm.s32 $0x5400;
	s22 =	simm.s32 $0x0  }
0x4: {  	[smem:$0x7FF] =	sst s1;
	s11 =	sadd.s32 $0x37000, s12;
	s3 =	sand.u32 $0x1, s3  }
0x5: {  	s13 =	sadd.s32 $0x39E00, s12;
	s5 =	sshll.u32 s2, $0x1;
	s14 =	sadd.s32 $0x37600, s12  }
0x6: {  	s16 =	sshrl.u32 s2, $0x2;
	p0 =	sgt.u32 s2, $0x7;
	_ =	strace $0x80000047  }
0x7: {  	s4 =	ssub.s32 $0x2, s3;
	s10 =	sor.u32 s3, s5;
	s26 =	sshll.u32 s16, $0xA  }
0x8: {  	s28 =	sshll.u32 s16, $0xD;
	s8 =	sor.u32 $0x4, s16;
	s16 =	sor.u32 $0x8, s16  }
0x9: {  	s6 =	sshrl.u32 s4, $0x1;
	s3 =	sadd.s32 $0x1, s10;
	s24 =	sshll.u32 s10, $0x7  }
0xa: {  	s7 =	sadd.s32 $0x21, s10;
	s18 =	sshll.u32 s8, $0xA;
	s8 =	sshll.u32 s8, $0xD  }
0xb: {  	s19 =	sadd.s32 $0x41, s10;
	s20 =	sshll.u32 s16, $0xA;
	s16 =	sshll.u32 s16, $0xD  }
0xc: {  	s15 =	ssub.s32 s4, s6;
	s17 =	sand.u32 $0x380, s24;
	s25 =	sshrl.u32 s3, $0x3  }
0xd: {  	s3 =	sshll.u32 s3, $0x7;
	s9 =	sshrl.u32 s7, $0x3;
	s7 =	sshll.u32 s7, $0x7  }
0xe: {  	s30 =	sshrl.u32 s19, $0x3;
	s19 =	sshll.u32 s19, $0x7;
	s4 =	smul.u32 $0x28000, s25  }
0xf: {  	s5 =	sor.u32 s26, s17;
	s3 =	sand.u32 $0x380, s3;
	s6 =	sor.u32 s28, s17  }
0x10: {  	s9 =	smul.u32 $0x28000, s9;
	s18 =	sor.u32 s18, s17;
	s7 =	sand.u32 $0x380, s7  }
0x11: {  	s8 =	sor.u32 s8, s17;
	s20 =	sor.u32 s20, s17;
	s19 =	sand.u32 $0x380, s19  }
0x12: {  	s16 =	sor.u32 s16, s17;
	s15 =	smax.u32 s15, $0x1;
	s17 =	simm.s32 $0x1  }
0x13: {  	s5 =	sshrl.u32 s5, $0x3;
	s6 =	sshrl.u32 s6, $0x3;
	s18 =	sshrl.u32 s18, $0x3  }
0x14: {  	s29 =	sshrl.u32 s8, $0x3;
	s20 =	sshrl.u32 s20, $0x3;
	s16 =	sshrl.u32 s16, $0x3  }
0x15: {  	s4 =	sor.u32 s3, s4;
	s3 =	sadd.s32 s11, s5;
	s5 =	sadd.s32 s13, s6  }
0x16: {  	s6 =	sadd.s32 s14, s6;
	s9 =	sor.u32 s7, s9;
	s7 =	sadd.s32 s11, s18  }
0x17: {  	s10 =	sadd.s32 s14, s29;
	s18 =	smul.u32 $0x28000, s30;
	s11 =	sadd.s32 s11, s20  }
.Ltmp0:
0x18: {  	s14 =	sadd.s32 s14, s16;
	s4 =	sshrl.u32 s4, $0x3;
	(pc) =	sbr.rel .LBB2_1-.Ltmp0, $4  }
0x19: {  	s20 =	simm.s32 $0x5000;
	s9 =	sshrl.u32 s9, $0x3;
	s4 =	sadd.s32 s12, s4  }
0x1a: {  	s8 =	sadd.s32 s12, s9;
	s9 =	sadd.s32 s13, s29;
	s18 =	sor.u32 s19, s18  }
0x1b: {  	s13 =	sadd.s32 s13, s16;
	s16 =	simm.s32 $0x5800;
	s31 =	sshrl.u32 s18, $0x3  }
0x1c: {  	v0 =	vimm.s32 $0x20000000;
	v1 =	vimm.f32 $-3.000000010e+38;
	v2 =	vimm.s32 $0x0;
	s19 =	simm.s32 $0x400;
	s18 =	simm.s32 $0x80;
	s12 =	sadd.s32 s12, s31  }
.LBB2_14:
0x1d: {  	vm0 =	veq.f32 v5, v3  }
0x1e: {  	vm1 =	vgt.f32 v5, v3;
	v3 =	vsel vm0, $0x1, v2  }
0x1f: {  	v8 =	vsel vm1, $0x1, v2;
	(xrf0) =	vadd.scan.msk.s32 $0xffff, v3  }
0x20: {  	(xrf0) =	vadd.scan.msk.s32 $0xffff, v8;
	_ =	sdelay $0x4  }
0x21: {  	v3, _, _ =	vpop (xrf0)  }
0x22: {  	v3 =	vadd.s32 v3, v7;
	v63, _, _ =	vpop (xrf0)  }
0x23: {  	v6 =	vadd.s32 v63, v6;
	v3 =	vadd.s32 $0x12F, v3  }
0x24: {  	v6 =	vadd.s32 $0xFFFFFFFF, v6;
	vm2 =	vlt.s32 v3, $0x260  }
0x25: {  	vm0 =	vmand vm0, vm2;
	_ =	sdelay $0x2  }
0x26: {  	v4 =	vadd.s32 $0x10, v4  }
0x27: {  	[tilespmem:v6+s20+$0x0] =	vst.idx.msk vm1, v4  }
0x28: {  	[tilespmem:v6+s21+$0x0] =	vst.idx.msk vm1, v5  }
0x29: {  	[tilespmem:v3+s20+$0x0] =	vst.idx.msk vm0, v4  }
0x2a: {  	[tilespmem:v3+s21+$0x0] =	vst.idx.msk vm0, v5  }
0x2b: {  	[hbm4b:s13+s18] =	stream.strided.scatter [tilespmem:s20], [sflag:$0x1], $0x400, s19, s18, $0x38;
	[tilespmem:$0x5880] =	vst v63  }
0x2c: {  	_ =	swait.ge [sflag:s17], $0x400  }
0x2d: {  	[sflag:s17] =	ssyncset.done $0x0  }
0x2e: {  	[sflag:s17] =	ssyncadd.s32 $0xFFFFFC00  }
0x2f: {  	[hbm4b:s14+s18] =	stream.strided.scatter [tilespmem:s21], [sflag:$0x1], $0x400, s19, s18, $0x38;
	[tilespmem:$0x5880] =	vst v63  }
0x30: {  	_ =	swait.ge [sflag:s17], $0x400  }
0x31: {  	[sflag:s17] =	ssyncset.done $0x0  }
0x32: {  	[sflag:s17] =	ssyncadd.s32 $0xFFFFFC00  }
.LBB2_15:
0x33: {  	s22 =	sadd.s32 $0x1, s22  }
0x34: {  	p1 =	sne.s32 s22, s15  }
.Ltmp1:
0x35: {  	_ = 	snop;
	(pc) =	sbr.rel @!p1 .LBB2_16-.Ltmp1, $1  }
0x36: {  	_ =	sdelay $0x3  }
.LBB2_1:
0x37: {  	[tilespmem:s16], [sflag:$0x1] =	stream.linear.gather [hbm4b:s3+s1], $0x80, $0x38;
	[tilespmem:$0x5880] =	vst v63  }
0x38: {  	_ =	swait.ge [sflag:s17], $0x80  }
0x39: {  	[sflag:s17] =	ssyncset.done $0x0  }
0x3a: {  	[sflag:s17] =	ssyncadd.s32 $0xFFFFFF80  }
0x3b: {  	s23 =	simm.s32 $0x40;
	s24 =	simm.s32 $0x0;
	v3 =	vld [tilespmem:$0x5800]  }
.LBB2_2:
0x3c: {  	p1 =	sne.s32 s23, $0xFC0;
	[tilespmem:s24+$0x5000] =	vst v0;
	s25 =	smov.u32 s23;
	s23 =	sadd.s32 $0x40, s23  }
.Ltmp2:
0x3d: {  	[tilespmem:s24+$0x5400] =	vst v1;
	(pc) =	sbr.rel @p1 .LBB2_2-.Ltmp2, $2  }
0x3e: {  	_ =	sdelay $0x2  }
0x3f: {  	s24 =	sshra.s32 s25, $0x2  }
0x40: {  	[tilespmem:s24+$0x5000] =	vst v0  }
0x41: {  	[tilespmem:s24+$0x5400] =	vst v1;
	s23 =	simm.s32 $0x0  }
0x42: {  	[tilespmem:s23], [sflag:$0x1] =	stream.strided.gather [hbm4b:s4+s18], $0x5000, s19, s18, $0x38;
	[tilespmem:$0x5880] =	vst v63  }
0x43: {  	_ =	swait.ge [sflag:s17], $0x5000  }
0x44: {  	[sflag:s17] =	ssyncset.done $0x0  }
0x45: {  	s30 =	simm.s32 $0x0;
	[sflag:s17] =	ssyncadd.s32 $0xFFFFB000  }
0x46: {  	v5 =	vld [tilespmem:s30+$0x0];
	_ =	sdelay $0x4  }
0x47: {  	vm0 =	veq.f32 v5, v3  }
0x48: {  	vm1 =	vgt.f32 v5, v3;
	v4 =	vsel vm0, $0x1, v2  }
0x49: {  	v6 =	vsel vm1, $0x1, v2;
	(xrf0) =	vadd.scan.msk.s32 $0xffff, v4  }
0x4a: {  	(xrf0) =	vadd.scan.msk.s32 $0xffff, v6;
	_ =	sdelay $0x4  }
0x4b: {  	v6 =	vimm.s32 $0x0;
	v4, _, _ =	vpop (xrf0)  }
0x4c: {  	v4 =	vadd.s32 v4, v6;
	v7, _, _ =	vpop (xrf0)  }
0x4d: {  	v7 =	vadd.s32 v7, v6;
	v10 =	vadd.s32 $0x12F, v4  }
0x4e: {  	v7 =	vadd.s32 $0xFFFFFFFF, v7;
	vm2 =	vlt.s32 v10, $0x260  }
0x4f: {  	vm2 =	vmand vm0, vm2;
	_ =	sdelay $0x2  }
0x50: {  	v4 =	vlaneseq.u32  }
0x51: {  	[tilespmem:v7+s20+$0x0] =	vst.idx.msk vm1, v4  }
0x52: {  	v8 =	vmpcnt.ones.xlane vm0;
	v9 =	vmpcnt.ones.xlane vm1;
	[tilespmem:v7+s21+$0x0] =	vst.idx.msk vm1, v5  }
0x53: {  	[tilespmem:v10+s20+$0x0] =	vst.idx.msk vm2, v4  }
0x54: {  	s31 =	simm.s32 $0x10;
	v8 =	vadd.s32 v6, v8;
	v9 =	vadd.s32 v6, v9;
	[tilespmem:v10+s21+$0x0] =	vst.idx.msk vm2, v5  }
0x55: {  	s23 =	simm.s32 $0x80;
	v6 =	vmov v9;
	v7 =	vmov v8;
	v5 =	vld [tilespmem:s31+$0x0]  }
.LBB2_4:
0x56: {  	p1 =	sne.s32 s23, $0x13FC0;
	_ =	sdelay $0x3  }
0x57: {  	vm1 =	veq.f32 v5, v3  }
0x58: {  	vm0 =	vgt.f32 v5, v3;
	v10 =	vsel vm1, $0x1, v2;
	v11 =	vmpcnt.ones.xlane vm1  }
0x59: {  	v12 =	vsel vm0, $0x1, v2;
	v13 =	vmpcnt.ones.xlane vm0;
	(xrf0) =	vadd.scan.msk.s32 $0xffff, v10  }
0x5a: {  	v8 =	vadd.s32 v8, v11;
	(xrf0) =	vadd.scan.msk.s32 $0xffff, v12  }
0x5b: {  	v9 =	vadd.s32 v9, v13;
	_ =	sdelay $0x3  }
0x5c: {  	v10, _, _ =	vpop (xrf0)  }
0x5d: {  	v10 =	vadd.s32 v10, v7;
	v11, _, _ =	vpop (xrf0);
	v7 =	vmov v8  }
0x5e: {  	v11 =	vadd.s32 v11, v6;
	v10 =	vadd.s32 $0x12F, v10;
	v6 =	vmov v9  }
0x5f: {  	v11 =	vadd.s32 $0xFFFFFFFF, v11;
	vm2 =	vlt.s32 v10, $0x260  }
0x60: {  	vm1 =	vmand vm1, vm2;
	_ =	sdelay $0x2  }
0x61: {  	v4 =	vadd.s32 $0x10, v4  }
.Ltmp3:
0x62: {  	[tilespmem:v11+s20+$0x0] =	vst.idx.msk vm0, v4;
	(pc) =	sbr.rel @p1 .LBB2_4-.Ltmp3, $4  }
0x63: {  	[tilespmem:v11+s21+$0x0] =	vst.idx.msk vm0, v5  }
0x64: {  	[tilespmem:v10+s20+$0x0] =	vst.idx.msk vm1, v4  }
0x65: {  	s24 =	sshra.s32 s23, $0x2;
	[tilespmem:v10+s21+$0x0] =	vst.idx.msk vm1, v5  }
0x66: {  	s23 =	sadd.s32 $0x40, s23;
	v5 =	vld [tilespmem:s24+$0x0]  }
0x67: {  	_ =	sdelay $0x3  }
0x68: {  	vm0 =	veq.f32 v5, v3  }
0x69: {  	vm1 =	vgt.f32 v5, v3;
	v3 =	vsel vm0, $0x1, v2  }
0x6a: {  	v8 =	vsel vm1, $0x1, v2;
	(xrf0) =	vadd.scan.msk.s32 $0xffff, v3  }
0x6b: {  	(xrf0) =	vadd.scan.msk.s32 $0xffff, v8;
	_ =	sdelay $0x4  }
0x6c: {  	v3, _, _ =	vpop (xrf0)  }
0x6d: {  	v3 =	vadd.s32 v3, v7;
	v63, _, _ =	vpop (xrf0)  }
0x6e: {  	v6 =	vadd.s32 v63, v6;
	v3 =	vadd.s32 $0x12F, v3  }
0x6f: {  	v6 =	vadd.s32 $0xFFFFFFFF, v6;
	vm2 =	vlt.s32 v3, $0x260  }
0x70: {  	vm0 =	vmand vm0, vm2;
	_ =	sdelay $0x2  }
0x71: {  	v4 =	vadd.s32 $0x10, v4  }
0x72: {  	[tilespmem:v6+s20+$0x0] =	vst.idx.msk vm1, v4  }
0x73: {  	[tilespmem:v6+s21+$0x0] =	vst.idx.msk vm1, v5  }
0x74: {  	[tilespmem:v3+s20+$0x0] =	vst.idx.msk vm0, v4  }
0x75: {  	[tilespmem:v3+s21+$0x0] =	vst.idx.msk vm0, v5  }
0x76: {  	[hbm4b:s5+s18] =	stream.strided.scatter [tilespmem:s20], [sflag:$0x1], $0x400, s19, s18, $0x38;
	[tilespmem:$0x5880] =	vst v63  }
0x77: {  	_ =	swait.ge [sflag:s17], $0x400  }
0x78: {  	[sflag:s17] =	ssyncset.done $0x0  }
0x79: {  	[sflag:s17] =	ssyncadd.s32 $0xFFFFFC00  }
0x7a: {  	[hbm4b:s6+s18] =	stream.strided.scatter [tilespmem:s21], [sflag:$0x1], $0x400, s19, s18, $0x38;
	[tilespmem:$0x5880] =	vst v63  }
0x7b: {  	_ =	swait.ge [sflag:s17], $0x400  }
0x7c: {  	[sflag:s17] =	ssyncset.done $0x0  }
0x7d: {  	s23 =	simm.s32 $0x0;
	[sflag:s17] =	ssyncadd.s32 $0xFFFFFC00  }
0x7e: {  	[tilespmem:s16], [sflag:$0x1] =	stream.linear.gather [hbm4b:s7+s23], $0x80, $0x38;
	[tilespmem:$0x5880] =	vst v63  }
0x7f: {  	_ =	swait.ge [sflag:s17], $0x80  }
0x80: {  	[sflag:s17] =	ssyncset.done $0x0  }
0x81: {  	[sflag:s17] =	ssyncadd.s32 $0xFFFFFF80  }
0x82: {  	s24 =	simm.s32 $0x0;
	s23 =	simm.s32 $0x40;
	v3 =	vld [tilespmem:$0x5800]  }
.LBB2_6:
0x83: {  	p1 =	sne.s32 s23, $0xFC0;
	[tilespmem:s24+$0x5000] =	vst v0;
	s25 =	smov.u32 s23;
	s23 =	sadd.s32 $0x40, s23  }
.Ltmp4:
0x84: {  	[tilespmem:s24+$0x5400] =	vst v1;
	(pc) =	sbr.rel @p1 .LBB2_6-.Ltmp4, $2  }
0x85: {  	_ =	sdelay $0x2  }
0x86: {  	s24 =	sshra.s32 s25, $0x2  }
0x87: {  	[tilespmem:s24+$0x5000] =	vst v0  }
0x88: {  	[tilespmem:s24+$0x5400] =	vst v1;
	s23 =	simm.s32 $0x0  }
0x89: {  	[tilespmem:s23], [sflag:$0x1] =	stream.strided.gather [hbm4b:s8+s18], $0x5000, s19, s18, $0x38;
	[tilespmem:$0x5880] =	vst v63  }
0x8a: {  	_ =	swait.ge [sflag:s17], $0x5000  }
0x8b: {  	[sflag:s17] =	ssyncset.done $0x0  }
0x8c: {  	s30 =	simm.s32 $0x0;
	[sflag:s17] =	ssyncadd.s32 $0xFFFFB000  }
0x8d: {  	v5 =	vld [tilespmem:s30+$0x0];
	_ =	sdelay $0x4  }
0x8e: {  	vm0 =	veq.f32 v5, v3  }
0x8f: {  	vm1 =	vgt.f32 v5, v3;
	v4 =	vsel vm0, $0x1, v2  }
0x90: {  	v6 =	vsel vm1, $0x1, v2;
	(xrf0) =	vadd.scan.msk.s32 $0xffff, v4  }
0x91: {  	(xrf0) =	vadd.scan.msk.s32 $0xffff, v6;
	_ =	sdelay $0x4  }
0x92: {  	v6 =	vimm.s32 $0x0;
	v4, _, _ =	vpop (xrf0)  }
0x93: {  	v4 =	vadd.s32 v4, v6;
	v7, _, _ =	vpop (xrf0)  }
0x94: {  	v7 =	vadd.s32 v7, v6;
	v10 =	vadd.s32 $0x12F, v4  }
0x95: {  	v7 =	vadd.s32 $0xFFFFFFFF, v7;
	vm2 =	vlt.s32 v10, $0x260  }
0x96: {  	vm2 =	vmand vm0, vm2;
	_ =	sdelay $0x2  }
0x97: {  	v4 =	vlaneseq.u32  }
0x98: {  	[tilespmem:v7+s20+$0x0] =	vst.idx.msk vm1, v4  }
0x99: {  	v8 =	vmpcnt.ones.xlane vm0;
	v9 =	vmpcnt.ones.xlane vm1;
	[tilespmem:v7+s21+$0x0] =	vst.idx.msk vm1, v5  }
0x9a: {  	[tilespmem:v10+s20+$0x0] =	vst.idx.msk vm2, v4  }
0x9b: {  	s31 =	simm.s32 $0x10;
	v8 =	vadd.s32 v6, v8;
	v9 =	vadd.s32 v6, v9;
	[tilespmem:v10+s21+$0x0] =	vst.idx.msk vm2, v5  }
0x9c: {  	s23 =	simm.s32 $0x80;
	v6 =	vmov v9;
	v7 =	vmov v8;
	v5 =	vld [tilespmem:s31+$0x0]  }
.LBB2_8:
0x9d: {  	p1 =	sne.s32 s23, $0x13FC0;
	_ =	sdelay $0x3  }
0x9e: {  	vm1 =	veq.f32 v5, v3  }
0x9f: {  	vm0 =	vgt.f32 v5, v3;
	v10 =	vsel vm1, $0x1, v2;
	v11 =	vmpcnt.ones.xlane vm1  }
0xa0: {  	v12 =	vsel vm0, $0x1, v2;
	v13 =	vmpcnt.ones.xlane vm0;
	(xrf0) =	vadd.scan.msk.s32 $0xffff, v10  }
0xa1: {  	v8 =	vadd.s32 v8, v11;
	(xrf0) =	vadd.scan.msk.s32 $0xffff, v12  }
0xa2: {  	v9 =	vadd.s32 v9, v13;
	_ =	sdelay $0x3  }
0xa3: {  	v10, _, _ =	vpop (xrf0)  }
0xa4: {  	v10 =	vadd.s32 v10, v7;
	v11, _, _ =	vpop (xrf0);
	v7 =	vmov v8  }
0xa5: {  	v11 =	vadd.s32 v11, v6;
	v10 =	vadd.s32 $0x12F, v10;
	v6 =	vmov v9  }
0xa6: {  	v11 =	vadd.s32 $0xFFFFFFFF, v11;
	vm2 =	vlt.s32 v10, $0x260  }
0xa7: {  	vm1 =	vmand vm1, vm2;
	_ =	sdelay $0x2  }
0xa8: {  	v4 =	vadd.s32 $0x10, v4  }
.Ltmp5:
0xa9: {  	[tilespmem:v11+s20+$0x0] =	vst.idx.msk vm0, v4;
	(pc) =	sbr.rel @p1 .LBB2_8-.Ltmp5, $4  }
0xaa: {  	[tilespmem:v11+s21+$0x0] =	vst.idx.msk vm0, v5  }
0xab: {  	[tilespmem:v10+s20+$0x0] =	vst.idx.msk vm1, v4  }
0xac: {  	s24 =	sshra.s32 s23, $0x2;
	[tilespmem:v10+s21+$0x0] =	vst.idx.msk vm1, v5  }
0xad: {  	s23 =	sadd.s32 $0x40, s23;
	v5 =	vld [tilespmem:s24+$0x0]  }
0xae: {  	_ =	sdelay $0x3  }
0xaf: {  	vm0 =	veq.f32 v5, v3  }
0xb0: {  	vm1 =	vgt.f32 v5, v3;
	v3 =	vsel vm0, $0x1, v2  }
0xb1: {  	v8 =	vsel vm1, $0x1, v2;
	(xrf0) =	vadd.scan.msk.s32 $0xffff, v3  }
0xb2: {  	(xrf0) =	vadd.scan.msk.s32 $0xffff, v8;
	_ =	sdelay $0x4  }
0xb3: {  	v3, _, _ =	vpop (xrf0)  }
0xb4: {  	v3 =	vadd.s32 v3, v7;
	v63, _, _ =	vpop (xrf0)  }
0xb5: {  	v6 =	vadd.s32 v63, v6;
	v3 =	vadd.s32 $0x12F, v3  }
0xb6: {  	v6 =	vadd.s32 $0xFFFFFFFF, v6;
	vm2 =	vlt.s32 v3, $0x260  }
0xb7: {  	vm0 =	vmand vm0, vm2;
	_ =	sdelay $0x2  }
0xb8: {  	v4 =	vadd.s32 $0x10, v4  }
0xb9: {  	[tilespmem:v6+s20+$0x0] =	vst.idx.msk vm1, v4  }
0xba: {  	[tilespmem:v6+s21+$0x0] =	vst.idx.msk vm1, v5  }
0xbb: {  	[tilespmem:v3+s20+$0x0] =	vst.idx.msk vm0, v4  }
0xbc: {  	[tilespmem:v3+s21+$0x0] =	vst.idx.msk vm0, v5  }
0xbd: {  	[hbm4b:s9+s18] =	stream.strided.scatter [tilespmem:s20], [sflag:$0x1], $0x400, s19, s18, $0x38;
	[tilespmem:$0x5880] =	vst v63  }
0xbe: {  	_ =	swait.ge [sflag:s17], $0x400  }
0xbf: {  	[sflag:s17] =	ssyncset.done $0x0  }
.Ltmp6:
0xc0: {  	[sflag:s17] =	ssyncadd.s32 $0xFFFFFC00;
	(pc) =	sbr.rel @p0 .LBB2_15-.Ltmp6, $4  }
0xc1: {  	[hbm4b:s10+s18] =	stream.strided.scatter [tilespmem:s21], [sflag:$0x1], $0x400, s19, s18, $0x38;
	[tilespmem:$0x5880] =	vst v63  }
0xc2: {  	_ =	swait.ge [sflag:s17], $0x400  }
0xc3: {  	[sflag:s17] =	ssyncset.done $0x0  }
0xc4: {  	[sflag:s17] =	ssyncadd.s32 $0xFFFFFC00  }
0xc5: {  	s23 =	simm.s32 $0x0  }
0xc6: {  	[tilespmem:s16], [sflag:$0x1] =	stream.linear.gather [hbm4b:s11+s23], $0x80, $0x38;
	[tilespmem:$0x5880] =	vst v63  }
0xc7: {  	_ =	swait.ge [sflag:s17], $0x80  }
0xc8: {  	[sflag:s17] =	ssyncset.done $0x0  }
0xc9: {  	[sflag:s17] =	ssyncadd.s32 $0xFFFFFF80  }
0xca: {  	s24 =	simm.s32 $0x0;
	s23 =	simm.s32 $0x40;
	v3 =	vld [tilespmem:$0x5800]  }
.LBB2_11:
0xcb: {  	p1 =	sne.s32 s23, $0xFC0;
	[tilespmem:s24+$0x5000] =	vst v0;
	s25 =	smov.u32 s23;
	s23 =	sadd.s32 $0x40, s23  }
.Ltmp7:
0xcc: {  	[tilespmem:s24+$0x5400] =	vst v1;
	(pc) =	sbr.rel @p1 .LBB2_11-.Ltmp7, $2  }
0xcd: {  	_ =	sdelay $0x2  }
0xce: {  	s24 =	sshra.s32 s25, $0x2  }
0xcf: {  	[tilespmem:s24+$0x5000] =	vst v0  }
0xd0: {  	[tilespmem:s24+$0x5400] =	vst v1;
	s23 =	simm.s32 $0x0  }
0xd1: {  	[tilespmem:s23], [sflag:$0x1] =	stream.strided.gather [hbm4b:s12+s18], $0x5000, s19, s18, $0x38;
	[tilespmem:$0x5880] =	vst v63  }
0xd2: {  	_ =	swait.ge [sflag:s17], $0x5000  }
0xd3: {  	[sflag:s17] =	ssyncset.done $0x0  }
0xd4: {  	s30 =	simm.s32 $0x0;
	[sflag:s17] =	ssyncadd.s32 $0xFFFFB000  }
0xd5: {  	v5 =	vld [tilespmem:s30+$0x0];
	_ =	sdelay $0x4  }
0xd6: {  	vm0 =	veq.f32 v5, v3  }
0xd7: {  	vm1 =	vgt.f32 v5, v3;
	v4 =	vsel vm0, $0x1, v2  }
0xd8: {  	v6 =	vsel vm1, $0x1, v2;
	(xrf0) =	vadd.scan.msk.s32 $0xffff, v4  }
0xd9: {  	(xrf0) =	vadd.scan.msk.s32 $0xffff, v6;
	_ =	sdelay $0x4  }
0xda: {  	v6 =	vimm.s32 $0x0;
	v4, _, _ =	vpop (xrf0)  }
0xdb: {  	v4 =	vadd.s32 v4, v6;
	v7, _, _ =	vpop (xrf0)  }
0xdc: {  	v7 =	vadd.s32 v7, v6;
	v10 =	vadd.s32 $0x12F, v4  }
0xdd: {  	v7 =	vadd.s32 $0xFFFFFFFF, v7;
	vm2 =	vlt.s32 v10, $0x260  }
0xde: {  	vm2 =	vmand vm0, vm2;
	_ =	sdelay $0x2  }
0xdf: {  	v4 =	vlaneseq.u32  }
0xe0: {  	[tilespmem:v7+s20+$0x0] =	vst.idx.msk vm1, v4  }
0xe1: {  	v8 =	vmpcnt.ones.xlane vm0;
	v9 =	vmpcnt.ones.xlane vm1;
	[tilespmem:v7+s21+$0x0] =	vst.idx.msk vm1, v5  }
0xe2: {  	[tilespmem:v10+s20+$0x0] =	vst.idx.msk vm2, v4  }
0xe3: {  	s31 =	simm.s32 $0x10;
	v8 =	vadd.s32 v6, v8;
	v9 =	vadd.s32 v6, v9;
	[tilespmem:v10+s21+$0x0] =	vst.idx.msk vm2, v5  }
0xe4: {  	s23 =	simm.s32 $0x80;
	v6 =	vmov v9;
	v7 =	vmov v8;
	v5 =	vld [tilespmem:s31+$0x0]  }
.LBB2_13:
0xe5: {  	p1 =	sne.s32 s23, $0x13FC0;
	_ =	sdelay $0x3  }
0xe6: {  	vm1 =	veq.f32 v5, v3  }
0xe7: {  	vm0 =	vgt.f32 v5, v3;
	v10 =	vsel vm1, $0x1, v2;
	v11 =	vmpcnt.ones.xlane vm1  }
0xe8: {  	v12 =	vsel vm0, $0x1, v2;
	v13 =	vmpcnt.ones.xlane vm0;
	(xrf0) =	vadd.scan.msk.s32 $0xffff, v10  }
0xe9: {  	v8 =	vadd.s32 v8, v11;
	(xrf0) =	vadd.scan.msk.s32 $0xffff, v12  }
0xea: {  	v9 =	vadd.s32 v9, v13;
	_ =	sdelay $0x3  }
0xeb: {  	v10, _, _ =	vpop (xrf0)  }
0xec: {  	v10 =	vadd.s32 v10, v7;
	v11, _, _ =	vpop (xrf0);
	v7 =	vmov v8  }
0xed: {  	v11 =	vadd.s32 v11, v6;
	v10 =	vadd.s32 $0x12F, v10;
	v6 =	vmov v9  }
0xee: {  	v11 =	vadd.s32 $0xFFFFFFFF, v11;
	vm2 =	vlt.s32 v10, $0x260  }
0xef: {  	vm1 =	vmand vm1, vm2;
	_ =	sdelay $0x2  }
0xf0: {  	v4 =	vadd.s32 $0x10, v4  }
.Ltmp8:
0xf1: {  	[tilespmem:v11+s20+$0x0] =	vst.idx.msk vm0, v4;
	(pc) =	sbr.rel @p1 .LBB2_13-.Ltmp8, $4  }
0xf2: {  	[tilespmem:v11+s21+$0x0] =	vst.idx.msk vm0, v5  }
0xf3: {  	[tilespmem:v10+s20+$0x0] =	vst.idx.msk vm1, v4  }
0xf4: {  	s24 =	sshra.s32 s23, $0x2;
	[tilespmem:v10+s21+$0x0] =	vst.idx.msk vm1, v5  }
0xf5: {  	s23 =	sadd.s32 $0x40, s23;
	v5 =	vld [tilespmem:s24+$0x0]  }
.Ltmp9:
0xf6: {  	_ = 	snop;
	(pc) =	sbr.rel .LBB2_14-.Ltmp9, $1  }
0xf7: {  	_ =	sdelay $0x3  }
.LBB2_16:
0xf8: {  	_ =	sfence.sel $0x180000  }
0xf9: {  	[bflag:$0x0] =	sbarrier.arrive $0xFFFF  }
0xfa: {  	p0 =	sne.s32 s2, $0x0;
	_ =	strace $0x90000047  }
0xfb: {  	s0 =	sadd.s32 @!p0 $0x100000, s0;
	[bflag:$0x2] =	sbarrier.arrive $0xFFFF  }
0xfc: {  	[sflag:s0] =	ssyncadd.tile.s32 @!p0 $0x1;
	_ =	shalt  }
.Lfunc_end2:
_tile_overlayer_lowered:
.L_overlay_start_2:
0xfd: {  	(tag) =	ssettag $0x2  }
0xfe: {  	s0 =	rddreg [dreg:$0x0];
	s2 =	stileid.u32  }
0xff: {  	s1 =	rddreg [dreg:$0x1];
	p0 =	sne.s32 s2, $0x0  }
0x100: {  	s3 =	rddreg [dreg:$0x2];
	[bflag:$0x3] =	sbarrier.arrive $0xFFFF;
	s2 =	simm.s32 @!p0 $0x1C01  }
0x101: {  	[timem:s3], [sflag:s2] =	dma.local @!p0 [hbm:s0], s1  }
0x102: {  	s0 =	simm.s32 @!p0 $0x1  }
0x103: {  	_ =	swait.ge @!p0 [sflag:s0], s1  }
0x104: {  	s1 =	ssub.s32 @!p0 $0x0, s1;
	[sflag:s0] =	ssyncset.done @!p0 $0x0  }
0x105: {  	[sflag:s0] =	ssyncadd.s32 @!p0 s1  }
0x106: {  	[bflag:$0x3] =	sbarrier.arrive $0xFFFF  }
0x107: {  	_ =	shalt  }

</sc_bundles>
